<compile_context>
chip_gen: v7x
topology: tpu7x:2x2x1
jax: 0.10.2.dev20260603
libtpu: 0.0.44.dev20260713+nightly
codegen_flags: <defaults>
</compile_context>

<pallas_src>
import functools

import jax
import jax.numpy as jnp
from jax import lax
from jax.experimental import pallas as pl
from jax.experimental.pallas import tpu as pltpu
from jax.experimental.pallas import tpu_sc as plsc

NSEG = 10000
N = 320000
D = 128

_NC = 2
_CHUNK = N // _NC

_G = 64
_HG = _G // 2
_MASK_HI = -65536
_MASK_LO = 0xFFFF


_MM_BLK = 16000


def _mm_body(x_ref, w_ref, b_ref, y_ref):
    y = lax.dot_general(
        x_ref[...].astype(jnp.bfloat16), w_ref[...].astype(jnp.bfloat16),
        (((1,), (1,)), ((), ())),
        preferred_element_type=jnp.float32)
    y = jnp.maximum(y + b_ref[...], 0.0)
    bits = lax.bitcast_convert_type(
        y.astype(jnp.bfloat16).astype(jnp.float32), jnp.int32)
    z = bits.reshape(_MM_BLK // _G, _G, D)
    a = z[:, :_HG, :]
    b = z[:, _HG:, :]
    w = ((a >> 16) & _MASK_LO) | (b & _MASK_HI)
    y_ref[...] = w.reshape(_MM_BLK // 2, D)


def _matmul_relu_chunk(x, W, b2d, k):
    nblk = _CHUNK // _MM_BLK
    return pl.pallas_call(
        _mm_body,
        grid=(nblk,),
        in_specs=[
            pl.BlockSpec((_MM_BLK, D), lambda i, k=k, nblk=nblk: (i + k * nblk, 0)),
            pl.BlockSpec((D, D), lambda i: (0, 0)),
            pl.BlockSpec((1, D), lambda i: (0, 0)),
        ],
        out_specs=pl.BlockSpec((_MM_BLK // 2, D), lambda i: (i, 0)),
        out_shape=jax.ShapeDtypeStruct((_CHUNK // 2, D), jnp.int32),
    )(x, W, b2d)



_NGR = _CHUNK // _G
_NW = 32
_GPW = _NGR // _NW
_REM = _NGR - _GPW * _NW
_GPAD = -(-(_GPW + 1) // 8) * 8
_FL = 624

assert _GPW % 2 == 0


def _unpack(src, dst):
    def row_body(r, carry):
        for j in range(D // 16):
            v = src[r, pl.ds(16 * j, 16)]
            lo = lax.bitcast_convert_type(v << 16, jnp.float32)
            hi = lax.bitcast_convert_type(v & _MASK_HI, jnp.float32)
            dst[r, pl.ds(16 * j, 16)] = lo
            dst[r + _HG, pl.ds(16 * j, 16)] = hi
        return carry
    lax.fori_loop(0, _HG, row_body, 0)


def _segsum_body(y_hbm, idx_hbm, zeros_hbm, out_hbm,
                 idx_v, pa, pb, fa, fb, acc, sla, slb, ssa, ssb):
    c = lax.axis_index("c")
    s = lax.axis_index("s")
    wid = c * 16 + s
    g0 = wid * _GPW + jnp.minimum(wid, _REM)
    has_extra = wid < _REM

    def load(g, buf, sem):
        return pltpu.async_copy(y_hbm.at[pl.ds((g0 + g) * _HG, _HG)], buf, sem)

    def wait_load(buf, sem):
        pltpu.make_async_copy(y_hbm.at[pl.ds(0, _HG)], buf, sem).wait()

    def scat(g, buf, sem):
        return pltpu.async_copy(buf, acc.at[idx_v.at[g]], sem, add=True)

    def wait_scat(g, buf, sem):
        pltpu.make_async_copy(buf, acc.at[idx_v.at[g]], sem).wait()

    pltpu.sync_copy(zeros_hbm, acc.at[pl.ds(s * _FL, _FL)])

    @pl.when(s == 15)
    def _():
        pltpu.sync_copy(zeros_hbm.at[pl.ds(0, 16)],
                        acc.at[pl.ds(16 * _FL, 16)])

    pltpu.sync_copy(idx_hbm.at[wid], idx_v)

    plsc.subcore_barrier()

    load(0, pa, sla)
    load(1, pb, slb)

    def body(k, carry):
        e = 2 * k
        o = 2 * k + 1
        wait_load(pa, sla)

        @pl.when(k > 0)
        def _():
            wait_scat(jnp.maximum(e - 2, 0), fa, ssa)

        _unpack(pa, fa)

        @pl.when(e + 2 < _GPW)
        def _():
            load(e + 2, pa, sla)

        scat(e, fa, ssa)

        wait_load(pb, slb)

        @pl.when(k > 0)
        def _():
            wait_scat(jnp.maximum(o - 2, 1), fb, ssb)

        _unpack(pb, fb)

        @pl.when(o + 2 < _GPW)
        def _():
            load(o + 2, pb, slb)

        scat(o, fb, ssb)
        return carry

    lax.fori_loop(0, _GPW // 2, body, 0)

    wait_scat(_GPW - 2, fa, ssa)
    wait_scat(_GPW - 1, fb, ssb)

    @pl.when(has_extra)
    def _():
        pltpu.sync_copy(y_hbm.at[pl.ds((g0 + _GPW) * _HG, _HG)], pb)
        _unpack(pb, fb)
        pltpu.sync_copy(fb, acc.at[idx_v.at[_GPW]], add=True)

    plsc.subcore_barrier()

    pltpu.sync_copy(acc.at[pl.ds(s * _FL, _FL)],
                    out_hbm.at[pl.ds(c * NSEG + s * _FL, _FL)])

    @pl.when(s == 15)
    def _():
        pltpu.sync_copy(acc.at[pl.ds(16 * _FL, 16)],
                        out_hbm.at[pl.ds(c * NSEG + 16 * _FL, 16)])


_segsum = functools.partial(
    pl.kernel,
    out_type=jax.ShapeDtypeStruct((2 * NSEG, D), jnp.float32),
    mesh=plsc.VectorSubcoreMesh(core_axis_name="c", subcore_axis_name="s"),
    scratch_types=[
        pltpu.VMEM((_GPAD, _G), jnp.int32),
        pltpu.VMEM((_HG, D), jnp.int32),
        pltpu.VMEM((_HG, D), jnp.int32),
        pltpu.VMEM((_G, D), jnp.float32),
        pltpu.VMEM((_G, D), jnp.float32),
        pltpu.VMEM_SHARED((NSEG, D), jnp.float32),
        pltpu.SemaphoreType.DMA,
        pltpu.SemaphoreType.DMA,
        pltpu.SemaphoreType.DMA,
        pltpu.SemaphoreType.DMA,
    ],
)(_segsum_body)



_FIN_BLK = 2000


def _fin_body(*refs):
    in_refs, o_ref = refs[:-1], refs[-1]
    acc = in_refs[0][...]
    for r in in_refs[1:]:
        acc = acc + r[...]
    r = jnp.maximum(acc, 0.0)
    m = jnp.max(r, axis=1, keepdims=True)
    o_ref[...] = r / m


def _finalize(partials):
    nblk = NSEG // _FIN_BLK
    in_specs = []
    args = []
    for p in partials:
        in_specs.append(pl.BlockSpec((_FIN_BLK, D), lambda i: (i, 0)))
        in_specs.append(
            pl.BlockSpec((_FIN_BLK, D), lambda i, nblk=nblk: (i + nblk, 0)))
        args += [p, p]
    return pl.pallas_call(
        _fin_body,
        grid=(nblk,),
        in_specs=in_specs,
        out_specs=pl.BlockSpec((_FIN_BLK, D), lambda i: (i, 0)),
        out_shape=jax.ShapeDtypeStruct((NSEG, D), jnp.float32),
    )(*args)


def kernel(x, batch, W, b):
    idx2d = batch.astype(jnp.int32).reshape(N // _G, _G)
    idx2d_pad = jnp.concatenate(
        [idx2d, jnp.zeros((_GPAD, _G), jnp.int32)], axis=0)
    zeros = jnp.zeros((_FL, D), jnp.float32)
    b2d = b.reshape(1, D)

    partials = []
    for k in range(_NC):
        y_k = _matmul_relu_chunk(x, W, b2d, k)
        base = k * _NGR
        idx_w = jnp.stack([
            lax.dynamic_slice_in_dim(
                idx2d_pad, base + w * _GPW + min(w, _REM), _GPAD)
            for w in range(_NW)
        ])
        partials.append(_segsum(y_k, idx_w, zeros))
    return _finalize(partials)

# --- scband reference (transcript-rebuilt; emitter-appended) ---
"""Pipeline reference for scband-atom-embedding-and-sum-last-layer-50525995270405 (READ-ONLY COPY).

The authoritative reference and input builder live on the scoring server;
editing this copy changes nothing except your own understanding.
"""

import jax, jax.numpy as jnp
import numpy as np

NUM_SEGMENTS = 10000
N = 320000
D_IN = 128
D_OUT = 128

def setup_inputs(seed: int = 0) -> dict:
    key = jax.random.key(seed)
    k1, k2, k3, k4 = jax.random.split(key, 4)
    x = jax.random.normal(k1, (N, D_IN), dtype=jnp.float32)
    batch = jnp.sort(jax.random.randint(k2, (N,), 0, NUM_SEGMENTS)).astype(jnp.int64)
    W = jax.random.normal(k3, (D_OUT, D_IN), dtype=jnp.float32) * 0.05
    b = jax.random.normal(k4, (D_OUT,), dtype=jnp.float32) * 0.05
    return {"x": x, "batch": batch, "W": W, "b": b}

def reference(x, batch, W, b):
    # self.linear(x)
    out = x @ W.T + b
    # self.relu
    out = jax.nn.relu(out)
    # self.model(output) -- model is Identity in this configuration
    # torch_scatter.scatter_add(output, batch, dim=0)
    out = jax.ops.segment_sum(out, batch, num_segments=NUM_SEGMENTS)
    # self.relu
    out = jax.nn.relu(out)
    # torch.max(output, axis=1); div by maxima
    maxima = jnp.max(out, axis=1)
    out = out / maxima[:, None]
    return out

if __name__ == "__main__":
    import jax
    _d = setup_inputs()
    print(jax.jit(kernel)(*tuple(_d.values())))

</pallas_src>

<mosaic_0001>
#map = affine_map<(d0, d1) -> (0, 0)>
#map1 = affine_map<(d0, d1) -> (0, 0, 0)>
module attributes {stable_mosaic.version = 14 : i64} {
  func.func @_segsum_body(%arg0: i32, %arg1: i32, %arg2: memref<80000x128xi32, #tpu.memory_space<hbm>>, %arg3: memref<32x80x64xi32, #tpu.memory_space<hbm>>, %arg4: memref<624x128xf32, #tpu.memory_space<hbm>>, %arg5: memref<20000x128xf32, #tpu.memory_space<hbm>>, %arg6: memref<80x64xi32, #tpu.memory_space<vmem>>, %arg7: memref<32x128xi32, #tpu.memory_space<vmem>>, %arg8: memref<32x128xi32, #tpu.memory_space<vmem>>, %arg9: memref<64x128xf32, #tpu.memory_space<vmem>>, %arg10: memref<64x128xf32, #tpu.memory_space<vmem>>, %arg11: memref<10000x128xf32, #tpu.memory_space<vmem_shared>>, %arg12: memref<!tpu.dma_semaphore, #tpu.memory_space<semaphore_mem>>, %arg13: memref<!tpu.dma_semaphore, #tpu.memory_space<semaphore_mem>>, %arg14: memref<!tpu.dma_semaphore, #tpu.memory_space<semaphore_mem>>, %arg15: memref<!tpu.dma_semaphore, #tpu.memory_space<semaphore_mem>>) attributes {dimension_semantics = [#tpu.dimension_semantics<core_parallel>, #tpu.dimension_semantics<subcore_parallel>], iteration_bounds = array<i64: 2, 16>, scalar_prefetch = 0 : i64, scratch_operands = 10 : i64, tpu.core_type = #tpu.core_type<sc_vector_subcore>, window_params = [{transform_indices = #map}, {transform_indices = #map1}, {transform_indices = #map}, {transform_indices = #map}]} {
    %mul3A = arith.constant 16 : i32
    %mul3A_0 = arith.muli %arg0, %mul3A : i32
    %add3A = arith.addi %mul3A_0, %arg1 : i32
    %mul3A_1 = arith.constant 78 : i32
    %mul3A_2 = arith.muli %add3A, %mul3A_1 : i32
    %min3A = arith.constant 4 : i32
    %min3A_3 = arith.minsi %add3A, %min3A : i32
    %add3A_4 = arith.addi %mul3A_2, %min3A_3 : i32
    %lt3A = arith.constant 4 : i32
    %lt3A_5 = arith.cmpi slt, %add3A, %lt3A : i32
    %mul3A_6 = arith.constant 624 : i32
    %mul3A_7 = arith.muli %arg1, %mul3A_6 : i32
    "tpu.region"() ({
      %run_scoped3A = tpu.sem_alloc : memref<!tpu.dma_semaphore, #tpu.memory_space<semaphore_mem>>
      %dma_start3A_59 = arith.constant 0 : i32
      %dma_start3A_60 = tpu.memref_slice %arg11[%mul3A_7, %dma_start3A_59] : memref<10000x128xf32, #tpu.memory_space<vmem_shared>> -> memref<624x128xf32, #tpu.memory_space<vmem_shared>>
      tpu.enqueue_dma source(%arg4 : memref<624x128xf32, #tpu.memory_space<hbm>>) target(%dma_start3A_60 : memref<624x128xf32, #tpu.memory_space<vmem_shared>>) target_semaphore(%run_scoped3A : memref<!tpu.dma_semaphore, #tpu.memory_space<semaphore_mem>>)
      %dma_wait3A_61 = arith.constant 0 : i32
      %dma_wait3A_62 = tpu.memref_slice %arg11[%mul3A_7, %dma_wait3A_61] : memref<10000x128xf32, #tpu.memory_space<vmem_shared>> -> memref<624x128xf32, #tpu.memory_space<vmem_shared>>
      tpu.wait_dma2 semaphore(%run_scoped3A : memref<!tpu.dma_semaphore, #tpu.memory_space<semaphore_mem>>) src(%arg4 : memref<624x128xf32, #tpu.memory_space<hbm>>) dst(%dma_wait3A_62 : memref<624x128xf32, #tpu.memory_space<vmem_shared>>)
      tpu.yield
    }) : () -> ()
    %eq3A = arith.constant 15 : i32
    %eq3A_8 = arith.cmpi eq, %arg1, %eq3A : i32
    %convert_element_type3A = arith.extui %eq3A_8 : i1 to i32
    %cond3A = arith.constant 0 : i32
    %cond3A_9 = arith.cmpi ne, %convert_element_type3A, %cond3A : i32
    scf.if %cond3A_9 {
      "tpu.region"() ({
        %run_scoped3A = tpu.sem_alloc : memref<!tpu.dma_semaphore, #tpu.memory_space<semaphore_mem>>
        %dma_start3A_59 = arith.constant 9984 : i32
        %dma_start3A_60 = arith.constant 0 : i32
        %dma_start3A_61 = tpu.memref_slice %arg11[%dma_start3A_59, %dma_start3A_60] : memref<10000x128xf32, #tpu.memory_space<vmem_shared>> -> memref<16x128xf32, #tpu.memory_space<vmem_shared>>
        %dma_start3A_62 = arith.constant 0 : i32
        %dma_start3A_63 = arith.constant 0 : i32
        %dma_start3A_64 = tpu.memref_slice %arg4[%dma_start3A_62, %dma_start3A_63] : memref<624x128xf32, #tpu.memory_space<hbm>> -> memref<16x128xf32, #tpu.memory_space<hbm>>
        tpu.enqueue_dma source(%dma_start3A_64 : memref<16x128xf32, #tpu.memory_space<hbm>>) target(%dma_start3A_61 : memref<16x128xf32, #tpu.memory_space<vmem_shared>>) target_semaphore(%run_scoped3A : memref<!tpu.dma_semaphore, #tpu.memory_space<semaphore_mem>>)
        %dma_wait3A_65 = arith.constant 9984 : i32
        %dma_wait3A_66 = arith.constant 0 : i32
        %dma_wait3A_67 = tpu.memref_slice %arg11[%dma_wait3A_65, %dma_wait3A_66] : memref<10000x128xf32, #tpu.memory_space<vmem_shared>> -> memref<16x128xf32, #tpu.memory_space<vmem_shared>>
        %dma_wait3A_68 = arith.constant 0 : i32
        %dma_wait3A_69 = arith.constant 0 : i32
        %dma_wait3A_70 = tpu.memref_slice %arg4[%dma_wait3A_68, %dma_wait3A_69] : memref<624x128xf32, #tpu.memory_space<hbm>> -> memref<16x128xf32, #tpu.memory_space<hbm>>
        tpu.wait_dma2 semaphore(%run_scoped3A : memref<!tpu.dma_semaphore, #tpu.memory_space<semaphore_mem>>) src(%dma_wait3A_70 : memref<16x128xf32, #tpu.memory_space<hbm>>) dst(%dma_wait3A_67 : memref<16x128xf32, #tpu.memory_space<vmem_shared>>)
        tpu.yield
      }) : () -> ()
    } else {
    }
    "tpu.region"() ({
      %run_scoped3A = tpu.sem_alloc : memref<!tpu.dma_semaphore, #tpu.memory_space<semaphore_mem>>
      %dma_start3A_59 = arith.constant 0 : i32
      %dma_start3A_60 = arith.constant 0 : i32
      %dma_start3A_61 = tpu.memref_slice %arg3[%add3A, %dma_start3A_59, %dma_start3A_60] : memref<32x80x64xi32, #tpu.memory_space<hbm>> -> memref<1x80x64xi32, #tpu.memory_space<hbm>>
      %dma_start3A_62 = tpu.memref_squeeze %dma_start3A_61 : memref<1x80x64xi32, #tpu.memory_space<hbm>> -> memref<80x64xi32, #tpu.memory_space<hbm>>
      %dma_start3A_63 = arith.constant 0 : i32
      %dma_start3A_64 = arith.constant 0 : i32
      %dma_start3A_65 = tpu.memref_slice %arg3[%add3A, %dma_start3A_63, %dma_start3A_64] : memref<32x80x64xi32, #tpu.memory_space<hbm>> -> memref<1x80x64xi32, #tpu.memory_space<hbm>>
      %dma_start3A_66 = tpu.memref_squeeze %dma_start3A_65 : memref<1x80x64xi32, #tpu.memory_space<hbm>> -> memref<80x64xi32, #tpu.memory_space<hbm>>
      tpu.enqueue_dma source(%dma_start3A_66 : memref<80x64xi32, #tpu.memory_space<hbm>>) target(%arg6 : memref<80x64xi32, #tpu.memory_space<vmem>>) target_semaphore(%run_scoped3A : memref<!tpu.dma_semaphore, #tpu.memory_space<semaphore_mem>>)
      %dma_wait3A_67 = arith.constant 0 : i32
      %dma_wait3A_68 = arith.constant 0 : i32
      %dma_wait3A_69 = tpu.memref_slice %arg3[%add3A, %dma_wait3A_67, %dma_wait3A_68] : memref<32x80x64xi32, #tpu.memory_space<hbm>> -> memref<1x80x64xi32, #tpu.memory_space<hbm>>
      %dma_wait3A_70 = tpu.memref_squeeze %dma_wait3A_69 : memref<1x80x64xi32, #tpu.memory_space<hbm>> -> memref<80x64xi32, #tpu.memory_space<hbm>>
      %dma_wait3A_71 = arith.constant 0 : i32
      %dma_wait3A_72 = arith.constant 0 : i32
      %dma_wait3A_73 = tpu.memref_slice %arg3[%add3A, %dma_wait3A_71, %dma_wait3A_72] : memref<32x80x64xi32, #tpu.memory_space<hbm>> -> memref<1x80x64xi32, #tpu.memory_space<hbm>>
      %dma_wait3A_74 = tpu.memref_squeeze %dma_wait3A_73 : memref<1x80x64xi32, #tpu.memory_space<hbm>> -> memref<80x64xi32, #tpu.memory_space<hbm>>
      tpu.wait_dma2 semaphore(%run_scoped3A : memref<!tpu.dma_semaphore, #tpu.memory_space<semaphore_mem>>) src(%dma_wait3A_74 : memref<80x64xi32, #tpu.memory_space<hbm>>) dst(%arg6 : memref<80x64xi32, #tpu.memory_space<vmem>>)
      tpu.yield
    }) : () -> ()
    %barrier3A = arith.constant 0 : index
    tpu.barrier barrier_id(%barrier3A)
    %add3A_10 = arith.constant 0 : i32
    %add3A_11 = arith.addi %add3A_4, %add3A_10 : i32
    %mul3A_12 = arith.constant 32 : i32
    %mul3A_13 = arith.muli %add3A_11, %mul3A_12 : i32
    %dma_start3A = arith.constant 0 : i32
    %dma_start3A_14 = tpu.memref_slice %arg2[%mul3A_13, %dma_start3A] : memref<80000x128xi32, #tpu.memory_space<hbm>> -> memref<32x128xi32, #tpu.memory_space<hbm>>
    %dma_start3A_15 = arith.constant 0 : i32
    %dma_start3A_16 = tpu.memref_slice %arg2[%mul3A_13, %dma_start3A_15] : memref<80000x128xi32, #tpu.memory_space<hbm>> -> memref<32x128xi32, #tpu.memory_space<hbm>>
    tpu.enqueue_dma source(%dma_start3A_16 : memref<32x128xi32, #tpu.memory_space<hbm>>) target(%arg7 : memref<32x128xi32, #tpu.memory_space<vmem>>) target_semaphore(%arg12 : memref<!tpu.dma_semaphore, #tpu.memory_space<semaphore_mem>>)
    %add3A_17 = arith.constant 1 : i32
    %add3A_18 = arith.addi %add3A_4, %add3A_17 : i32
    %mul3A_19 = arith.constant 32 : i32
    %mul3A_20 = arith.muli %add3A_18, %mul3A_19 : i32
    %dma_start3A_21 = arith.constant 0 : i32
    %dma_start3A_22 = tpu.memref_slice %arg2[%mul3A_20, %dma_start3A_21] : memref<80000x128xi32, #tpu.memory_space<hbm>> -> memref<32x128xi32, #tpu.memory_space<hbm>>
    %dma_start3A_23 = arith.constant 0 : i32
    %dma_start3A_24 = tpu.memref_slice %arg2[%mul3A_20, %dma_start3A_23] : memref<80000x128xi32, #tpu.memory_space<hbm>> -> memref<32x128xi32, #tpu.memory_space<hbm>>
    tpu.enqueue_dma source(%dma_start3A_24 : memref<32x128xi32, #tpu.memory_space<hbm>>) target(%arg8 : memref<32x128xi32, #tpu.memory_space<vmem>>) target_semaphore(%arg13 : memref<!tpu.dma_semaphore, #tpu.memory_space<semaphore_mem>>)
    %scan3A = arith.constant 0 : i32
    %scan3A_25 = arith.constant 0 : i32
    %scan3A_26 = arith.constant 39 : i32
    %scan3A_27 = arith.addi %scan3A_25, %scan3A_26 : i32
    %scan3A_28 = arith.constant 1 : i32
    scf.for %scan3A_59 = %scan3A_25 to %scan3A_27 step %scan3A_28  : i32 {
      %mul3A_60 = arith.constant 2 : i32
      %mul3A_61 = arith.muli %mul3A_60, %scan3A_59 : i32
      %mul3A_62 = arith.constant 2 : i32
      %mul3A_63 = arith.muli %mul3A_62, %scan3A_59 : i32
      %add3A_64 = arith.constant 1 : i32
      %add3A_65 = arith.addi %mul3A_63, %add3A_64 : i32
      %dma_wait3A_66 = arith.constant 0 : i32
      %dma_wait3A_67 = arith.constant 0 : i32
      %dma_wait3A_68 = tpu.memref_slice %arg2[%dma_wait3A_66, %dma_wait3A_67] : memref<80000x128xi32, #tpu.memory_space<hbm>> -> memref<32x128xi32, #tpu.memory_space<hbm>>
      %dma_wait3A_69 = arith.constant 0 : i32
      %dma_wait3A_70 = arith.constant 0 : i32
      %dma_wait3A_71 = tpu.memref_slice %arg2[%dma_wait3A_69, %dma_wait3A_70] : memref<80000x128xi32, #tpu.memory_space<hbm>> -> memref<32x128xi32, #tpu.memory_space<hbm>>
      tpu.wait_dma2 semaphore(%arg12 : memref<!tpu.dma_semaphore, #tpu.memory_space<semaphore_mem>>) src(%dma_wait3A_71 : memref<32x128xi32, #tpu.memory_space<hbm>>) dst(%arg7 : memref<32x128xi32, #tpu.memory_space<vmem>>)
      %gt3A = arith.constant 0 : i32
      %gt3A_72 = arith.cmpi sgt, %scan3A_59, %gt3A : i32
      %convert_element_type3A_73 = arith.extui %gt3A_72 : i1 to i32
      %cond3A_74 = arith.constant 0 : i32
      %cond3A_75 = arith.cmpi ne, %convert_element_type3A_73, %cond3A_74 : i32
      scf.if %cond3A_75 {
        %sub3A = arith.constant 2 : i32
        %sub3A_125 = arith.subi %mul3A_61, %sub3A : i32
        %max3A = arith.constant 0 : i32
        %max3A_126 = arith.maxsi %sub3A_125, %max3A : i32
        %dma_wait3A_127 = arith.constant 0 : i32
        %dma_wait3A_128 = tpu.memref_slice %arg6[%max3A_126, %dma_wait3A_127] : memref<80x64xi32, #tpu.memory_space<vmem>> -> memref<1x64xi32, #tpu.memory_space<vmem>>
        %dma_wait3A_129 = tpu.memref_squeeze %dma_wait3A_128 : memref<1x64xi32, #tpu.memory_space<vmem>> -> memref<64xi32, #tpu.memory_space<vmem>>
        %dma_wait3A_130 = arith.constant 0 : i32
        %dma_wait3A_131 = arith.constant 0 : i32
        %dma_wait3A_132 = tpu.memref_slice %arg11[%dma_wait3A_130, %dma_wait3A_131] : memref<10000x128xf32, #tpu.memory_space<vmem_shared>> -> memref<10000x128xf32, #tpu.memory_space<vmem_shared>>
        tpu.wait_indirect_dma semaphore(%arg14 : memref<!tpu.dma_semaphore, #tpu.memory_space<semaphore_mem>>) src(%arg9 : memref<64x128xf32, #tpu.memory_space<vmem>>) dst(%dma_wait3A_132 : memref<10000x128xf32, #tpu.memory_space<vmem_shared>>)
      } else {
      }
      %scan3A_76 = arith.constant 0 : i32
      %scan3A_77 = arith.constant 0 : i32
      %scan3A_78 = arith.constant 32 : i32
      %scan3A_79 = arith.addi %scan3A_77, %scan3A_78 : i32
      %scan3A_80 = arith.constant 1 : i32
      scf.for %scan3A_125 = %scan3A_77 to %scan3A_79 step %scan3A_80  : i32 {
        %get3A = arith.index_cast %scan3A_125 : i32 to index
        %get3A_126 = arith.constant 0 : index
        %get3A_127 = tpu.vector_load %arg7[%get3A, %get3A_126] {strides = array<i32>} : memref<32x128xi32, #tpu.memory_space<vmem>>, vector<1x16xi32>,
        %get3A_128 = vector.shape_cast %get3A_127 : vector<1x16xi32> to vector<16xi32>
        %shift_left3A = arith.constant 16 : i32
        %shift_left3A_129 = vector.broadcast %shift_left3A : i32 to vector<16xi32>
        %shift_left3A_130 = arith.shli %get3A_128, %shift_left3A_129 : vector<16xi32>
        %bitcast_convert_type3A = tpu.bitcast %shift_left3A_130 : vector<16xi32> -> vector<16xf32>
        %and3A = arith.constant -65536 : i32
        %and3A_131 = vector.broadcast %and3A : i32 to vector<16xi32>
        %and3A_132 = arith.andi %get3A_128, %and3A_131 : vector<16xi32>
        %bitcast_convert_type3A_133 = tpu.bitcast %and3A_132 : vector<16xi32> -> vector<16xf32>
        %swap3A = arith.index_cast %scan3A_125 : i32 to index
        %swap3A_134 = arith.constant 0 : index
        %swap3A_135 = tpu.vector_load %arg9[%swap3A, %swap3A_134] {strides = array<i32>} : memref<64x128xf32, #tpu.memory_space<vmem>>, vector<1x16xf32>,
        %swap3A_136 = vector.shape_cast %swap3A_135 : vector<1x16xf32> to vector<16xf32>
        %swap3A_137 = vector.shape_cast %bitcast_convert_type3A : vector<16xf32> to vector<1x16xf32>
        tpu.vector_store %arg9[%swap3A, %swap3A_134], %swap3A_137 {strides = array<i32>} : memref<64x128xf32, #tpu.memory_space<vmem>>, vector<1x16xf32>,
        %add3A_138 = arith.constant 32 : i32
        %add3A_139 = arith.addi %scan3A_125, %add3A_138 : i32
        %swap3A_140 = arith.index_cast %add3A_139 : i32 to index
        %swap3A_141 = arith.constant 0 : index
        %swap3A_142 = tpu.vector_load %arg9[%swap3A_140, %swap3A_141] {strides = array<i32>} : memref<64x128xf32, #tpu.memory_space<vmem>>, vector<1x16xf32>,
        %swap3A_143 = vector.shape_cast %swap3A_142 : vector<1x16xf32> to vector<16xf32>
        %swap3A_144 = vector.shape_cast %bitcast_convert_type3A_133 : vector<16xf32> to vector<1x16xf32>
        tpu.vector_store %arg9[%swap3A_140, %swap3A_141], %swap3A_144 {strides = array<i32>} : memref<64x128xf32, #tpu.memory_space<vmem>>, vector<1x16xf32>,
        %get3A_145 = arith.index_cast %scan3A_125 : i32 to index
        %get3A_146 = arith.constant 16 : index
        %get3A_147 = tpu.vector_load %arg7[%get3A_145, %get3A_146] {strides = array<i32>} : memref<32x128xi32, #tpu.memory_space<vmem>>, vector<1x16xi32>,
        %get3A_148 = vector.shape_cast %get3A_147 : vector<1x16xi32> to vector<16xi32>
        %shift_left3A_149 = arith.constant 16 : i32
        %shift_left3A_150 = vector.broadcast %shift_left3A_149 : i32 to vector<16xi32>
        %shift_left3A_151 = arith.shli %get3A_148, %shift_left3A_150 : vector<16xi32>
        %bitcast_convert_type3A_152 = tpu.bitcast %shift_left3A_151 : vector<16xi32> -> vector<16xf32>
        %and3A_153 = arith.constant -65536 : i32
        %and3A_154 = vector.broadcast %and3A_153 : i32 to vector<16xi32>
        %and3A_155 = arith.andi %get3A_148, %and3A_154 : vector<16xi32>
        %bitcast_convert_type3A_156 = tpu.bitcast %and3A_155 : vector<16xi32> -> vector<16xf32>
        %swap3A_157 = arith.index_cast %scan3A_125 : i32 to index
        %swap3A_158 = arith.constant 16 : index
        %swap3A_159 = tpu.vector_load %arg9[%swap3A_157, %swap3A_158] {strides = array<i32>} : memref<64x128xf32, #tpu.memory_space<vmem>>, vector<1x16xf32>,
        %swap3A_160 = vector.shape_cast %swap3A_159 : vector<1x16xf32> to vector<16xf32>
        %swap3A_161 = vector.shape_cast %bitcast_convert_type3A_152 : vector<16xf32> to vector<1x16xf32>
        tpu.vector_store %arg9[%swap3A_157, %swap3A_158], %swap3A_161 {strides = array<i32>} : memref<64x128xf32, #tpu.memory_space<vmem>>, vector<1x16xf32>,
        %add3A_162 = arith.constant 32 : i32
        %add3A_163 = arith.addi %scan3A_125, %add3A_162 : i32
        %swap3A_164 = arith.index_cast %add3A_163 : i32 to index
        %swap3A_165 = arith.constant 16 : index
        %swap3A_166 = tpu.vector_load %arg9[%swap3A_164, %swap3A_165] {strides = array<i32>} : memref<64x128xf32, #tpu.memory_space<vmem>>, vector<1x16xf32>,
        %swap3A_167 = vector.shape_cast %swap3A_166 : vector<1x16xf32> to vector<16xf32>
        %swap3A_168 = vector.shape_cast %bitcast_convert_type3A_156 : vector<16xf32> to vector<1x16xf32>
        tpu.vector_store %arg9[%swap3A_164, %swap3A_165], %swap3A_168 {strides = array<i32>} : memref<64x128xf32, #tpu.memory_space<vmem>>, vector<1x16xf32>,
        %get3A_169 = arith.index_cast %scan3A_125 : i32 to index
        %get3A_170 = arith.constant 32 : index
        %get3A_171 = tpu.vector_load %arg7[%get3A_169, %get3A_170] {strides = array<i32>} : memref<32x128xi32, #tpu.memory_space<vmem>>, vector<1x16xi32>,
        %get3A_172 = vector.shape_cast %get3A_171 : vector<1x16xi32> to vector<16xi32>
        %shift_left3A_173 = arith.constant 16 : i32
        %shift_left3A_174 = vector.broadcast %shift_left3A_173 : i32 to vector<16xi32>
        %shift_left3A_175 = arith.shli %get3A_172, %shift_left3A_174 : vector<16xi32>
        %bitcast_convert_type3A_176 = tpu.bitcast %shift_left3A_175 : vector<16xi32> -> vector<16xf32>
        %and3A_177 = arith.constant -65536 : i32
        %and3A_178 = vector.broadcast %and3A_177 : i32 to vector<16xi32>
        %and3A_179 = arith.andi %get3A_172, %and3A_178 : vector<16xi32>
        %bitcast_convert_type3A_180 = tpu.bitcast %and3A_179 : vector<16xi32> -> vector<16xf32>
        %swap3A_181 = arith.index_cast %scan3A_125 : i32 to index
        %swap3A_182 = arith.constant 32 : index
        %swap3A_183 = tpu.vector_load %arg9[%swap3A_181, %swap3A_182] {strides = array<i32>} : memref<64x128xf32, #tpu.memory_space<vmem>>, vector<1x16xf32>,
        %swap3A_184 = vector.shape_cast %swap3A_183 : vector<1x16xf32> to vector<16xf32>
        %swap3A_185 = vector.shape_cast %bitcast_convert_type3A_176 : vector<16xf32> to vector<1x16xf32>
        tpu.vector_store %arg9[%swap3A_181, %swap3A_182], %swap3A_185 {strides = array<i32>} : memref<64x128xf32, #tpu.memory_space<vmem>>, vector<1x16xf32>,
        %add3A_186 = arith.constant 32 : i32
        %add3A_187 = arith.addi %scan3A_125, %add3A_186 : i32
        %swap3A_188 = arith.index_cast %add3A_187 : i32 to index
        %swap3A_189 = arith.constant 32 : index
        %swap3A_190 = tpu.vector_load %arg9[%swap3A_188, %swap3A_189] {strides = array<i32>} : memref<64x128xf32, #tpu.memory_space<vmem>>, vector<1x16xf32>,
        %swap3A_191 = vector.shape_cast %swap3A_190 : vector<1x16xf32> to vector<16xf32>
        %swap3A_192 = vector.shape_cast %bitcast_convert_type3A_180 : vector<16xf32> to vector<1x16xf32>
        tpu.vector_store %arg9[%swap3A_188, %swap3A_189], %swap3A_192 {strides = array<i32>} : memref<64x128xf32, #tpu.memory_space<vmem>>, vector<1x16xf32>,
        %get3A_193 = arith.index_cast %scan3A_125 : i32 to index
        %get3A_194 = arith.constant 48 : index
        %get3A_195 = tpu.vector_load %arg7[%get3A_193, %get3A_194] {strides = array<i32>} : memref<32x128xi32, #tpu.memory_space<vmem>>, vector<1x16xi32>,
        %get3A_196 = vector.shape_cast %get3A_195 : vector<1x16xi32> to vector<16xi32>
        %shift_left3A_197 = arith.constant 16 : i32
        %shift_left3A_198 = vector.broadcast %shift_left3A_197 : i32 to vector<16xi32>
        %shift_left3A_199 = arith.shli %get3A_196, %shift_left3A_198 : vector<16xi32>
        %bitcast_convert_type3A_200 = tpu.bitcast %shift_left3A_199 : vector<16xi32> -> vector<16xf32>
        %and3A_201 = arith.constant -65536 : i32
        %and3A_202 = vector.broadcast %and3A_201 : i32 to vector<16xi32>
        %and3A_203 = arith.andi %get3A_196, %and3A_202 : vector<16xi32>
        %bitcast_convert_type3A_204 = tpu.bitcast %and3A_203 : vector<16xi32> -> vector<16xf32>
        %swap3A_205 = arith.index_cast %scan3A_125 : i32 to index
        %swap3A_206 = arith.constant 48 : index
        %swap3A_207 = tpu.vector_load %arg9[%swap3A_205, %swap3A_206] {strides = array<i32>} : memref<64x128xf32, #tpu.memory_space<vmem>>, vector<1x16xf32>,
        %swap3A_208 = vector.shape_cast %swap3A_207 : vector<1x16xf32> to vector<16xf32>
        %swap3A_209 = vector.shape_cast %bitcast_convert_type3A_200 : vector<16xf32> to vector<1x16xf32>
        tpu.vector_store %arg9[%swap3A_205, %swap3A_206], %swap3A_209 {strides = array<i32>} : memref<64x128xf32, #tpu.memory_space<vmem>>, vector<1x16xf32>,
        %add3A_210 = arith.constant 32 : i32
        %add3A_211 = arith.addi %scan3A_125, %add3A_210 : i32
        %swap3A_212 = arith.index_cast %add3A_211 : i32 to index
        %swap3A_213 = arith.constant 48 : index
        %swap3A_214 = tpu.vector_load %arg9[%swap3A_212, %swap3A_213] {strides = array<i32>} : memref<64x128xf32, #tpu.memory_space<vmem>>, vector<1x16xf32>,
        %swap3A_215 = vector.shape_cast %swap3A_214 : vector<1x16xf32> to vector<16xf32>
        %swap3A_216 = vector.shape_cast %bitcast_convert_type3A_204 : vector<16xf32> to vector<1x16xf32>
        tpu.vector_store %arg9[%swap3A_212, %swap3A_213], %swap3A_216 {strides = array<i32>} : memref<64x128xf32, #tpu.memory_space<vmem>>, vector<1x16xf32>,
        %get3A_217 = arith.index_cast %scan3A_125 : i32 to index
        %get3A_218 = arith.constant 64 : index
        %get3A_219 = tpu.vector_load %arg7[%get3A_217, %get3A_218] {strides = array<i32>} : memref<32x128xi32, #tpu.memory_space<vmem>>, vector<1x16xi32>,
        %get3A_220 = vector.shape_cast %get3A_219 : vector<1x16xi32> to vector<16xi32>
        %shift_left3A_221 = arith.constant 16 : i32
        %shift_left3A_222 = vector.broadcast %shift_left3A_221 : i32 to vector<16xi32>
        %shift_left3A_223 = arith.shli %get3A_220, %shift_left3A_222 : vector<16xi32>
        %bitcast_convert_type3A_224 = tpu.bitcast %shift_left3A_223 : vector<16xi32> -> vector<16xf32>
        %and3A_225 = arith.constant -65536 : i32
        %and3A_226 = vector.broadcast %and3A_225 : i32 to vector<16xi32>
        %and3A_227 = arith.andi %get3A_220, %and3A_226 : vector<16xi32>
        %bitcast_convert_type3A_228 = tpu.bitcast %and3A_227 : vector<16xi32> -> vector<16xf32>
        %swap3A_229 = arith.index_cast %scan3A_125 : i32 to index
        %swap3A_230 = arith.constant 64 : index
        %swap3A_231 = tpu.vector_load %arg9[%swap3A_229, %swap3A_230] {strides = array<i32>} : memref<64x128xf32, #tpu.memory_space<vmem>>, vector<1x16xf32>,
        %swap3A_232 = vector.shape_cast %swap3A_231 : vector<1x16xf32> to vector<16xf32>
        %swap3A_233 = vector.shape_cast %bitcast_convert_type3A_224 : vector<16xf32> to vector<1x16xf32>
        tpu.vector_store %arg9[%swap3A_229, %swap3A_230], %swap3A_233 {strides = array<i32>} : memref<64x128xf32, #tpu.memory_space<vmem>>, vector<1x16xf32>,
        %add3A_234 = arith.constant 32 : i32
        %add3A_235 = arith.addi %scan3A_125, %add3A_234 : i32
        %swap3A_236 = arith.index_cast %add3A_235 : i32 to index
        %swap3A_237 = arith.constant 64 : index
        %swap3A_238 = tpu.vector_load %arg9[%swap3A_236, %swap3A_237] {strides = array<i32>} : memref<64x128xf32, #tpu.memory_space<vmem>>, vector<1x16xf32>,
        %swap3A_239 = vector.shape_cast %swap3A_238 : vector<1x16xf32> to vector<16xf32>
        %swap3A_240 = vector.shape_cast %bitcast_convert_type3A_228 : vector<16xf32> to vector<1x16xf32>
        tpu.vector_store %arg9[%swap3A_236, %swap3A_237], %swap3A_240 {strides = array<i32>} : memref<64x128xf32, #tpu.memory_space<vmem>>, vector<1x16xf32>,
        %get3A_241 = arith.index_cast %scan3A_125 : i32 to index
        %get3A_242 = arith.constant 80 : index
        %get3A_243 = tpu.vector_load %arg7[%get3A_241, %get3A_242] {strides = array<i32>} : memref<32x128xi32, #tpu.memory_space<vmem>>, vector<1x16xi32>,
        %get3A_244 = vector.shape_cast %get3A_243 : vector<1x16xi32> to vector<16xi32>
        %shift_left3A_245 = arith.constant 16 : i32
        %shift_left3A_246 = vector.broadcast %shift_left3A_245 : i32 to vector<16xi32>
        %shift_left3A_247 = arith.shli %get3A_244, %shift_left3A_246 : vector<16xi32>
        %bitcast_convert_type3A_248 = tpu.bitcast %shift_left3A_247 : vector<16xi32> -> vector<16xf32>
        %and3A_249 = arith.constant -65536 : i32
        %and3A_250 = vector.broadcast %and3A_249 : i32 to vector<16xi32>
        %and3A_251 = arith.andi %get3A_244, %and3A_250 : vector<16xi32>
        %bitcast_convert_type3A_252 = tpu.bitcast %and3A_251 : vector<16xi32> -> vector<16xf32>
        %swap3A_253 = arith.index_cast %scan3A_125 : i32 to index
        %swap3A_254 = arith.constant 80 : index
        %swap3A_255 = tpu.vector_load %arg9[%swap3A_253, %swap3A_254] {strides = array<i32>} : memref<64x128xf32, #tpu.memory_space<vmem>>, vector<1x16xf32>,
        %swap3A_256 = vector.shape_cast %swap3A_255 : vector<1x16xf32> to vector<16xf32>
        %swap3A_257 = vector.shape_cast %bitcast_convert_type3A_248 : vector<16xf32> to vector<1x16xf32>
        tpu.vector_store %arg9[%swap3A_253, %swap3A_254], %swap3A_257 {strides = array<i32>} : memref<64x128xf32, #tpu.memory_space<vmem>>, vector<1x16xf32>,
        %add3A_258 = arith.constant 32 : i32
        %add3A_259 = arith.addi %scan3A_125, %add3A_258 : i32
        %swap3A_260 = arith.index_cast %add3A_259 : i32 to index
        %swap3A_261 = arith.constant 80 : index
        %swap3A_262 = tpu.vector_load %arg9[%swap3A_260, %swap3A_261] {strides = array<i32>} : memref<64x128xf32, #tpu.memory_space<vmem>>, vector<1x16xf32>,
        %swap3A_263 = vector.shape_cast %swap3A_262 : vector<1x16xf32> to vector<16xf32>
        %swap3A_264 = vector.shape_cast %bitcast_convert_type3A_252 : vector<16xf32> to vector<1x16xf32>
        tpu.vector_store %arg9[%swap3A_260, %swap3A_261], %swap3A_264 {strides = array<i32>} : memref<64x128xf32, #tpu.memory_space<vmem>>, vector<1x16xf32>,
        %get3A_265 = arith.index_cast %scan3A_125 : i32 to index
        %get3A_266 = arith.constant 96 : index
        %get3A_267 = tpu.vector_load %arg7[%get3A_265, %get3A_266] {strides = array<i32>} : memref<32x128xi32, #tpu.memory_space<vmem>>, vector<1x16xi32>,
        %get3A_268 = vector.shape_cast %get3A_267 : vector<1x16xi32> to vector<16xi32>
        %shift_left3A_269 = arith.constant 16 : i32
        %shift_left3A_270 = vector.broadcast %shift_left3A_269 : i32 to vector<16xi32>
        %shift_left3A_271 = arith.shli %get3A_268, %shift_left3A_270 : vector<16xi32>
        %bitcast_convert_type3A_272 = tpu.bitcast %shift_left3A_271 : vector<16xi32> -> vector<16xf32>
        %and3A_273 = arith.constant -65536 : i32
        %and3A_274 = vector.broadcast %and3A_273 : i32 to vector<16xi32>
        %and3A_275 = arith.andi %get3A_268, %and3A_274 : vector<16xi32>
        %bitcast_convert_type3A_276 = tpu.bitcast %and3A_275 : vector<16xi32> -> vector<16xf32>
        %swap3A_277 = arith.index_cast %scan3A_125 : i32 to index
        %swap3A_278 = arith.constant 96 : index
        %swap3A_279 = tpu.vector_load %arg9[%swap3A_277, %swap3A_278] {strides = array<i32>} : memref<64x128xf32, #tpu.memory_space<vmem>>, vector<1x16xf32>,
        %swap3A_280 = vector.shape_cast %swap3A_279 : vector<1x16xf32> to vector<16xf32>
        %swap3A_281 = vector.shape_cast %bitcast_convert_type3A_272 : vector<16xf32> to vector<1x16xf32>
        tpu.vector_store %arg9[%swap3A_277, %swap3A_278], %swap3A_281 {strides = array<i32>} : memref<64x128xf32, #tpu.memory_space<vmem>>, vector<1x16xf32>,
        %add3A_282 = arith.constant 32 : i32
        %add3A_283 = arith.addi %scan3A_125, %add3A_282 : i32
        %swap3A_284 = arith.index_cast %add3A_283 : i32 to index
        %swap3A_285 = arith.constant 96 : index
        %swap3A_286 = tpu.vector_load %arg9[%swap3A_284, %swap3A_285] {strides = array<i32>} : memref<64x128xf32, #tpu.memory_space<vmem>>, vector<1x16xf32>,
        %swap3A_287 = vector.shape_cast %swap3A_286 : vector<1x16xf32> to vector<16xf32>
        %swap3A_288 = vector.shape_cast %bitcast_convert_type3A_276 : vector<16xf32> to vector<1x16xf32>
        tpu.vector_store %arg9[%swap3A_284, %swap3A_285], %swap3A_288 {strides = array<i32>} : memref<64x128xf32, #tpu.memory_space<vmem>>, vector<1x16xf32>,
        %get3A_289 = arith.index_cast %scan3A_125 : i32 to index
        %get3A_290 = arith.constant 112 : index
        %get3A_291 = tpu.vector_load %arg7[%get3A_289, %get3A_290] {strides = array<i32>} : memref<32x128xi32, #tpu.memory_space<vmem>>, vector<1x16xi32>,
        %get3A_292 = vector.shape_cast %get3A_291 : vector<1x16xi32> to vector<16xi32>
        %shift_left3A_293 = arith.constant 16 : i32
        %shift_left3A_294 = vector.broadcast %shift_left3A_293 : i32 to vector<16xi32>
        %shift_left3A_295 = arith.shli %get3A_292, %shift_left3A_294 : vector<16xi32>
        %bitcast_convert_type3A_296 = tpu.bitcast %shift_left3A_295 : vector<16xi32> -> vector<16xf32>
        %and3A_297 = arith.constant -65536 : i32
        %and3A_298 = vector.broadcast %and3A_297 : i32 to vector<16xi32>
        %and3A_299 = arith.andi %get3A_292, %and3A_298 : vector<16xi32>
        %bitcast_convert_type3A_300 = tpu.bitcast %and3A_299 : vector<16xi32> -> vector<16xf32>
        %swap3A_301 = arith.index_cast %scan3A_125 : i32 to index
        %swap3A_302 = arith.constant 112 : index
        %swap3A_303 = tpu.vector_load %arg9[%swap3A_301, %swap3A_302] {strides = array<i32>} : memref<64x128xf32, #tpu.memory_space<vmem>>, vector<1x16xf32>,
        %swap3A_304 = vector.shape_cast %swap3A_303 : vector<1x16xf32> to vector<16xf32>
        %swap3A_305 = vector.shape_cast %bitcast_convert_type3A_296 : vector<16xf32> to vector<1x16xf32>
        tpu.vector_store %arg9[%swap3A_301, %swap3A_302], %swap3A_305 {strides = array<i32>} : memref<64x128xf32, #tpu.memory_space<vmem>>, vector<1x16xf32>,
        %add3A_306 = arith.constant 32 : i32
        %add3A_307 = arith.addi %scan3A_125, %add3A_306 : i32
        %swap3A_308 = arith.index_cast %add3A_307 : i32 to index
        %swap3A_309 = arith.constant 112 : index
        %swap3A_310 = tpu.vector_load %arg9[%swap3A_308, %swap3A_309] {strides = array<i32>} : memref<64x128xf32, #tpu.memory_space<vmem>>, vector<1x16xf32>,
        %swap3A_311 = vector.shape_cast %swap3A_310 : vector<1x16xf32> to vector<16xf32>
        %swap3A_312 = vector.shape_cast %bitcast_convert_type3A_300 : vector<16xf32> to vector<1x16xf32>
        tpu.vector_store %arg9[%swap3A_308, %swap3A_309], %swap3A_312 {strides = array<i32>} : memref<64x128xf32, #tpu.memory_space<vmem>>, vector<1x16xf32>,
      }
      %scan3A_81 = arith.constant 32 : i32
      %add3A_82 = arith.constant 2 : i32
      %add3A_83 = arith.addi %mul3A_61, %add3A_82 : i32
      %lt3A_84 = arith.constant 78 : i32
      %lt3A_85 = arith.cmpi slt, %add3A_83, %lt3A_84 : i32
      %convert_element_type3A_86 = arith.extui %lt3A_85 : i1 to i32
      %cond3A_87 = arith.constant 0 : i32
      %cond3A_88 = arith.cmpi ne, %convert_element_type3A_86, %cond3A_87 : i32
      scf.if %cond3A_88 {
        %add3A_125 = arith.constant 2 : i32
        %add3A_126 = arith.addi %mul3A_61, %add3A_125 : i32
        %add3A_127 = arith.addi %add3A_4, %add3A_126 : i32
        %mul3A_128 = arith.constant 32 : i32
        %mul3A_129 = arith.muli %add3A_127, %mul3A_128 : i32
        %dma_start3A_130 = arith.constant 0 : i32
        %dma_start3A_131 = tpu.memref_slice %arg2[%mul3A_129, %dma_start3A_130] : memref<80000x128xi32, #tpu.memory_space<hbm>> -> memref<32x128xi32, #tpu.memory_space<hbm>>
        %dma_start3A_132 = arith.constant 0 : i32
        %dma_start3A_133 = tpu.memref_slice %arg2[%mul3A_129, %dma_start3A_132] : memref<80000x128xi32, #tpu.memory_space<hbm>> -> memref<32x128xi32, #tpu.memory_space<hbm>>
        tpu.enqueue_dma source(%dma_start3A_133 : memref<32x128xi32, #tpu.memory_space<hbm>>) target(%arg7 : memref<32x128xi32, #tpu.memory_space<vmem>>) target_semaphore(%arg12 : memref<!tpu.dma_semaphore, #tpu.memory_space<semaphore_mem>>)
      } else {
      }
      %dma_start3A_89 = arith.constant 0 : i32
      %dma_start3A_90 = tpu.memref_slice %arg6[%mul3A_61, %dma_start3A_89] : memref<80x64xi32, #tpu.memory_space<vmem>> -> memref<1x64xi32, #tpu.memory_space<vmem>>
      %dma_start3A_91 = tpu.memref_squeeze %dma_start3A_90 : memref<1x64xi32, #tpu.memory_space<vmem>> -> memref<64xi32, #tpu.memory_space<vmem>>
      %dma_start3A_92 = arith.constant 0 : i32
      %dma_start3A_93 = arith.constant 0 : i32
      %dma_start3A_94 = tpu.memref_slice %arg11[%dma_start3A_92, %dma_start3A_93] : memref<10000x128xf32, #tpu.memory_space<vmem_shared>> -> memref<10000x128xf32, #tpu.memory_space<vmem_shared>>
      tpu.enqueue_indirect_dma source(%arg9 : memref<64x128xf32, #tpu.memory_space<vmem>>) target(%dma_start3A_94 : memref<10000x128xf32, #tpu.memory_space<vmem_shared>>) offsets(%dma_start3A_91 : memref<64xi32, #tpu.memory_space<vmem>>) semaphore(%arg14 : memref<!tpu.dma_semaphore, #tpu.memory_space<semaphore_mem>>) {add = true}
      %dma_wait3A_95 = arith.constant 0 : i32
      %dma_wait3A_96 = arith.constant 0 : i32
      %dma_wait3A_97 = tpu.memref_slice %arg2[%dma_wait3A_95, %dma_wait3A_96] : memref<80000x128xi32, #tpu.memory_space<hbm>> -> memref<32x128xi32, #tpu.memory_space<hbm>>
      %dma_wait3A_98 = arith.constant 0 : i32
      %dma_wait3A_99 = arith.constant 0 : i32
      %dma_wait3A_100 = tpu.memref_slice %arg2[%dma_wait3A_98, %dma_wait3A_99] : memref<80000x128xi32, #tpu.memory_space<hbm>> -> memref<32x128xi32, #tpu.memory_space<hbm>>
      tpu.wait_dma2 semaphore(%arg13 : memref<!tpu.dma_semaphore, #tpu.memory_space<semaphore_mem>>) src(%dma_wait3A_100 : memref<32x128xi32, #tpu.memory_space<hbm>>) dst(%arg8 : memref<32x128xi32, #tpu.memory_space<vmem>>)
      %gt3A_101 = arith.constant 0 : i32
      %gt3A_102 = arith.cmpi sgt, %scan3A_59, %gt3A_101 : i32
      %convert_element_type3A_103 = arith.extui %gt3A_102 : i1 to i32
      %cond3A_104 = arith.constant 0 : i32
      %cond3A_105 = arith.cmpi ne, %convert_element_type3A_103, %cond3A_104 : i32
      scf.if %cond3A_105 {
        %sub3A = arith.constant 2 : i32
        %sub3A_125 = arith.subi %add3A_65, %sub3A : i32
        %max3A = arith.constant 1 : i32
        %max3A_126 = arith.maxsi %sub3A_125, %max3A : i32
        %dma_wait3A_127 = arith.constant 0 : i32
        %dma_wait3A_128 = tpu.memref_slice %arg6[%max3A_126, %dma_wait3A_127] : memref<80x64xi32, #tpu.memory_space<vmem>> -> memref<1x64xi32, #tpu.memory_space<vmem>>
        %dma_wait3A_129 = tpu.memref_squeeze %dma_wait3A_128 : memref<1x64xi32, #tpu.memory_space<vmem>> -> memref<64xi32, #tpu.memory_space<vmem>>
        %dma_wait3A_130 = arith.constant 0 : i32
        %dma_wait3A_131 = arith.constant 0 : i32
        %dma_wait3A_132 = tpu.memref_slice %arg11[%dma_wait3A_130, %dma_wait3A_131] : memref<10000x128xf32, #tpu.memory_space<vmem_shared>> -> memref<10000x128xf32, #tpu.memory_space<vmem_shared>>
        tpu.wait_indirect_dma semaphore(%arg15 : memref<!tpu.dma_semaphore, #tpu.memory_space<semaphore_mem>>) src(%arg10 : memref<64x128xf32, #tpu.memory_space<vmem>>) dst(%dma_wait3A_132 : memref<10000x128xf32, #tpu.memory_space<vmem_shared>>)
      } else {
      }
      %scan3A_106 = arith.constant 0 : i32
      %scan3A_107 = arith.constant 0 : i32
      %scan3A_108 = arith.constant 32 : i32
      %scan3A_109 = arith.addi %scan3A_107, %scan3A_108 : i32
      %scan3A_110 = arith.constant 1 : i32
      scf.for %scan3A_125 = %scan3A_107 to %scan3A_109 step %scan3A_110  : i32 {
        %get3A = arith.index_cast %scan3A_125 : i32 to index
        %get3A_126 = arith.constant 0 : index
        %get3A_127 = tpu.vector_load %arg8[%get3A, %get3A_126] {strides = array<i32>} : memref<32x128xi32, #tpu.memory_space<vmem>>, vector<1x16xi32>,
        %get3A_128 = vector.shape_cast %get3A_127 : vector<1x16xi32> to vector<16xi32>
        %shift_left3A = arith.constant 16 : i32
        %shift_left3A_129 = vector.broadcast %shift_left3A : i32 to vector<16xi32>
        %shift_left3A_130 = arith.shli %get3A_128, %shift_left3A_129 : vector<16xi32>
        %bitcast_convert_type3A = tpu.bitcast %shift_left3A_130 : vector<16xi32> -> vector<16xf32>
        %and3A = arith.constant -65536 : i32
        %and3A_131 = vector.broadcast %and3A : i32 to vector<16xi32>
        %and3A_132 = arith.andi %get3A_128, %and3A_131 : vector<16xi32>
        %bitcast_convert_type3A_133 = tpu.bitcast %and3A_132 : vector<16xi32> -> vector<16xf32>
        %swap3A = arith.index_cast %scan3A_125 : i32 to index
        %swap3A_134 = arith.constant 0 : index
        %swap3A_135 = tpu.vector_load %arg10[%swap3A, %swap3A_134] {strides = array<i32>} : memref<64x128xf32, #tpu.memory_space<vmem>>, vector<1x16xf32>,
        %swap3A_136 = vector.shape_cast %swap3A_135 : vector<1x16xf32> to vector<16xf32>
        %swap3A_137 = vector.shape_cast %bitcast_convert_type3A : vector<16xf32> to vector<1x16xf32>
        tpu.vector_store %arg10[%swap3A, %swap3A_134], %swap3A_137 {strides = array<i32>} : memref<64x128xf32, #tpu.memory_space<vmem>>, vector<1x16xf32>,
        %add3A_138 = arith.constant 32 : i32
        %add3A_139 = arith.addi %scan3A_125, %add3A_138 : i32
        %swap3A_140 = arith.index_cast %add3A_139 : i32 to index
        %swap3A_141 = arith.constant 0 : index
        %swap3A_142 = tpu.vector_load %arg10[%swap3A_140, %swap3A_141] {strides = array<i32>} : memref<64x128xf32, #tpu.memory_space<vmem>>, vector<1x16xf32>,
        %swap3A_143 = vector.shape_cast %swap3A_142 : vector<1x16xf32> to vector<16xf32>
        %swap3A_144 = vector.shape_cast %bitcast_convert_type3A_133 : vector<16xf32> to vector<1x16xf32>
        tpu.vector_store %arg10[%swap3A_140, %swap3A_141], %swap3A_144 {strides = array<i32>} : memref<64x128xf32, #tpu.memory_space<vmem>>, vector<1x16xf32>,
        %get3A_145 = arith.index_cast %scan3A_125 : i32 to index
        %get3A_146 = arith.constant 16 : index
        %get3A_147 = tpu.vector_load %arg8[%get3A_145, %get3A_146] {strides = array<i32>} : memref<32x128xi32, #tpu.memory_space<vmem>>, vector<1x16xi32>,
        %get3A_148 = vector.shape_cast %get3A_147 : vector<1x16xi32> to vector<16xi32>
        %shift_left3A_149 = arith.constant 16 : i32
        %shift_left3A_150 = vector.broadcast %shift_left3A_149 : i32 to vector<16xi32>
        %shift_left3A_151 = arith.shli %get3A_148, %shift_left3A_150 : vector<16xi32>
        %bitcast_convert_type3A_152 = tpu.bitcast %shift_left3A_151 : vector<16xi32> -> vector<16xf32>
        %and3A_153 = arith.constant -65536 : i32
        %and3A_154 = vector.broadcast %and3A_153 : i32 to vector<16xi32>
        %and3A_155 = arith.andi %get3A_148, %and3A_154 : vector<16xi32>
        %bitcast_convert_type3A_156 = tpu.bitcast %and3A_155 : vector<16xi32> -> vector<16xf32>
        %swap3A_157 = arith.index_cast %scan3A_125 : i32 to index
        %swap3A_158 = arith.constant 16 : index
        %swap3A_159 = tpu.vector_load %arg10[%swap3A_157, %swap3A_158] {strides = array<i32>} : memref<64x128xf32, #tpu.memory_space<vmem>>, vector<1x16xf32>,
        %swap3A_160 = vector.shape_cast %swap3A_159 : vector<1x16xf32> to vector<16xf32>
        %swap3A_161 = vector.shape_cast %bitcast_convert_type3A_152 : vector<16xf32> to vector<1x16xf32>
        tpu.vector_store %arg10[%swap3A_157, %swap3A_158], %swap3A_161 {strides = array<i32>} : memref<64x128xf32, #tpu.memory_space<vmem>>, vector<1x16xf32>,
        %add3A_162 = arith.constant 32 : i32
        %add3A_163 = arith.addi %scan3A_125, %add3A_162 : i32
        %swap3A_164 = arith.index_cast %add3A_163 : i32 to index
        %swap3A_165 = arith.constant 16 : index
        %swap3A_166 = tpu.vector_load %arg10[%swap3A_164, %swap3A_165] {strides = array<i32>} : memref<64x128xf32, #tpu.memory_space<vmem>>, vector<1x16xf32>,
        %swap3A_167 = vector.shape_cast %swap3A_166 : vector<1x16xf32> to vector<16xf32>
        %swap3A_168 = vector.shape_cast %bitcast_convert_type3A_156 : vector<16xf32> to vector<1x16xf32>
        tpu.vector_store %arg10[%swap3A_164, %swap3A_165], %swap3A_168 {strides = array<i32>} : memref<64x128xf32, #tpu.memory_space<vmem>>, vector<1x16xf32>,
        %get3A_169 = arith.index_cast %scan3A_125 : i32 to index
        %get3A_170 = arith.constant 32 : index
        %get3A_171 = tpu.vector_load %arg8[%get3A_169, %get3A_170] {strides = array<i32>} : memref<32x128xi32, #tpu.memory_space<vmem>>, vector<1x16xi32>,
        %get3A_172 = vector.shape_cast %get3A_171 : vector<1x16xi32> to vector<16xi32>
        %shift_left3A_173 = arith.constant 16 : i32
        %shift_left3A_174 = vector.broadcast %shift_left3A_173 : i32 to vector<16xi32>
        %shift_left3A_175 = arith.shli %get3A_172, %shift_left3A_174 : vector<16xi32>
        %bitcast_convert_type3A_176 = tpu.bitcast %shift_left3A_175 : vector<16xi32> -> vector<16xf32>
        %and3A_177 = arith.constant -65536 : i32
        %and3A_178 = vector.broadcast %and3A_177 : i32 to vector<16xi32>
        %and3A_179 = arith.andi %get3A_172, %and3A_178 : vector<16xi32>
        %bitcast_convert_type3A_180 = tpu.bitcast %and3A_179 : vector<16xi32> -> vector<16xf32>
        %swap3A_181 = arith.index_cast %scan3A_125 : i32 to index
        %swap3A_182 = arith.constant 32 : index
        %swap3A_183 = tpu.vector_load %arg10[%swap3A_181, %swap3A_182] {strides = array<i32>} : memref<64x128xf32, #tpu.memory_space<vmem>>, vector<1x16xf32>,
        %swap3A_184 = vector.shape_cast %swap3A_183 : vector<1x16xf32> to vector<16xf32>
        %swap3A_185 = vector.shape_cast %bitcast_convert_type3A_176 : vector<16xf32> to vector<1x16xf32>
        tpu.vector_store %arg10[%swap3A_181, %swap3A_182], %swap3A_185 {strides = array<i32>} : memref<64x128xf32, #tpu.memory_space<vmem>>, vector<1x16xf32>,
        %add3A_186 = arith.constant 32 : i32
        %add3A_187 = arith.addi %scan3A_125, %add3A_186 : i32
        %swap3A_188 = arith.index_cast %add3A_187 : i32 to index
        %swap3A_189 = arith.constant 32 : index
        %swap3A_190 = tpu.vector_load %arg10[%swap3A_188, %swap3A_189] {strides = array<i32>} : memref<64x128xf32, #tpu.memory_space<vmem>>, vector<1x16xf32>,
        %swap3A_191 = vector.shape_cast %swap3A_190 : vector<1x16xf32> to vector<16xf32>
        %swap3A_192 = vector.shape_cast %bitcast_convert_type3A_180 : vector<16xf32> to vector<1x16xf32>
        tpu.vector_store %arg10[%swap3A_188, %swap3A_189], %swap3A_192 {strides = array<i32>} : memref<64x128xf32, #tpu.memory_space<vmem>>, vector<1x16xf32>,
        %get3A_193 = arith.index_cast %scan3A_125 : i32 to index
        %get3A_194 = arith.constant 48 : index
        %get3A_195 = tpu.vector_load %arg8[%get3A_193, %get3A_194] {strides = array<i32>} : memref<32x128xi32, #tpu.memory_space<vmem>>, vector<1x16xi32>,
        %get3A_196 = vector.shape_cast %get3A_195 : vector<1x16xi32> to vector<16xi32>
        %shift_left3A_197 = arith.constant 16 : i32
        %shift_left3A_198 = vector.broadcast %shift_left3A_197 : i32 to vector<16xi32>
        %shift_left3A_199 = arith.shli %get3A_196, %shift_left3A_198 : vector<16xi32>
        %bitcast_convert_type3A_200 = tpu.bitcast %shift_left3A_199 : vector<16xi32> -> vector<16xf32>
        %and3A_201 = arith.constant -65536 : i32
        %and3A_202 = vector.broadcast %and3A_201 : i32 to vector<16xi32>
        %and3A_203 = arith.andi %get3A_196, %and3A_202 : vector<16xi32>
        %bitcast_convert_type3A_204 = tpu.bitcast %and3A_203 : vector<16xi32> -> vector<16xf32>
        %swap3A_205 = arith.index_cast %scan3A_125 : i32 to index
        %swap3A_206 = arith.constant 48 : index
        %swap3A_207 = tpu.vector_load %arg10[%swap3A_205, %swap3A_206] {strides = array<i32>} : memref<64x128xf32, #tpu.memory_space<vmem>>, vector<1x16xf32>,
        %swap3A_208 = vector.shape_cast %swap3A_207 : vector<1x16xf32> to vector<16xf32>
        %swap3A_209 = vector.shape_cast %bitcast_convert_type3A_200 : vector<16xf32> to vector<1x16xf32>
        tpu.vector_store %arg10[%swap3A_205, %swap3A_206], %swap3A_209 {strides = array<i32>} : memref<64x128xf32, #tpu.memory_space<vmem>>, vector<1x16xf32>,
        %add3A_210 = arith.constant 32 : i32
        %add3A_211 = arith.addi %scan3A_125, %add3A_210 : i32
        %swap3A_212 = arith.index_cast %add3A_211 : i32 to index
        %swap3A_213 = arith.constant 48 : index
        %swap3A_214 = tpu.vector_load %arg10[%swap3A_212, %swap3A_213] {strides = array<i32>} : memref<64x128xf32, #tpu.memory_space<vmem>>, vector<1x16xf32>,
        %swap3A_215 = vector.shape_cast %swap3A_214 : vector<1x16xf32> to vector<16xf32>
        %swap3A_216 = vector.shape_cast %bitcast_convert_type3A_204 : vector<16xf32> to vector<1x16xf32>
        tpu.vector_store %arg10[%swap3A_212, %swap3A_213], %swap3A_216 {strides = array<i32>} : memref<64x128xf32, #tpu.memory_space<vmem>>, vector<1x16xf32>,
        %get3A_217 = arith.index_cast %scan3A_125 : i32 to index
        %get3A_218 = arith.constant 64 : index
        %get3A_219 = tpu.vector_load %arg8[%get3A_217, %get3A_218] {strides = array<i32>} : memref<32x128xi32, #tpu.memory_space<vmem>>, vector<1x16xi32>,
        %get3A_220 = vector.shape_cast %get3A_219 : vector<1x16xi32> to vector<16xi32>
        %shift_left3A_221 = arith.constant 16 : i32
        %shift_left3A_222 = vector.broadcast %shift_left3A_221 : i32 to vector<16xi32>
        %shift_left3A_223 = arith.shli %get3A_220, %shift_left3A_222 : vector<16xi32>
        %bitcast_convert_type3A_224 = tpu.bitcast %shift_left3A_223 : vector<16xi32> -> vector<16xf32>
        %and3A_225 = arith.constant -65536 : i32
        %and3A_226 = vector.broadcast %and3A_225 : i32 to vector<16xi32>
        %and3A_227 = arith.andi %get3A_220, %and3A_226 : vector<16xi32>
        %bitcast_convert_type3A_228 = tpu.bitcast %and3A_227 : vector<16xi32> -> vector<16xf32>
        %swap3A_229 = arith.index_cast %scan3A_125 : i32 to index
        %swap3A_230 = arith.constant 64 : index
        %swap3A_231 = tpu.vector_load %arg10[%swap3A_229, %swap3A_230] {strides = array<i32>} : memref<64x128xf32, #tpu.memory_space<vmem>>, vector<1x16xf32>,
        %swap3A_232 = vector.shape_cast %swap3A_231 : vector<1x16xf32> to vector<16xf32>
        %swap3A_233 = vector.shape_cast %bitcast_convert_type3A_224 : vector<16xf32> to vector<1x16xf32>
        tpu.vector_store %arg10[%swap3A_229, %swap3A_230], %swap3A_233 {strides = array<i32>} : memref<64x128xf32, #tpu.memory_space<vmem>>, vector<1x16xf32>,
        %add3A_234 = arith.constant 32 : i32
        %add3A_235 = arith.addi %scan3A_125, %add3A_234 : i32
        %swap3A_236 = arith.index_cast %add3A_235 : i32 to index
        %swap3A_237 = arith.constant 64 : index
        %swap3A_238 = tpu.vector_load %arg10[%swap3A_236, %swap3A_237] {strides = array<i32>} : memref<64x128xf32, #tpu.memory_space<vmem>>, vector<1x16xf32>,
        %swap3A_239 = vector.shape_cast %swap3A_238 : vector<1x16xf32> to vector<16xf32>
        %swap3A_240 = vector.shape_cast %bitcast_convert_type3A_228 : vector<16xf32> to vector<1x16xf32>
        tpu.vector_store %arg10[%swap3A_236, %swap3A_237], %swap3A_240 {strides = array<i32>} : memref<64x128xf32, #tpu.memory_space<vmem>>, vector<1x16xf32>,
        %get3A_241 = arith.index_cast %scan3A_125 : i32 to index
        %get3A_242 = arith.constant 80 : index
        %get3A_243 = tpu.vector_load %arg8[%get3A_241, %get3A_242] {strides = array<i32>} : memref<32x128xi32, #tpu.memory_space<vmem>>, vector<1x16xi32>,
        %get3A_244 = vector.shape_cast %get3A_243 : vector<1x16xi32> to vector<16xi32>
        %shift_left3A_245 = arith.constant 16 : i32
        %shift_left3A_246 = vector.broadcast %shift_left3A_245 : i32 to vector<16xi32>
        %shift_left3A_247 = arith.shli %get3A_244, %shift_left3A_246 : vector<16xi32>
        %bitcast_convert_type3A_248 = tpu.bitcast %shift_left3A_247 : vector<16xi32> -> vector<16xf32>
        %and3A_249 = arith.constant -65536 : i32
        %and3A_250 = vector.broadcast %and3A_249 : i32 to vector<16xi32>
        %and3A_251 = arith.andi %get3A_244, %and3A_250 : vector<16xi32>
        %bitcast_convert_type3A_252 = tpu.bitcast %and3A_251 : vector<16xi32> -> vector<16xf32>
        %swap3A_253 = arith.index_cast %scan3A_125 : i32 to index
        %swap3A_254 = arith.constant 80 : index
        %swap3A_255 = tpu.vector_load %arg10[%swap3A_253, %swap3A_254] {strides = array<i32>} : memref<64x128xf32, #tpu.memory_space<vmem>>, vector<1x16xf32>,
        %swap3A_256 = vector.shape_cast %swap3A_255 : vector<1x16xf32> to vector<16xf32>
        %swap3A_257 = vector.shape_cast %bitcast_convert_type3A_248 : vector<16xf32> to vector<1x16xf32>
        tpu.vector_store %arg10[%swap3A_253, %swap3A_254], %swap3A_257 {strides = array<i32>} : memref<64x128xf32, #tpu.memory_space<vmem>>, vector<1x16xf32>,
        %add3A_258 = arith.constant 32 : i32
        %add3A_259 = arith.addi %scan3A_125, %add3A_258 : i32
        %swap3A_260 = arith.index_cast %add3A_259 : i32 to index
        %swap3A_261 = arith.constant 80 : index
        %swap3A_262 = tpu.vector_load %arg10[%swap3A_260, %swap3A_261] {strides = array<i32>} : memref<64x128xf32, #tpu.memory_space<vmem>>, vector<1x16xf32>,
        %swap3A_263 = vector.shape_cast %swap3A_262 : vector<1x16xf32> to vector<16xf32>
        %swap3A_264 = vector.shape_cast %bitcast_convert_type3A_252 : vector<16xf32> to vector<1x16xf32>
        tpu.vector_store %arg10[%swap3A_260, %swap3A_261], %swap3A_264 {strides = array<i32>} : memref<64x128xf32, #tpu.memory_space<vmem>>, vector<1x16xf32>,
        %get3A_265 = arith.index_cast %scan3A_125 : i32 to index
        %get3A_266 = arith.constant 96 : index
        %get3A_267 = tpu.vector_load %arg8[%get3A_265, %get3A_266] {strides = array<i32>} : memref<32x128xi32, #tpu.memory_space<vmem>>, vector<1x16xi32>,
        %get3A_268 = vector.shape_cast %get3A_267 : vector<1x16xi32> to vector<16xi32>
        %shift_left3A_269 = arith.constant 16 : i32
        %shift_left3A_270 = vector.broadcast %shift_left3A_269 : i32 to vector<16xi32>
        %shift_left3A_271 = arith.shli %get3A_268, %shift_left3A_270 : vector<16xi32>
        %bitcast_convert_type3A_272 = tpu.bitcast %shift_left3A_271 : vector<16xi32> -> vector<16xf32>
        %and3A_273 = arith.constant -65536 : i32
        %and3A_274 = vector.broadcast %and3A_273 : i32 to vector<16xi32>
        %and3A_275 = arith.andi %get3A_268, %and3A_274 : vector<16xi32>
        %bitcast_convert_type3A_276 = tpu.bitcast %and3A_275 : vector<16xi32> -> vector<16xf32>
        %swap3A_277 = arith.index_cast %scan3A_125 : i32 to index
        %swap3A_278 = arith.constant 96 : index
        %swap3A_279 = tpu.vector_load %arg10[%swap3A_277, %swap3A_278] {strides = array<i32>} : memref<64x128xf32, #tpu.memory_space<vmem>>, vector<1x16xf32>,
        %swap3A_280 = vector.shape_cast %swap3A_279 : vector<1x16xf32> to vector<16xf32>
        %swap3A_281 = vector.shape_cast %bitcast_convert_type3A_272 : vector<16xf32> to vector<1x16xf32>
        tpu.vector_store %arg10[%swap3A_277, %swap3A_278], %swap3A_281 {strides = array<i32>} : memref<64x128xf32, #tpu.memory_space<vmem>>, vector<1x16xf32>,
        %add3A_282 = arith.constant 32 : i32
        %add3A_283 = arith.addi %scan3A_125, %add3A_282 : i32
        %swap3A_284 = arith.index_cast %add3A_283 : i32 to index
        %swap3A_285 = arith.constant 96 : index
        %swap3A_286 = tpu.vector_load %arg10[%swap3A_284, %swap3A_285] {strides = array<i32>} : memref<64x128xf32, #tpu.memory_space<vmem>>, vector<1x16xf32>,
        %swap3A_287 = vector.shape_cast %swap3A_286 : vector<1x16xf32> to vector<16xf32>
        %swap3A_288 = vector.shape_cast %bitcast_convert_type3A_276 : vector<16xf32> to vector<1x16xf32>
        tpu.vector_store %arg10[%swap3A_284, %swap3A_285], %swap3A_288 {strides = array<i32>} : memref<64x128xf32, #tpu.memory_space<vmem>>, vector<1x16xf32>,
        %get3A_289 = arith.index_cast %scan3A_125 : i32 to index
        %get3A_290 = arith.constant 112 : index
        %get3A_291 = tpu.vector_load %arg8[%get3A_289, %get3A_290] {strides = array<i32>} : memref<32x128xi32, #tpu.memory_space<vmem>>, vector<1x16xi32>,
        %get3A_292 = vector.shape_cast %get3A_291 : vector<1x16xi32> to vector<16xi32>
        %shift_left3A_293 = arith.constant 16 : i32
        %shift_left3A_294 = vector.broadcast %shift_left3A_293 : i32 to vector<16xi32>
        %shift_left3A_295 = arith.shli %get3A_292, %shift_left3A_294 : vector<16xi32>
        %bitcast_convert_type3A_296 = tpu.bitcast %shift_left3A_295 : vector<16xi32> -> vector<16xf32>
        %and3A_297 = arith.constant -65536 : i32
        %and3A_298 = vector.broadcast %and3A_297 : i32 to vector<16xi32>
        %and3A_299 = arith.andi %get3A_292, %and3A_298 : vector<16xi32>
        %bitcast_convert_type3A_300 = tpu.bitcast %and3A_299 : vector<16xi32> -> vector<16xf32>
        %swap3A_301 = arith.index_cast %scan3A_125 : i32 to index
        %swap3A_302 = arith.constant 112 : index
        %swap3A_303 = tpu.vector_load %arg10[%swap3A_301, %swap3A_302] {strides = array<i32>} : memref<64x128xf32, #tpu.memory_space<vmem>>, vector<1x16xf32>,
        %swap3A_304 = vector.shape_cast %swap3A_303 : vector<1x16xf32> to vector<16xf32>
        %swap3A_305 = vector.shape_cast %bitcast_convert_type3A_296 : vector<16xf32> to vector<1x16xf32>
        tpu.vector_store %arg10[%swap3A_301, %swap3A_302], %swap3A_305 {strides = array<i32>} : memref<64x128xf32, #tpu.memory_space<vmem>>, vector<1x16xf32>,
        %add3A_306 = arith.constant 32 : i32
        %add3A_307 = arith.addi %scan3A_125, %add3A_306 : i32
        %swap3A_308 = arith.index_cast %add3A_307 : i32 to index
        %swap3A_309 = arith.constant 112 : index
        %swap3A_310 = tpu.vector_load %arg10[%swap3A_308, %swap3A_309] {strides = array<i32>} : memref<64x128xf32, #tpu.memory_space<vmem>>, vector<1x16xf32>,
        %swap3A_311 = vector.shape_cast %swap3A_310 : vector<1x16xf32> to vector<16xf32>
        %swap3A_312 = vector.shape_cast %bitcast_convert_type3A_300 : vector<16xf32> to vector<1x16xf32>
        tpu.vector_store %arg10[%swap3A_308, %swap3A_309], %swap3A_312 {strides = array<i32>} : memref<64x128xf32, #tpu.memory_space<vmem>>, vector<1x16xf32>,
      }
      %scan3A_111 = arith.constant 32 : i32
      %add3A_112 = arith.constant 2 : i32
      %add3A_113 = arith.addi %add3A_65, %add3A_112 : i32
      %lt3A_114 = arith.constant 78 : i32
      %lt3A_115 = arith.cmpi slt, %add3A_113, %lt3A_114 : i32
      %convert_element_type3A_116 = arith.extui %lt3A_115 : i1 to i32
      %cond3A_117 = arith.constant 0 : i32
      %cond3A_118 = arith.cmpi ne, %convert_element_type3A_116, %cond3A_117 : i32
      scf.if %cond3A_118 {
        %add3A_125 = arith.constant 2 : i32
        %add3A_126 = arith.addi %add3A_65, %add3A_125 : i32
        %add3A_127 = arith.addi %add3A_4, %add3A_126 : i32
        %mul3A_128 = arith.constant 32 : i32
        %mul3A_129 = arith.muli %add3A_127, %mul3A_128 : i32
        %dma_start3A_130 = arith.constant 0 : i32
        %dma_start3A_131 = tpu.memref_slice %arg2[%mul3A_129, %dma_start3A_130] : memref<80000x128xi32, #tpu.memory_space<hbm>> -> memref<32x128xi32, #tpu.memory_space<hbm>>
        %dma_start3A_132 = arith.constant 0 : i32
        %dma_start3A_133 = tpu.memref_slice %arg2[%mul3A_129, %dma_start3A_132] : memref<80000x128xi32, #tpu.memory_space<hbm>> -> memref<32x128xi32, #tpu.memory_space<hbm>>
        tpu.enqueue_dma source(%dma_start3A_133 : memref<32x128xi32, #tpu.memory_space<hbm>>) target(%arg8 : memref<32x128xi32, #tpu.memory_space<vmem>>) target_semaphore(%arg13 : memref<!tpu.dma_semaphore, #tpu.memory_space<semaphore_mem>>)
      } else {
      }
      %dma_start3A_119 = arith.constant 0 : i32
      %dma_start3A_120 = tpu.memref_slice %arg6[%add3A_65, %dma_start3A_119] : memref<80x64xi32, #tpu.memory_space<vmem>> -> memref<1x64xi32, #tpu.memory_space<vmem>>
      %dma_start3A_121 = tpu.memref_squeeze %dma_start3A_120 : memref<1x64xi32, #tpu.memory_space<vmem>> -> memref<64xi32, #tpu.memory_space<vmem>>
      %dma_start3A_122 = arith.constant 0 : i32
      %dma_start3A_123 = arith.constant 0 : i32
      %dma_start3A_124 = tpu.memref_slice %arg11[%dma_start3A_122, %dma_start3A_123] : memref<10000x128xf32, #tpu.memory_space<vmem_shared>> -> memref<10000x128xf32, #tpu.memory_space<vmem_shared>>
      tpu.enqueue_indirect_dma source(%arg10 : memref<64x128xf32, #tpu.memory_space<vmem>>) target(%dma_start3A_124 : memref<10000x128xf32, #tpu.memory_space<vmem_shared>>) offsets(%dma_start3A_121 : memref<64xi32, #tpu.memory_space<vmem>>) semaphore(%arg15 : memref<!tpu.dma_semaphore, #tpu.memory_space<semaphore_mem>>) {add = true}
    }
    %scan3A_29 = arith.constant 39 : i32
    %dma_wait3A = arith.constant 76 : i32
    %dma_wait3A_30 = arith.constant 0 : i32
    %dma_wait3A_31 = tpu.memref_slice %arg6[%dma_wait3A, %dma_wait3A_30] : memref<80x64xi32, #tpu.memory_space<vmem>> -> memref<1x64xi32, #tpu.memory_space<vmem>>
    %dma_wait3A_32 = tpu.memref_squeeze %dma_wait3A_31 : memref<1x64xi32, #tpu.memory_space<vmem>> -> memref<64xi32, #tpu.memory_space<vmem>>
    %dma_wait3A_33 = arith.constant 0 : i32
    %dma_wait3A_34 = arith.constant 0 : i32
    %dma_wait3A_35 = tpu.memref_slice %arg11[%dma_wait3A_33, %dma_wait3A_34] : memref<10000x128xf32, #tpu.memory_space<vmem_shared>> -> memref<10000x128xf32, #tpu.memory_space<vmem_shared>>
    tpu.wait_indirect_dma semaphore(%arg14 : memref<!tpu.dma_semaphore, #tpu.memory_space<semaphore_mem>>) src(%arg9 : memref<64x128xf32, #tpu.memory_space<vmem>>) dst(%dma_wait3A_35 : memref<10000x128xf32, #tpu.memory_space<vmem_shared>>)
    %dma_wait3A_36 = arith.constant 77 : i32
    %dma_wait3A_37 = arith.constant 0 : i32
    %dma_wait3A_38 = tpu.memref_slice %arg6[%dma_wait3A_36, %dma_wait3A_37] : memref<80x64xi32, #tpu.memory_space<vmem>> -> memref<1x64xi32, #tpu.memory_space<vmem>>
    %dma_wait3A_39 = tpu.memref_squeeze %dma_wait3A_38 : memref<1x64xi32, #tpu.memory_space<vmem>> -> memref<64xi32, #tpu.memory_space<vmem>>
    %dma_wait3A_40 = arith.constant 0 : i32
    %dma_wait3A_41 = arith.constant 0 : i32
    %dma_wait3A_42 = tpu.memref_slice %arg11[%dma_wait3A_40, %dma_wait3A_41] : memref<10000x128xf32, #tpu.memory_space<vmem_shared>> -> memref<10000x128xf32, #tpu.memory_space<vmem_shared>>
    tpu.wait_indirect_dma semaphore(%arg15 : memref<!tpu.dma_semaphore, #tpu.memory_space<semaphore_mem>>) src(%arg10 : memref<64x128xf32, #tpu.memory_space<vmem>>) dst(%dma_wait3A_42 : memref<10000x128xf32, #tpu.memory_space<vmem_shared>>)
    %convert_element_type3A_43 = arith.extui %lt3A_5 : i1 to i32
    %cond3A_44 = arith.constant 0 : i32
    %cond3A_45 = arith.cmpi ne, %convert_element_type3A_43, %cond3A_44 : i32
    scf.if %cond3A_45 {
      %add3A_59 = arith.constant 78 : i32
      %add3A_60 = arith.addi %add3A_4, %add3A_59 : i32
      %mul3A_61 = arith.constant 32 : i32
      %mul3A_62 = arith.muli %add3A_60, %mul3A_61 : i32
      "tpu.region"() ({
        %run_scoped3A_69 = tpu.sem_alloc : memref<!tpu.dma_semaphore, #tpu.memory_space<semaphore_mem>>
        %dma_start3A_70 = arith.constant 0 : i32
        %dma_start3A_71 = tpu.memref_slice %arg2[%mul3A_62, %dma_start3A_70] : memref<80000x128xi32, #tpu.memory_space<hbm>> -> memref<32x128xi32, #tpu.memory_space<hbm>>
        %dma_start3A_72 = arith.constant 0 : i32
        %dma_start3A_73 = tpu.memref_slice %arg2[%mul3A_62, %dma_start3A_72] : memref<80000x128xi32, #tpu.memory_space<hbm>> -> memref<32x128xi32, #tpu.memory_space<hbm>>
        tpu.enqueue_dma source(%dma_start3A_73 : memref<32x128xi32, #tpu.memory_space<hbm>>) target(%arg8 : memref<32x128xi32, #tpu.memory_space<vmem>>) target_semaphore(%run_scoped3A_69 : memref<!tpu.dma_semaphore, #tpu.memory_space<semaphore_mem>>)
        %dma_wait3A_74 = arith.constant 0 : i32
        %dma_wait3A_75 = tpu.memref_slice %arg2[%mul3A_62, %dma_wait3A_74] : memref<80000x128xi32, #tpu.memory_space<hbm>> -> memref<32x128xi32, #tpu.memory_space<hbm>>
        %dma_wait3A_76 = arith.constant 0 : i32
        %dma_wait3A_77 = tpu.memref_slice %arg2[%mul3A_62, %dma_wait3A_76] : memref<80000x128xi32, #tpu.memory_space<hbm>> -> memref<32x128xi32, #tpu.memory_space<hbm>>
        tpu.wait_dma2 semaphore(%run_scoped3A_69 : memref<!tpu.dma_semaphore, #tpu.memory_space<semaphore_mem>>) src(%dma_wait3A_77 : memref<32x128xi32, #tpu.memory_space<hbm>>) dst(%arg8 : memref<32x128xi32, #tpu.memory_space<vmem>>)
        tpu.yield
      }) : () -> ()
      %scan3A_63 = arith.constant 0 : i32
      %scan3A_64 = arith.constant 0 : i32
      %scan3A_65 = arith.constant 32 : i32
      %scan3A_66 = arith.addi %scan3A_64, %scan3A_65 : i32
      %scan3A_67 = arith.constant 1 : i32
      scf.for %scan3A_69 = %scan3A_64 to %scan3A_66 step %scan3A_67  : i32 {
        %get3A = arith.index_cast %scan3A_69 : i32 to index
        %get3A_70 = arith.constant 0 : index
        %get3A_71 = tpu.vector_load %arg8[%get3A, %get3A_70] {strides = array<i32>} : memref<32x128xi32, #tpu.memory_space<vmem>>, vector<1x16xi32>,
        %get3A_72 = vector.shape_cast %get3A_71 : vector<1x16xi32> to vector<16xi32>
        %shift_left3A = arith.constant 16 : i32
        %shift_left3A_73 = vector.broadcast %shift_left3A : i32 to vector<16xi32>
        %shift_left3A_74 = arith.shli %get3A_72, %shift_left3A_73 : vector<16xi32>
        %bitcast_convert_type3A = tpu.bitcast %shift_left3A_74 : vector<16xi32> -> vector<16xf32>
        %and3A = arith.constant -65536 : i32
        %and3A_75 = vector.broadcast %and3A : i32 to vector<16xi32>
        %and3A_76 = arith.andi %get3A_72, %and3A_75 : vector<16xi32>
        %bitcast_convert_type3A_77 = tpu.bitcast %and3A_76 : vector<16xi32> -> vector<16xf32>
        %swap3A = arith.index_cast %scan3A_69 : i32 to index
        %swap3A_78 = arith.constant 0 : index
        %swap3A_79 = tpu.vector_load %arg10[%swap3A, %swap3A_78] {strides = array<i32>} : memref<64x128xf32, #tpu.memory_space<vmem>>, vector<1x16xf32>,
        %swap3A_80 = vector.shape_cast %swap3A_79 : vector<1x16xf32> to vector<16xf32>
        %swap3A_81 = vector.shape_cast %bitcast_convert_type3A : vector<16xf32> to vector<1x16xf32>
        tpu.vector_store %arg10[%swap3A, %swap3A_78], %swap3A_81 {strides = array<i32>} : memref<64x128xf32, #tpu.memory_space<vmem>>, vector<1x16xf32>,
        %add3A_82 = arith.constant 32 : i32
        %add3A_83 = arith.addi %scan3A_69, %add3A_82 : i32
        %swap3A_84 = arith.index_cast %add3A_83 : i32 to index
        %swap3A_85 = arith.constant 0 : index
        %swap3A_86 = tpu.vector_load %arg10[%swap3A_84, %swap3A_85] {strides = array<i32>} : memref<64x128xf32, #tpu.memory_space<vmem>>, vector<1x16xf32>,
        %swap3A_87 = vector.shape_cast %swap3A_86 : vector<1x16xf32> to vector<16xf32>
        %swap3A_88 = vector.shape_cast %bitcast_convert_type3A_77 : vector<16xf32> to vector<1x16xf32>
        tpu.vector_store %arg10[%swap3A_84, %swap3A_85], %swap3A_88 {strides = array<i32>} : memref<64x128xf32, #tpu.memory_space<vmem>>, vector<1x16xf32>,
        %get3A_89 = arith.index_cast %scan3A_69 : i32 to index
        %get3A_90 = arith.constant 16 : index
        %get3A_91 = tpu.vector_load %arg8[%get3A_89, %get3A_90] {strides = array<i32>} : memref<32x128xi32, #tpu.memory_space<vmem>>, vector<1x16xi32>,
        %get3A_92 = vector.shape_cast %get3A_91 : vector<1x16xi32> to vector<16xi32>
        %shift_left3A_93 = arith.constant 16 : i32
        %shift_left3A_94 = vector.broadcast %shift_left3A_93 : i32 to vector<16xi32>
        %shift_left3A_95 = arith.shli %get3A_92, %shift_left3A_94 : vector<16xi32>
        %bitcast_convert_type3A_96 = tpu.bitcast %shift_left3A_95 : vector<16xi32> -> vector<16xf32>
        %and3A_97 = arith.constant -65536 : i32
        %and3A_98 = vector.broadcast %and3A_97 : i32 to vector<16xi32>
        %and3A_99 = arith.andi %get3A_92, %and3A_98 : vector<16xi32>
        %bitcast_convert_type3A_100 = tpu.bitcast %and3A_99 : vector<16xi32> -> vector<16xf32>
        %swap3A_101 = arith.index_cast %scan3A_69 : i32 to index
        %swap3A_102 = arith.constant 16 : index
        %swap3A_103 = tpu.vector_load %arg10[%swap3A_101, %swap3A_102] {strides = array<i32>} : memref<64x128xf32, #tpu.memory_space<vmem>>, vector<1x16xf32>,
        %swap3A_104 = vector.shape_cast %swap3A_103 : vector<1x16xf32> to vector<16xf32>
        %swap3A_105 = vector.shape_cast %bitcast_convert_type3A_96 : vector<16xf32> to vector<1x16xf32>
        tpu.vector_store %arg10[%swap3A_101, %swap3A_102], %swap3A_105 {strides = array<i32>} : memref<64x128xf32, #tpu.memory_space<vmem>>, vector<1x16xf32>,
        %add3A_106 = arith.constant 32 : i32
        %add3A_107 = arith.addi %scan3A_69, %add3A_106 : i32
        %swap3A_108 = arith.index_cast %add3A_107 : i32 to index
        %swap3A_109 = arith.constant 16 : index
        %swap3A_110 = tpu.vector_load %arg10[%swap3A_108, %swap3A_109] {strides = array<i32>} : memref<64x128xf32, #tpu.memory_space<vmem>>, vector<1x16xf32>,
        %swap3A_111 = vector.shape_cast %swap3A_110 : vector<1x16xf32> to vector<16xf32>
        %swap3A_112 = vector.shape_cast %bitcast_convert_type3A_100 : vector<16xf32> to vector<1x16xf32>
        tpu.vector_store %arg10[%swap3A_108, %swap3A_109], %swap3A_112 {strides = array<i32>} : memref<64x128xf32, #tpu.memory_space<vmem>>, vector<1x16xf32>,
        %get3A_113 = arith.index_cast %scan3A_69 : i32 to index
        %get3A_114 = arith.constant 32 : index
        %get3A_115 = tpu.vector_load %arg8[%get3A_113, %get3A_114] {strides = array<i32>} : memref<32x128xi32, #tpu.memory_space<vmem>>, vector<1x16xi32>,
        %get3A_116 = vector.shape_cast %get3A_115 : vector<1x16xi32> to vector<16xi32>
        %shift_left3A_117 = arith.constant 16 : i32
        %shift_left3A_118 = vector.broadcast %shift_left3A_117 : i32 to vector<16xi32>
        %shift_left3A_119 = arith.shli %get3A_116, %shift_left3A_118 : vector<16xi32>
        %bitcast_convert_type3A_120 = tpu.bitcast %shift_left3A_119 : vector<16xi32> -> vector<16xf32>
        %and3A_121 = arith.constant -65536 : i32
        %and3A_122 = vector.broadcast %and3A_121 : i32 to vector<16xi32>
        %and3A_123 = arith.andi %get3A_116, %and3A_122 : vector<16xi32>
        %bitcast_convert_type3A_124 = tpu.bitcast %and3A_123 : vector<16xi32> -> vector<16xf32>
        %swap3A_125 = arith.index_cast %scan3A_69 : i32 to index
        %swap3A_126 = arith.constant 32 : index
        %swap3A_127 = tpu.vector_load %arg10[%swap3A_125, %swap3A_126] {strides = array<i32>} : memref<64x128xf32, #tpu.memory_space<vmem>>, vector<1x16xf32>,
        %swap3A_128 = vector.shape_cast %swap3A_127 : vector<1x16xf32> to vector<16xf32>
        %swap3A_129 = vector.shape_cast %bitcast_convert_type3A_120 : vector<16xf32> to vector<1x16xf32>
        tpu.vector_store %arg10[%swap3A_125, %swap3A_126], %swap3A_129 {strides = array<i32>} : memref<64x128xf32, #tpu.memory_space<vmem>>, vector<1x16xf32>,
        %add3A_130 = arith.constant 32 : i32
        %add3A_131 = arith.addi %scan3A_69, %add3A_130 : i32
        %swap3A_132 = arith.index_cast %add3A_131 : i32 to index
        %swap3A_133 = arith.constant 32 : index
        %swap3A_134 = tpu.vector_load %arg10[%swap3A_132, %swap3A_133] {strides = array<i32>} : memref<64x128xf32, #tpu.memory_space<vmem>>, vector<1x16xf32>,
        %swap3A_135 = vector.shape_cast %swap3A_134 : vector<1x16xf32> to vector<16xf32>
        %swap3A_136 = vector.shape_cast %bitcast_convert_type3A_124 : vector<16xf32> to vector<1x16xf32>
        tpu.vector_store %arg10[%swap3A_132, %swap3A_133], %swap3A_136 {strides = array<i32>} : memref<64x128xf32, #tpu.memory_space<vmem>>, vector<1x16xf32>,
        %get3A_137 = arith.index_cast %scan3A_69 : i32 to index
        %get3A_138 = arith.constant 48 : index
        %get3A_139 = tpu.vector_load %arg8[%get3A_137, %get3A_138] {strides = array<i32>} : memref<32x128xi32, #tpu.memory_space<vmem>>, vector<1x16xi32>,
        %get3A_140 = vector.shape_cast %get3A_139 : vector<1x16xi32> to vector<16xi32>
        %shift_left3A_141 = arith.constant 16 : i32
        %shift_left3A_142 = vector.broadcast %shift_left3A_141 : i32 to vector<16xi32>
        %shift_left3A_143 = arith.shli %get3A_140, %shift_left3A_142 : vector<16xi32>
        %bitcast_convert_type3A_144 = tpu.bitcast %shift_left3A_143 : vector<16xi32> -> vector<16xf32>
        %and3A_145 = arith.constant -65536 : i32
        %and3A_146 = vector.broadcast %and3A_145 : i32 to vector<16xi32>
        %and3A_147 = arith.andi %get3A_140, %and3A_146 : vector<16xi32>
        %bitcast_convert_type3A_148 = tpu.bitcast %and3A_147 : vector<16xi32> -> vector<16xf32>
        %swap3A_149 = arith.index_cast %scan3A_69 : i32 to index
        %swap3A_150 = arith.constant 48 : index
        %swap3A_151 = tpu.vector_load %arg10[%swap3A_149, %swap3A_150] {strides = array<i32>} : memref<64x128xf32, #tpu.memory_space<vmem>>, vector<1x16xf32>,
        %swap3A_152 = vector.shape_cast %swap3A_151 : vector<1x16xf32> to vector<16xf32>
        %swap3A_153 = vector.shape_cast %bitcast_convert_type3A_144 : vector<16xf32> to vector<1x16xf32>
        tpu.vector_store %arg10[%swap3A_149, %swap3A_150], %swap3A_153 {strides = array<i32>} : memref<64x128xf32, #tpu.memory_space<vmem>>, vector<1x16xf32>,
        %add3A_154 = arith.constant 32 : i32
        %add3A_155 = arith.addi %scan3A_69, %add3A_154 : i32
        %swap3A_156 = arith.index_cast %add3A_155 : i32 to index
        %swap3A_157 = arith.constant 48 : index
        %swap3A_158 = tpu.vector_load %arg10[%swap3A_156, %swap3A_157] {strides = array<i32>} : memref<64x128xf32, #tpu.memory_space<vmem>>, vector<1x16xf32>,
        %swap3A_159 = vector.shape_cast %swap3A_158 : vector<1x16xf32> to vector<16xf32>
        %swap3A_160 = vector.shape_cast %bitcast_convert_type3A_148 : vector<16xf32> to vector<1x16xf32>
        tpu.vector_store %arg10[%swap3A_156, %swap3A_157], %swap3A_160 {strides = array<i32>} : memref<64x128xf32, #tpu.memory_space<vmem>>, vector<1x16xf32>,
        %get3A_161 = arith.index_cast %scan3A_69 : i32 to index
        %get3A_162 = arith.constant 64 : index
        %get3A_163 = tpu.vector_load %arg8[%get3A_161, %get3A_162] {strides = array<i32>} : memref<32x128xi32, #tpu.memory_space<vmem>>, vector<1x16xi32>,
        %get3A_164 = vector.shape_cast %get3A_163 : vector<1x16xi32> to vector<16xi32>
        %shift_left3A_165 = arith.constant 16 : i32
        %shift_left3A_166 = vector.broadcast %shift_left3A_165 : i32 to vector<16xi32>
        %shift_left3A_167 = arith.shli %get3A_164, %shift_left3A_166 : vector<16xi32>
        %bitcast_convert_type3A_168 = tpu.bitcast %shift_left3A_167 : vector<16xi32> -> vector<16xf32>
        %and3A_169 = arith.constant -65536 : i32
        %and3A_170 = vector.broadcast %and3A_169 : i32 to vector<16xi32>
        %and3A_171 = arith.andi %get3A_164, %and3A_170 : vector<16xi32>
        %bitcast_convert_type3A_172 = tpu.bitcast %and3A_171 : vector<16xi32> -> vector<16xf32>
        %swap3A_173 = arith.index_cast %scan3A_69 : i32 to index
        %swap3A_174 = arith.constant 64 : index
        %swap3A_175 = tpu.vector_load %arg10[%swap3A_173, %swap3A_174] {strides = array<i32>} : memref<64x128xf32, #tpu.memory_space<vmem>>, vector<1x16xf32>,
        %swap3A_176 = vector.shape_cast %swap3A_175 : vector<1x16xf32> to vector<16xf32>
        %swap3A_177 = vector.shape_cast %bitcast_convert_type3A_168 : vector<16xf32> to vector<1x16xf32>
        tpu.vector_store %arg10[%swap3A_173, %swap3A_174], %swap3A_177 {strides = array<i32>} : memref<64x128xf32, #tpu.memory_space<vmem>>, vector<1x16xf32>,
        %add3A_178 = arith.constant 32 : i32
        %add3A_179 = arith.addi %scan3A_69, %add3A_178 : i32
        %swap3A_180 = arith.index_cast %add3A_179 : i32 to index
        %swap3A_181 = arith.constant 64 : index
        %swap3A_182 = tpu.vector_load %arg10[%swap3A_180, %swap3A_181] {strides = array<i32>} : memref<64x128xf32, #tpu.memory_space<vmem>>, vector<1x16xf32>,
        %swap3A_183 = vector.shape_cast %swap3A_182 : vector<1x16xf32> to vector<16xf32>
        %swap3A_184 = vector.shape_cast %bitcast_convert_type3A_172 : vector<16xf32> to vector<1x16xf32>
        tpu.vector_store %arg10[%swap3A_180, %swap3A_181], %swap3A_184 {strides = array<i32>} : memref<64x128xf32, #tpu.memory_space<vmem>>, vector<1x16xf32>,
        %get3A_185 = arith.index_cast %scan3A_69 : i32 to index
        %get3A_186 = arith.constant 80 : index
        %get3A_187 = tpu.vector_load %arg8[%get3A_185, %get3A_186] {strides = array<i32>} : memref<32x128xi32, #tpu.memory_space<vmem>>, vector<1x16xi32>,
        %get3A_188 = vector.shape_cast %get3A_187 : vector<1x16xi32> to vector<16xi32>
        %shift_left3A_189 = arith.constant 16 : i32
        %shift_left3A_190 = vector.broadcast %shift_left3A_189 : i32 to vector<16xi32>
        %shift_left3A_191 = arith.shli %get3A_188, %shift_left3A_190 : vector<16xi32>
        %bitcast_convert_type3A_192 = tpu.bitcast %shift_left3A_191 : vector<16xi32> -> vector<16xf32>
        %and3A_193 = arith.constant -65536 : i32
        %and3A_194 = vector.broadcast %and3A_193 : i32 to vector<16xi32>
        %and3A_195 = arith.andi %get3A_188, %and3A_194 : vector<16xi32>
        %bitcast_convert_type3A_196 = tpu.bitcast %and3A_195 : vector<16xi32> -> vector<16xf32>
        %swap3A_197 = arith.index_cast %scan3A_69 : i32 to index
        %swap3A_198 = arith.constant 80 : index
        %swap3A_199 = tpu.vector_load %arg10[%swap3A_197, %swap3A_198] {strides = array<i32>} : memref<64x128xf32, #tpu.memory_space<vmem>>, vector<1x16xf32>,
        %swap3A_200 = vector.shape_cast %swap3A_199 : vector<1x16xf32> to vector<16xf32>
        %swap3A_201 = vector.shape_cast %bitcast_convert_type3A_192 : vector<16xf32> to vector<1x16xf32>
        tpu.vector_store %arg10[%swap3A_197, %swap3A_198], %swap3A_201 {strides = array<i32>} : memref<64x128xf32, #tpu.memory_space<vmem>>, vector<1x16xf32>,
        %add3A_202 = arith.constant 32 : i32
        %add3A_203 = arith.addi %scan3A_69, %add3A_202 : i32
        %swap3A_204 = arith.index_cast %add3A_203 : i32 to index
        %swap3A_205 = arith.constant 80 : index
        %swap3A_206 = tpu.vector_load %arg10[%swap3A_204, %swap3A_205] {strides = array<i32>} : memref<64x128xf32, #tpu.memory_space<vmem>>, vector<1x16xf32>,
        %swap3A_207 = vector.shape_cast %swap3A_206 : vector<1x16xf32> to vector<16xf32>
        %swap3A_208 = vector.shape_cast %bitcast_convert_type3A_196 : vector<16xf32> to vector<1x16xf32>
        tpu.vector_store %arg10[%swap3A_204, %swap3A_205], %swap3A_208 {strides = array<i32>} : memref<64x128xf32, #tpu.memory_space<vmem>>, vector<1x16xf32>,
        %get3A_209 = arith.index_cast %scan3A_69 : i32 to index
        %get3A_210 = arith.constant 96 : index
        %get3A_211 = tpu.vector_load %arg8[%get3A_209, %get3A_210] {strides = array<i32>} : memref<32x128xi32, #tpu.memory_space<vmem>>, vector<1x16xi32>,
        %get3A_212 = vector.shape_cast %get3A_211 : vector<1x16xi32> to vector<16xi32>
        %shift_left3A_213 = arith.constant 16 : i32
        %shift_left3A_214 = vector.broadcast %shift_left3A_213 : i32 to vector<16xi32>
        %shift_left3A_215 = arith.shli %get3A_212, %shift_left3A_214 : vector<16xi32>
        %bitcast_convert_type3A_216 = tpu.bitcast %shift_left3A_215 : vector<16xi32> -> vector<16xf32>
        %and3A_217 = arith.constant -65536 : i32
        %and3A_218 = vector.broadcast %and3A_217 : i32 to vector<16xi32>
        %and3A_219 = arith.andi %get3A_212, %and3A_218 : vector<16xi32>
        %bitcast_convert_type3A_220 = tpu.bitcast %and3A_219 : vector<16xi32> -> vector<16xf32>
        %swap3A_221 = arith.index_cast %scan3A_69 : i32 to index
        %swap3A_222 = arith.constant 96 : index
        %swap3A_223 = tpu.vector_load %arg10[%swap3A_221, %swap3A_222] {strides = array<i32>} : memref<64x128xf32, #tpu.memory_space<vmem>>, vector<1x16xf32>,
        %swap3A_224 = vector.shape_cast %swap3A_223 : vector<1x16xf32> to vector<16xf32>
        %swap3A_225 = vector.shape_cast %bitcast_convert_type3A_216 : vector<16xf32> to vector<1x16xf32>
        tpu.vector_store %arg10[%swap3A_221, %swap3A_222], %swap3A_225 {strides = array<i32>} : memref<64x128xf32, #tpu.memory_space<vmem>>, vector<1x16xf32>,
        %add3A_226 = arith.constant 32 : i32
        %add3A_227 = arith.addi %scan3A_69, %add3A_226 : i32
        %swap3A_228 = arith.index_cast %add3A_227 : i32 to index
        %swap3A_229 = arith.constant 96 : index
        %swap3A_230 = tpu.vector_load %arg10[%swap3A_228, %swap3A_229] {strides = array<i32>} : memref<64x128xf32, #tpu.memory_space<vmem>>, vector<1x16xf32>,
        %swap3A_231 = vector.shape_cast %swap3A_230 : vector<1x16xf32> to vector<16xf32>
        %swap3A_232 = vector.shape_cast %bitcast_convert_type3A_220 : vector<16xf32> to vector<1x16xf32>
        tpu.vector_store %arg10[%swap3A_228, %swap3A_229], %swap3A_232 {strides = array<i32>} : memref<64x128xf32, #tpu.memory_space<vmem>>, vector<1x16xf32>,
        %get3A_233 = arith.index_cast %scan3A_69 : i32 to index
        %get3A_234 = arith.constant 112 : index
        %get3A_235 = tpu.vector_load %arg8[%get3A_233, %get3A_234] {strides = array<i32>} : memref<32x128xi32, #tpu.memory_space<vmem>>, vector<1x16xi32>,
        %get3A_236 = vector.shape_cast %get3A_235 : vector<1x16xi32> to vector<16xi32>
        %shift_left3A_237 = arith.constant 16 : i32
        %shift_left3A_238 = vector.broadcast %shift_left3A_237 : i32 to vector<16xi32>
        %shift_left3A_239 = arith.shli %get3A_236, %shift_left3A_238 : vector<16xi32>
        %bitcast_convert_type3A_240 = tpu.bitcast %shift_left3A_239 : vector<16xi32> -> vector<16xf32>
        %and3A_241 = arith.constant -65536 : i32
        %and3A_242 = vector.broadcast %and3A_241 : i32 to vector<16xi32>
        %and3A_243 = arith.andi %get3A_236, %and3A_242 : vector<16xi32>
        %bitcast_convert_type3A_244 = tpu.bitcast %and3A_243 : vector<16xi32> -> vector<16xf32>
        %swap3A_245 = arith.index_cast %scan3A_69 : i32 to index
        %swap3A_246 = arith.constant 112 : index
        %swap3A_247 = tpu.vector_load %arg10[%swap3A_245, %swap3A_246] {strides = array<i32>} : memref<64x128xf32, #tpu.memory_space<vmem>>, vector<1x16xf32>,
        %swap3A_248 = vector.shape_cast %swap3A_247 : vector<1x16xf32> to vector<16xf32>
        %swap3A_249 = vector.shape_cast %bitcast_convert_type3A_240 : vector<16xf32> to vector<1x16xf32>
        tpu.vector_store %arg10[%swap3A_245, %swap3A_246], %swap3A_249 {strides = array<i32>} : memref<64x128xf32, #tpu.memory_space<vmem>>, vector<1x16xf32>,
        %add3A_250 = arith.constant 32 : i32
        %add3A_251 = arith.addi %scan3A_69, %add3A_250 : i32
        %swap3A_252 = arith.index_cast %add3A_251 : i32 to index
        %swap3A_253 = arith.constant 112 : index
        %swap3A_254 = tpu.vector_load %arg10[%swap3A_252, %swap3A_253] {strides = array<i32>} : memref<64x128xf32, #tpu.memory_space<vmem>>, vector<1x16xf32>,
        %swap3A_255 = vector.shape_cast %swap3A_254 : vector<1x16xf32> to vector<16xf32>
        %swap3A_256 = vector.shape_cast %bitcast_convert_type3A_244 : vector<16xf32> to vector<1x16xf32>
        tpu.vector_store %arg10[%swap3A_252, %swap3A_253], %swap3A_256 {strides = array<i32>} : memref<64x128xf32, #tpu.memory_space<vmem>>, vector<1x16xf32>,
      }
      %scan3A_68 = arith.constant 32 : i32
      %run_scoped3A = arith.constant 78 : i32
      "tpu.region"() ({
        %run_scoped3A_69 = tpu.sem_alloc : memref<!tpu.dma_semaphore, #tpu.memory_space<semaphore_mem>>
        %dma_start3A_70 = arith.constant 0 : i32
        %dma_start3A_71 = tpu.memref_slice %arg6[%run_scoped3A, %dma_start3A_70] : memref<80x64xi32, #tpu.memory_space<vmem>> -> memref<1x64xi32, #tpu.memory_space<vmem>>
        %dma_start3A_72 = tpu.memref_squeeze %dma_start3A_71 : memref<1x64xi32, #tpu.memory_space<vmem>> -> memref<64xi32, #tpu.memory_space<vmem>>
        %dma_start3A_73 = arith.constant 0 : i32
        %dma_start3A_74 = arith.constant 0 : i32
        %dma_start3A_75 = tpu.memref_slice %arg11[%dma_start3A_73, %dma_start3A_74] : memref<10000x128xf32, #tpu.memory_space<vmem_shared>> -> memref<10000x128xf32, #tpu.memory_space<vmem_shared>>
        tpu.enqueue_indirect_dma source(%arg10 : memref<64x128xf32, #tpu.memory_space<vmem>>) target(%dma_start3A_75 : memref<10000x128xf32, #tpu.memory_space<vmem_shared>>) offsets(%dma_start3A_72 : memref<64xi32, #tpu.memory_space<vmem>>) semaphore(%run_scoped3A_69 : memref<!tpu.dma_semaphore, #tpu.memory_space<semaphore_mem>>) {add = true}
        %dma_wait3A_76 = arith.constant 0 : i32
        %dma_wait3A_77 = tpu.memref_slice %arg6[%run_scoped3A, %dma_wait3A_76] : memref<80x64xi32, #tpu.memory_space<vmem>> -> memref<1x64xi32, #tpu.memory_space<vmem>>
        %dma_wait3A_78 = tpu.memref_squeeze %dma_wait3A_77 : memref<1x64xi32, #tpu.memory_space<vmem>> -> memref<64xi32, #tpu.memory_space<vmem>>
        %dma_wait3A_79 = arith.constant 0 : i32
        %dma_wait3A_80 = arith.constant 0 : i32
        %dma_wait3A_81 = tpu.memref_slice %arg11[%dma_wait3A_79, %dma_wait3A_80] : memref<10000x128xf32, #tpu.memory_space<vmem_shared>> -> memref<10000x128xf32, #tpu.memory_space<vmem_shared>>
        tpu.wait_indirect_dma semaphore(%run_scoped3A_69 : memref<!tpu.dma_semaphore, #tpu.memory_space<semaphore_mem>>) src(%arg10 : memref<64x128xf32, #tpu.memory_space<vmem>>) dst(%dma_wait3A_81 : memref<10000x128xf32, #tpu.memory_space<vmem_shared>>)
        tpu.yield
      }) : () -> ()
    } else {
    }
    %barrier3A_46 = arith.constant 0 : index
    tpu.barrier barrier_id(%barrier3A_46)
    %mul3A_47 = arith.constant 624 : i32
    %mul3A_48 = arith.muli %arg1, %mul3A_47 : i32
    %mul3A_49 = arith.constant 10000 : i32
    %mul3A_50 = arith.muli %arg0, %mul3A_49 : i32
    %mul3A_51 = arith.constant 624 : i32
    %mul3A_52 = arith.muli %arg1, %mul3A_51 : i32
    %add3A_53 = arith.addi %mul3A_50, %mul3A_52 : i32
    "tpu.region"() ({
      %run_scoped3A = tpu.sem_alloc : memref<!tpu.dma_semaphore, #tpu.memory_space<semaphore_mem>>
      %dma_start3A_59 = arith.constant 0 : i32
      %dma_start3A_60 = tpu.memref_slice %arg5[%add3A_53, %dma_start3A_59] : memref<20000x128xf32, #tpu.memory_space<hbm>> -> memref<624x128xf32, #tpu.memory_space<hbm>>
      %dma_start3A_61 = arith.constant 0 : i32
      %dma_start3A_62 = tpu.memref_slice %arg11[%mul3A_48, %dma_start3A_61] : memref<10000x128xf32, #tpu.memory_space<vmem_shared>> -> memref<624x128xf32, #tpu.memory_space<vmem_shared>>
      tpu.enqueue_dma source(%dma_start3A_62 : memref<624x128xf32, #tpu.memory_space<vmem_shared>>) target(%dma_start3A_60 : memref<624x128xf32, #tpu.memory_space<hbm>>) target_semaphore(%run_scoped3A : memref<!tpu.dma_semaphore, #tpu.memory_space<semaphore_mem>>)
      %dma_wait3A_63 = arith.constant 0 : i32
      %dma_wait3A_64 = tpu.memref_slice %arg5[%add3A_53, %dma_wait3A_63] : memref<20000x128xf32, #tpu.memory_space<hbm>> -> memref<624x128xf32, #tpu.memory_space<hbm>>
      %dma_wait3A_65 = arith.constant 0 : i32
      %dma_wait3A_66 = tpu.memref_slice %arg11[%mul3A_48, %dma_wait3A_65] : memref<10000x128xf32, #tpu.memory_space<vmem_shared>> -> memref<624x128xf32, #tpu.memory_space<vmem_shared>>
      tpu.wait_dma2 semaphore(%run_scoped3A : memref<!tpu.dma_semaphore, #tpu.memory_space<semaphore_mem>>) src(%dma_wait3A_66 : memref<624x128xf32, #tpu.memory_space<vmem_shared>>) dst(%dma_wait3A_64 : memref<624x128xf32, #tpu.memory_space<hbm>>)
      tpu.yield
    }) : () -> ()
    %eq3A_54 = arith.constant 15 : i32
    %eq3A_55 = arith.cmpi eq, %arg1, %eq3A_54 : i32
    %convert_element_type3A_56 = arith.extui %eq3A_55 : i1 to i32
    %cond3A_57 = arith.constant 0 : i32
    %cond3A_58 = arith.cmpi ne, %convert_element_type3A_56, %cond3A_57 : i32
    scf.if %cond3A_58 {
      %mul3A_59 = arith.constant 10000 : i32
      %mul3A_60 = arith.muli %arg0, %mul3A_59 : i32
      %add3A_61 = arith.constant 9984 : i32
      %add3A_62 = arith.addi %mul3A_60, %add3A_61 : i32
      "tpu.region"() ({
        %run_scoped3A = tpu.sem_alloc : memref<!tpu.dma_semaphore, #tpu.memory_space<semaphore_mem>>
        %dma_start3A_63 = arith.constant 0 : i32
        %dma_start3A_64 = tpu.memref_slice %arg5[%add3A_62, %dma_start3A_63] : memref<20000x128xf32, #tpu.memory_space<hbm>> -> memref<16x128xf32, #tpu.memory_space<hbm>>
        %dma_start3A_65 = arith.constant 9984 : i32
        %dma_start3A_66 = arith.constant 0 : i32
        %dma_start3A_67 = tpu.memref_slice %arg11[%dma_start3A_65, %dma_start3A_66] : memref<10000x128xf32, #tpu.memory_space<vmem_shared>> -> memref<16x128xf32, #tpu.memory_space<vmem_shared>>
        tpu.enqueue_dma source(%dma_start3A_67 : memref<16x128xf32, #tpu.memory_space<vmem_shared>>) target(%dma_start3A_64 : memref<16x128xf32, #tpu.memory_space<hbm>>) target_semaphore(%run_scoped3A : memref<!tpu.dma_semaphore, #tpu.memory_space<semaphore_mem>>)
        %dma_wait3A_68 = arith.constant 0 : i32
        %dma_wait3A_69 = tpu.memref_slice %arg5[%add3A_62, %dma_wait3A_68] : memref<20000x128xf32, #tpu.memory_space<hbm>> -> memref<16x128xf32, #tpu.memory_space<hbm>>
        %dma_wait3A_70 = arith.constant 9984 : i32
        %dma_wait3A_71 = arith.constant 0 : i32
        %dma_wait3A_72 = tpu.memref_slice %arg11[%dma_wait3A_70, %dma_wait3A_71] : memref<10000x128xf32, #tpu.memory_space<vmem_shared>> -> memref<16x128xf32, #tpu.memory_space<vmem_shared>>
        tpu.wait_dma2 semaphore(%run_scoped3A : memref<!tpu.dma_semaphore, #tpu.memory_space<semaphore_mem>>) src(%dma_wait3A_72 : memref<16x128xf32, #tpu.memory_space<vmem_shared>>) dst(%dma_wait3A_69 : memref<16x128xf32, #tpu.memory_space<hbm>>)
        tpu.yield
      }) : () -> ()
    } else {
    }
    return
  }
}

#map = affine_map<(d0, d1) -> (0, 0)>
#map1 = affine_map<(d0, d1) -> (0, 0, 0)>
module attributes {stable_mosaic.version = 14 : i64} {
  func.func @_segsum_body(%arg0: i32, %arg1: i32, %arg2: memref<80000x128xi32, #tpu.memory_space<hbm>>, %arg3: memref<32x80x64xi32, #tpu.memory_space<hbm>>, %arg4: memref<624x128xf32, #tpu.memory_space<hbm>>, %arg5: memref<20000x128xf32, #tpu.memory_space<hbm>>, %arg6: memref<80x64xi32, #tpu.memory_space<vmem>>, %arg7: memref<32x128xi32, #tpu.memory_space<vmem>>, %arg8: memref<32x128xi32, #tpu.memory_space<vmem>>, %arg9: memref<64x128xf32, #tpu.memory_space<vmem>>, %arg10: memref<64x128xf32, #tpu.memory_space<vmem>>, %arg11: memref<10000x128xf32, #tpu.memory_space<vmem_shared>>, %arg12: memref<!tpu.dma_semaphore, #tpu.memory_space<semaphore_mem>>, %arg13: memref<!tpu.dma_semaphore, #tpu.memory_space<semaphore_mem>>, %arg14: memref<!tpu.dma_semaphore, #tpu.memory_space<semaphore_mem>>, %arg15: memref<!tpu.dma_semaphore, #tpu.memory_space<semaphore_mem>>) attributes {dimension_semantics = [#tpu.dimension_semantics<core_parallel>, #tpu.dimension_semantics<subcore_parallel>], iteration_bounds = array<i64: 2, 16>, scalar_prefetch = 0 : i64, scratch_operands = 10 : i64, tpu.core_type = #tpu.core_type<sc_vector_subcore>, window_params = [{transform_indices = #map}, {transform_indices = #map1}, {transform_indices = #map}, {transform_indices = #map}]} {
    %mul3A = arith.constant 16 : i32
    %mul3A_0 = arith.muli %arg0, %mul3A : i32
    %add3A = arith.addi %mul3A_0, %arg1 : i32
    %mul3A_1 = arith.constant 78 : i32
    %mul3A_2 = arith.muli %add3A, %mul3A_1 : i32
    %min3A = arith.constant 4 : i32
    %min3A_3 = arith.minsi %add3A, %min3A : i32
    %add3A_4 = arith.addi %mul3A_2, %min3A_3 : i32
    %lt3A = arith.constant 4 : i32
    %lt3A_5 = arith.cmpi slt, %add3A, %lt3A : i32
    %mul3A_6 = arith.constant 624 : i32
    %mul3A_7 = arith.muli %arg1, %mul3A_6 : i32
    "tpu.region"() ({
      %run_scoped3A = tpu.sem_alloc : memref<!tpu.dma_semaphore, #tpu.memory_space<semaphore_mem>>
      %dma_start3A_59 = arith.constant 0 : i32
      %dma_start3A_60 = tpu.memref_slice %arg11[%mul3A_7, %dma_start3A_59] : memref<10000x128xf32, #tpu.memory_space<vmem_shared>> -> memref<624x128xf32, #tpu.memory_space<vmem_shared>>
      tpu.enqueue_dma source(%arg4 : memref<624x128xf32, #tpu.memory_space<hbm>>) target(%dma_start3A_60 : memref<624x128xf32, #tpu.memory_space<vmem_shared>>) target_semaphore(%run_scoped3A : memref<!tpu.dma_semaphore, #tpu.memory_space<semaphore_mem>>)
      %dma_wait3A_61 = arith.constant 0 : i32
      %dma_wait3A_62 = tpu.memref_slice %arg11[%mul3A_7, %dma_wait3A_61] : memref<10000x128xf32, #tpu.memory_space<vmem_shared>> -> memref<624x128xf32, #tpu.memory_space<vmem_shared>>
      tpu.wait_dma2 semaphore(%run_scoped3A : memref<!tpu.dma_semaphore, #tpu.memory_space<semaphore_mem>>) src(%arg4 : memref<624x128xf32, #tpu.memory_space<hbm>>) dst(%dma_wait3A_62 : memref<624x128xf32, #tpu.memory_space<vmem_shared>>)
      tpu.yield
    }) : () -> ()
    %eq3A = arith.constant 15 : i32
    %eq3A_8 = arith.cmpi eq, %arg1, %eq3A : i32
    %convert_element_type3A = arith.extui %eq3A_8 : i1 to i32
    %cond3A = arith.constant 0 : i32
    %cond3A_9 = arith.cmpi ne, %convert_element_type3A, %cond3A : i32
    scf.if %cond3A_9 {
      "tpu.region"() ({
        %run_scoped3A = tpu.sem_alloc : memref<!tpu.dma_semaphore, #tpu.memory_space<semaphore_mem>>
        %dma_start3A_59 = arith.constant 9984 : i32
        %dma_start3A_60 = arith.constant 0 : i32
        %dma_start3A_61 = tpu.memref_slice %arg11[%dma_start3A_59, %dma_start3A_60] : memref<10000x128xf32, #tpu.memory_space<vmem_shared>> -> memref<16x128xf32, #tpu.memory_space<vmem_shared>>
        %dma_start3A_62 = arith.constant 0 : i32
        %dma_start3A_63 = arith.constant 0 : i32
        %dma_start3A_64 = tpu.memref_slice %arg4[%dma_start3A_62, %dma_start3A_63] : memref<624x128xf32, #tpu.memory_space<hbm>> -> memref<16x128xf32, #tpu.memory_space<hbm>>
        tpu.enqueue_dma source(%dma_start3A_64 : memref<16x128xf32, #tpu.memory_space<hbm>>) target(%dma_start3A_61 : memref<16x128xf32, #tpu.memory_space<vmem_shared>>) target_semaphore(%run_scoped3A : memref<!tpu.dma_semaphore, #tpu.memory_space<semaphore_mem>>)
        %dma_wait3A_65 = arith.constant 9984 : i32
        %dma_wait3A_66 = arith.constant 0 : i32
        %dma_wait3A_67 = tpu.memref_slice %arg11[%dma_wait3A_65, %dma_wait3A_66] : memref<10000x128xf32, #tpu.memory_space<vmem_shared>> -> memref<16x128xf32, #tpu.memory_space<vmem_shared>>
        %dma_wait3A_68 = arith.constant 0 : i32
        %dma_wait3A_69 = arith.constant 0 : i32
        %dma_wait3A_70 = tpu.memref_slice %arg4[%dma_wait3A_68, %dma_wait3A_69] : memref<624x128xf32, #tpu.memory_space<hbm>> -> memref<16x128xf32, #tpu.memory_space<hbm>>
        tpu.wait_dma2 semaphore(%run_scoped3A : memref<!tpu.dma_semaphore, #tpu.memory_space<semaphore_mem>>) src(%dma_wait3A_70 : memref<16x128xf32, #tpu.memory_space<hbm>>) dst(%dma_wait3A_67 : memref<16x128xf32, #tpu.memory_space<vmem_shared>>)
        tpu.yield
      }) : () -> ()
    } else {
    }
    "tpu.region"() ({
      %run_scoped3A = tpu.sem_alloc : memref<!tpu.dma_semaphore, #tpu.memory_space<semaphore_mem>>
      %dma_start3A_59 = arith.constant 0 : i32
      %dma_start3A_60 = arith.constant 0 : i32
      %dma_start3A_61 = tpu.memref_slice %arg3[%add3A, %dma_start3A_59, %dma_start3A_60] : memref<32x80x64xi32, #tpu.memory_space<hbm>> -> memref<1x80x64xi32, #tpu.memory_space<hbm>>
      %dma_start3A_62 = tpu.memref_squeeze %dma_start3A_61 : memref<1x80x64xi32, #tpu.memory_space<hbm>> -> memref<80x64xi32, #tpu.memory_space<hbm>>
      %dma_start3A_63 = arith.constant 0 : i32
      %dma_start3A_64 = arith.constant 0 : i32
      %dma_start3A_65 = tpu.memref_slice %arg3[%add3A, %dma_start3A_63, %dma_start3A_64] : memref<32x80x64xi32, #tpu.memory_space<hbm>> -> memref<1x80x64xi32, #tpu.memory_space<hbm>>
      %dma_start3A_66 = tpu.memref_squeeze %dma_start3A_65 : memref<1x80x64xi32, #tpu.memory_space<hbm>> -> memref<80x64xi32, #tpu.memory_space<hbm>>
      tpu.enqueue_dma source(%dma_start3A_66 : memref<80x64xi32, #tpu.memory_space<hbm>>) target(%arg6 : memref<80x64xi32, #tpu.memory_space<vmem>>) target_semaphore(%run_scoped3A : memref<!tpu.dma_semaphore, #tpu.memory_space<semaphore_mem>>)
      %dma_wait3A_67 = arith.constant 0 : i32
      %dma_wait3A_68 = arith.constant 0 : i32
      %dma_wait3A_69 = tpu.memref_slice %arg3[%add3A, %dma_wait3A_67, %dma_wait3A_68] : memref<32x80x64xi32, #tpu.memory_space<hbm>> -> memref<1x80x64xi32, #tpu.memory_space<hbm>>
      %dma_wait3A_70 = tpu.memref_squeeze %dma_wait3A_69 : memref<1x80x64xi32, #tpu.memory_space<hbm>> -> memref<80x64xi32, #tpu.memory_space<hbm>>
      %dma_wait3A_71 = arith.constant 0 : i32
      %dma_wait3A_72 = arith.constant 0 : i32
      %dma_wait3A_73 = tpu.memref_slice %arg3[%add3A, %dma_wait3A_71, %dma_wait3A_72] : memref<32x80x64xi32, #tpu.memory_space<hbm>> -> memref<1x80x64xi32, #tpu.memory_space<hbm>>
      %dma_wait3A_74 = tpu.memref_squeeze %dma_wait3A_73 : memref<1x80x64xi32, #tpu.memory_space<hbm>> -> memref<80x64xi32, #tpu.memory_space<hbm>>
      tpu.wait_dma2 semaphore(%run_scoped3A : memref<!tpu.dma_semaphore, #tpu.memory_space<semaphore_mem>>) src(%dma_wait3A_74 : memref<80x64xi32, #tpu.memory_space<hbm>>) dst(%arg6 : memref<80x64xi32, #tpu.memory_space<vmem>>)
      tpu.yield
    }) : () -> ()
    %barrier3A = arith.constant 0 : index
    tpu.barrier barrier_id(%barrier3A)
    %add3A_10 = arith.constant 0 : i32
    %add3A_11 = arith.addi %add3A_4, %add3A_10 : i32
    %mul3A_12 = arith.constant 32 : i32
    %mul3A_13 = arith.muli %add3A_11, %mul3A_12 : i32
    %dma_start3A = arith.constant 0 : i32
    %dma_start3A_14 = tpu.memref_slice %arg2[%mul3A_13, %dma_start3A] : memref<80000x128xi32, #tpu.memory_space<hbm>> -> memref<32x128xi32, #tpu.memory_space<hbm>>
    %dma_start3A_15 = arith.constant 0 : i32
    %dma_start3A_16 = tpu.memref_slice %arg2[%mul3A_13, %dma_start3A_15] : memref<80000x128xi32, #tpu.memory_space<hbm>> -> memref<32x128xi32, #tpu.memory_space<hbm>>
    tpu.enqueue_dma source(%dma_start3A_16 : memref<32x128xi32, #tpu.memory_space<hbm>>) target(%arg7 : memref<32x128xi32, #tpu.memory_space<vmem>>) target_semaphore(%arg12 : memref<!tpu.dma_semaphore, #tpu.memory_space<semaphore_mem>>)
    %add3A_17 = arith.constant 1 : i32
    %add3A_18 = arith.addi %add3A_4, %add3A_17 : i32
    %mul3A_19 = arith.constant 32 : i32
    %mul3A_20 = arith.muli %add3A_18, %mul3A_19 : i32
    %dma_start3A_21 = arith.constant 0 : i32
    %dma_start3A_22 = tpu.memref_slice %arg2[%mul3A_20, %dma_start3A_21] : memref<80000x128xi32, #tpu.memory_space<hbm>> -> memref<32x128xi32, #tpu.memory_space<hbm>>
    %dma_start3A_23 = arith.constant 0 : i32
    %dma_start3A_24 = tpu.memref_slice %arg2[%mul3A_20, %dma_start3A_23] : memref<80000x128xi32, #tpu.memory_space<hbm>> -> memref<32x128xi32, #tpu.memory_space<hbm>>
    tpu.enqueue_dma source(%dma_start3A_24 : memref<32x128xi32, #tpu.memory_space<hbm>>) target(%arg8 : memref<32x128xi32, #tpu.memory_space<vmem>>) target_semaphore(%arg13 : memref<!tpu.dma_semaphore, #tpu.memory_space<semaphore_mem>>)
    %scan3A = arith.constant 0 : i32
    %scan3A_25 = arith.constant 0 : i32
    %scan3A_26 = arith.constant 39 : i32
    %scan3A_27 = arith.addi %scan3A_25, %scan3A_26 : i32
    %scan3A_28 = arith.constant 1 : i32
    scf.for %scan3A_59 = %scan3A_25 to %scan3A_27 step %scan3A_28  : i32 {
      %mul3A_60 = arith.constant 2 : i32
      %mul3A_61 = arith.muli %mul3A_60, %scan3A_59 : i32
      %mul3A_62 = arith.constant 2 : i32
      %mul3A_63 = arith.muli %mul3A_62, %scan3A_59 : i32
      %add3A_64 = arith.constant 1 : i32
      %add3A_65 = arith.addi %mul3A_63, %add3A_64 : i32
      %dma_wait3A_66 = arith.constant 0 : i32
      %dma_wait3A_67 = arith.constant 0 : i32
      %dma_wait3A_68 = tpu.memref_slice %arg2[%dma_wait3A_66, %dma_wait3A_67] : memref<80000x128xi32, #tpu.memory_space<hbm>> -> memref<32x128xi32, #tpu.memory_space<hbm>>
      %dma_wait3A_69 = arith.constant 0 : i32
      %dma_wait3A_70 = arith.constant 0 : i32
      %dma_wait3A_71 = tpu.memref_slice %arg2[%dma_wait3A_69, %dma_wait3A_70] : memref<80000x128xi32, #tpu.memory_space<hbm>> -> memref<32x128xi32, #tpu.memory_space<hbm>>
      tpu.wait_dma2 semaphore(%arg12 : memref<!tpu.dma_semaphore, #tpu.memory_space<semaphore_mem>>) src(%dma_wait3A_71 : memref<32x128xi32, #tpu.memory_space<hbm>>) dst(%arg7 : memref<32x128xi32, #tpu.memory_space<vmem>>)
      %gt3A = arith.constant 0 : i32
      %gt3A_72 = arith.cmpi sgt, %scan3A_59, %gt3A : i32
      %convert_element_type3A_73 = arith.extui %gt3A_72 : i1 to i32
      %cond3A_74 = arith.constant 0 : i32
      %cond3A_75 = arith.cmpi ne, %convert_element_type3A_73, %cond3A_74 : i32
      scf.if %cond3A_75 {
        %sub3A = arith.constant 2 : i32
        %sub3A_125 = arith.subi %mul3A_61, %sub3A : i32
        %max3A = arith.constant 0 : i32
        %max3A_126 = arith.maxsi %sub3A_125, %max3A : i32
        %dma_wait3A_127 = arith.constant 0 : i32
        %dma_wait3A_128 = tpu.memref_slice %arg6[%max3A_126, %dma_wait3A_127] : memref<80x64xi32, #tpu.memory_space<vmem>> -> memref<1x64xi32, #tpu.memory_space<vmem>>
        %dma_wait3A_129 = tpu.memref_squeeze %dma_wait3A_128 : memref<1x64xi32, #tpu.memory_space<vmem>> -> memref<64xi32, #tpu.memory_space<vmem>>
        %dma_wait3A_130 = arith.constant 0 : i32
        %dma_wait3A_131 = arith.constant 0 : i32
        %dma_wait3A_132 = tpu.memref_slice %arg11[%dma_wait3A_130, %dma_wait3A_131] : memref<10000x128xf32, #tpu.memory_space<vmem_shared>> -> memref<10000x128xf32, #tpu.memory_space<vmem_shared>>
        tpu.wait_indirect_dma semaphore(%arg14 : memref<!tpu.dma_semaphore, #tpu.memory_space<semaphore_mem>>) src(%arg9 : memref<64x128xf32, #tpu.memory_space<vmem>>) dst(%dma_wait3A_132 : memref<10000x128xf32, #tpu.memory_space<vmem_shared>>)
      } else {
      }
      %scan3A_76 = arith.constant 0 : i32
      %scan3A_77 = arith.constant 0 : i32
      %scan3A_78 = arith.constant 32 : i32
      %scan3A_79 = arith.addi %scan3A_77, %scan3A_78 : i32
      %scan3A_80 = arith.constant 1 : i32
      scf.for %scan3A_125 = %scan3A_77 to %scan3A_79 step %scan3A_80  : i32 {
        %get3A = arith.index_cast %scan3A_125 : i32 to index
        %get3A_126 = arith.constant 0 : index
        %get3A_127 = tpu.vector_load %arg7[%get3A, %get3A_126] {strides = array<i32>} : memref<32x128xi32, #tpu.memory_space<vmem>>, vector<1x16xi32>,
        %get3A_128 = vector.shape_cast %get3A_127 : vector<1x16xi32> to vector<16xi32>
        %shift_left3A = arith.constant 16 : i32
        %shift_left3A_129 = vector.broadcast %shift_left3A : i32 to vector<16xi32>
        %shift_left3A_130 = arith.shli %get3A_128, %shift_left3A_129 : vector<16xi32>
        %bitcast_convert_type3A = tpu.bitcast %shift_left3A_130 : vector<16xi32> -> vector<16xf32>
        %and3A = arith.constant -65536 : i32
        %and3A_131 = vector.broadcast %and3A : i32 to vector<16xi32>
        %and3A_132 = arith.andi %get3A_128, %and3A_131 : vector<16xi32>
        %bitcast_convert_type3A_133 = tpu.bitcast %and3A_132 : vector<16xi32> -> vector<16xf32>
        %swap3A = arith.index_cast %scan3A_125 : i32 to index
        %swap3A_134 = arith.constant 0 : index
        %swap3A_135 = tpu.vector_load %arg9[%swap3A, %swap3A_134] {strides = array<i32>} : memref<64x128xf32, #tpu.memory_space<vmem>>, vector<1x16xf32>,
        %swap3A_136 = vector.shape_cast %swap3A_135 : vector<1x16xf32> to vector<16xf32>
        %swap3A_137 = vector.shape_cast %bitcast_convert_type3A : vector<16xf32> to vector<1x16xf32>
        tpu.vector_store %arg9[%swap3A, %swap3A_134], %swap3A_137 {strides = array<i32>} : memref<64x128xf32, #tpu.memory_space<vmem>>, vector<1x16xf32>,
        %add3A_138 = arith.constant 32 : i32
        %add3A_139 = arith.addi %scan3A_125, %add3A_138 : i32
        %swap3A_140 = arith.index_cast %add3A_139 : i32 to index
        %swap3A_141 = arith.constant 0 : index
        %swap3A_142 = tpu.vector_load %arg9[%swap3A_140, %swap3A_141] {strides = array<i32>} : memref<64x128xf32, #tpu.memory_space<vmem>>, vector<1x16xf32>,
        %swap3A_143 = vector.shape_cast %swap3A_142 : vector<1x16xf32> to vector<16xf32>
        %swap3A_144 = vector.shape_cast %bitcast_convert_type3A_133 : vector<16xf32> to vector<1x16xf32>
        tpu.vector_store %arg9[%swap3A_140, %swap3A_141], %swap3A_144 {strides = array<i32>} : memref<64x128xf32, #tpu.memory_space<vmem>>, vector<1x16xf32>,
        %get3A_145 = arith.index_cast %scan3A_125 : i32 to index
        %get3A_146 = arith.constant 16 : index
        %get3A_147 = tpu.vector_load %arg7[%get3A_145, %get3A_146] {strides = array<i32>} : memref<32x128xi32, #tpu.memory_space<vmem>>, vector<1x16xi32>,
        %get3A_148 = vector.shape_cast %get3A_147 : vector<1x16xi32> to vector<16xi32>
        %shift_left3A_149 = arith.constant 16 : i32
        %shift_left3A_150 = vector.broadcast %shift_left3A_149 : i32 to vector<16xi32>
        %shift_left3A_151 = arith.shli %get3A_148, %shift_left3A_150 : vector<16xi32>
        %bitcast_convert_type3A_152 = tpu.bitcast %shift_left3A_151 : vector<16xi32> -> vector<16xf32>
        %and3A_153 = arith.constant -65536 : i32
        %and3A_154 = vector.broadcast %and3A_153 : i32 to vector<16xi32>
        %and3A_155 = arith.andi %get3A_148, %and3A_154 : vector<16xi32>
        %bitcast_convert_type3A_156 = tpu.bitcast %and3A_155 : vector<16xi32> -> vector<16xf32>
        %swap3A_157 = arith.index_cast %scan3A_125 : i32 to index
        %swap3A_158 = arith.constant 16 : index
        %swap3A_159 = tpu.vector_load %arg9[%swap3A_157, %swap3A_158] {strides = array<i32>} : memref<64x128xf32, #tpu.memory_space<vmem>>, vector<1x16xf32>,
        %swap3A_160 = vector.shape_cast %swap3A_159 : vector<1x16xf32> to vector<16xf32>
        %swap3A_161 = vector.shape_cast %bitcast_convert_type3A_152 : vector<16xf32> to vector<1x16xf32>
        tpu.vector_store %arg9[%swap3A_157, %swap3A_158], %swap3A_161 {strides = array<i32>} : memref<64x128xf32, #tpu.memory_space<vmem>>, vector<1x16xf32>,
        %add3A_162 = arith.constant 32 : i32
        %add3A_163 = arith.addi %scan3A_125, %add3A_162 : i32
        %swap3A_164 = arith.index_cast %add3A_163 : i32 to index
        %swap3A_165 = arith.constant 16 : index
        %swap3A_166 = tpu.vector_load %arg9[%swap3A_164, %swap3A_165] {strides = array<i32>} : memref<64x128xf32, #tpu.memory_space<vmem>>, vector<1x16xf32>,
        %swap3A_167 = vector.shape_cast %swap3A_166 : vector<1x16xf32> to vector<16xf32>
        %swap3A_168 = vector.shape_cast %bitcast_convert_type3A_156 : vector<16xf32> to vector<1x16xf32>
        tpu.vector_store %arg9[%swap3A_164, %swap3A_165], %swap3A_168 {strides = array<i32>} : memref<64x128xf32, #tpu.memory_space<vmem>>, vector<1x16xf32>,
        %get3A_169 = arith.index_cast %scan3A_125 : i32 to index
        %get3A_170 = arith.constant 32 : index
        %get3A_171 = tpu.vector_load %arg7[%get3A_169, %get3A_170] {strides = array<i32>} : memref<32x128xi32, #tpu.memory_space<vmem>>, vector<1x16xi32>,
        %get3A_172 = vector.shape_cast %get3A_171 : vector<1x16xi32> to vector<16xi32>
        %shift_left3A_173 = arith.constant 16 : i32
        %shift_left3A_174 = vector.broadcast %shift_left3A_173 : i32 to vector<16xi32>
        %shift_left3A_175 = arith.shli %get3A_172, %shift_left3A_174 : vector<16xi32>
        %bitcast_convert_type3A_176 = tpu.bitcast %shift_left3A_175 : vector<16xi32> -> vector<16xf32>
        %and3A_177 = arith.constant -65536 : i32
        %and3A_178 = vector.broadcast %and3A_177 : i32 to vector<16xi32>
        %and3A_179 = arith.andi %get3A_172, %and3A_178 : vector<16xi32>
        %bitcast_convert_type3A_180 = tpu.bitcast %and3A_179 : vector<16xi32> -> vector<16xf32>
        %swap3A_181 = arith.index_cast %scan3A_125 : i32 to index
        %swap3A_182 = arith.constant 32 : index
        %swap3A_183 = tpu.vector_load %arg9[%swap3A_181, %swap3A_182] {strides = array<i32>} : memref<64x128xf32, #tpu.memory_space<vmem>>, vector<1x16xf32>,
        %swap3A_184 = vector.shape_cast %swap3A_183 : vector<1x16xf32> to vector<16xf32>
        %swap3A_185 = vector.shape_cast %bitcast_convert_type3A_176 : vector<16xf32> to vector<1x16xf32>
        tpu.vector_store %arg9[%swap3A_181, %swap3A_182], %swap3A_185 {strides = array<i32>} : memref<64x128xf32, #tpu.memory_space<vmem>>, vector<1x16xf32>,
        %add3A_186 = arith.constant 32 : i32
        %add3A_187 = arith.addi %scan3A_125, %add3A_186 : i32
        %swap3A_188 = arith.index_cast %add3A_187 : i32 to index
        %swap3A_189 = arith.constant 32 : index
        %swap3A_190 = tpu.vector_load %arg9[%swap3A_188, %swap3A_189] {strides = array<i32>} : memref<64x128xf32, #tpu.memory_space<vmem>>, vector<1x16xf32>,
        %swap3A_191 = vector.shape_cast %swap3A_190 : vector<1x16xf32> to vector<16xf32>
        %swap3A_192 = vector.shape_cast %bitcast_convert_type3A_180 : vector<16xf32> to vector<1x16xf32>
        tpu.vector_store %arg9[%swap3A_188, %swap3A_189], %swap3A_192 {strides = array<i32>} : memref<64x128xf32, #tpu.memory_space<vmem>>, vector<1x16xf32>,
        %get3A_193 = arith.index_cast %scan3A_125 : i32 to index
        %get3A_194 = arith.constant 48 : index
        %get3A_195 = tpu.vector_load %arg7[%get3A_193, %get3A_194] {strides = array<i32>} : memref<32x128xi32, #tpu.memory_space<vmem>>, vector<1x16xi32>,
        %get3A_196 = vector.shape_cast %get3A_195 : vector<1x16xi32> to vector<16xi32>
        %shift_left3A_197 = arith.constant 16 : i32
        %shift_left3A_198 = vector.broadcast %shift_left3A_197 : i32 to vector<16xi32>
        %shift_left3A_199 = arith.shli %get3A_196, %shift_left3A_198 : vector<16xi32>
        %bitcast_convert_type3A_200 = tpu.bitcast %shift_left3A_199 : vector<16xi32> -> vector<16xf32>
        %and3A_201 = arith.constant -65536 : i32
        %and3A_202 = vector.broadcast %and3A_201 : i32 to vector<16xi32>
        %and3A_203 = arith.andi %get3A_196, %and3A_202 : vector<16xi32>
        %bitcast_convert_type3A_204 = tpu.bitcast %and3A_203 : vector<16xi32> -> vector<16xf32>
        %swap3A_205 = arith.index_cast %scan3A_125 : i32 to index
        %swap3A_206 = arith.constant 48 : index
        %swap3A_207 = tpu.vector_load %arg9[%swap3A_205, %swap3A_206] {strides = array<i32>} : memref<64x128xf32, #tpu.memory_space<vmem>>, vector<1x16xf32>,
        %swap3A_208 = vector.shape_cast %swap3A_207 : vector<1x16xf32> to vector<16xf32>
        %swap3A_209 = vector.shape_cast %bitcast_convert_type3A_200 : vector<16xf32> to vector<1x16xf32>
        tpu.vector_store %arg9[%swap3A_205, %swap3A_206], %swap3A_209 {strides = array<i32>} : memref<64x128xf32, #tpu.memory_space<vmem>>, vector<1x16xf32>,
        %add3A_210 = arith.constant 32 : i32
        %add3A_211 = arith.addi %scan3A_125, %add3A_210 : i32
        %swap3A_212 = arith.index_cast %add3A_211 : i32 to index
        %swap3A_213 = arith.constant 48 : index
        %swap3A_214 = tpu.vector_load %arg9[%swap3A_212, %swap3A_213] {strides = array<i32>} : memref<64x128xf32, #tpu.memory_space<vmem>>, vector<1x16xf32>,
        %swap3A_215 = vector.shape_cast %swap3A_214 : vector<1x16xf32> to vector<16xf32>
        %swap3A_216 = vector.shape_cast %bitcast_convert_type3A_204 : vector<16xf32> to vector<1x16xf32>
        tpu.vector_store %arg9[%swap3A_212, %swap3A_213], %swap3A_216 {strides = array<i32>} : memref<64x128xf32, #tpu.memory_space<vmem>>, vector<1x16xf32>,
        %get3A_217 = arith.index_cast %scan3A_125 : i32 to index
        %get3A_218 = arith.constant 64 : index
        %get3A_219 = tpu.vector_load %arg7[%get3A_217, %get3A_218] {strides = array<i32>} : memref<32x128xi32, #tpu.memory_space<vmem>>, vector<1x16xi32>,
        %get3A_220 = vector.shape_cast %get3A_219 : vector<1x16xi32> to vector<16xi32>
        %shift_left3A_221 = arith.constant 16 : i32
        %shift_left3A_222 = vector.broadcast %shift_left3A_221 : i32 to vector<16xi32>
        %shift_left3A_223 = arith.shli %get3A_220, %shift_left3A_222 : vector<16xi32>
        %bitcast_convert_type3A_224 = tpu.bitcast %shift_left3A_223 : vector<16xi32> -> vector<16xf32>
        %and3A_225 = arith.constant -65536 : i32
        %and3A_226 = vector.broadcast %and3A_225 : i32 to vector<16xi32>
        %and3A_227 = arith.andi %get3A_220, %and3A_226 : vector<16xi32>
        %bitcast_convert_type3A_228 = tpu.bitcast %and3A_227 : vector<16xi32> -> vector<16xf32>
        %swap3A_229 = arith.index_cast %scan3A_125 : i32 to index
        %swap3A_230 = arith.constant 64 : index
        %swap3A_231 = tpu.vector_load %arg9[%swap3A_229, %swap3A_230] {strides = array<i32>} : memref<64x128xf32, #tpu.memory_space<vmem>>, vector<1x16xf32>,
        %swap3A_232 = vector.shape_cast %swap3A_231 : vector<1x16xf32> to vector<16xf32>
        %swap3A_233 = vector.shape_cast %bitcast_convert_type3A_224 : vector<16xf32> to vector<1x16xf32>
        tpu.vector_store %arg9[%swap3A_229, %swap3A_230], %swap3A_233 {strides = array<i32>} : memref<64x128xf32, #tpu.memory_space<vmem>>, vector<1x16xf32>,
        %add3A_234 = arith.constant 32 : i32
        %add3A_235 = arith.addi %scan3A_125, %add3A_234 : i32
        %swap3A_236 = arith.index_cast %add3A_235 : i32 to index
        %swap3A_237 = arith.constant 64 : index
        %swap3A_238 = tpu.vector_load %arg9[%swap3A_236, %swap3A_237] {strides = array<i32>} : memref<64x128xf32, #tpu.memory_space<vmem>>, vector<1x16xf32>,
        %swap3A_239 = vector.shape_cast %swap3A_238 : vector<1x16xf32> to vector<16xf32>
        %swap3A_240 = vector.shape_cast %bitcast_convert_type3A_228 : vector<16xf32> to vector<1x16xf32>
        tpu.vector_store %arg9[%swap3A_236, %swap3A_237], %swap3A_240 {strides = array<i32>} : memref<64x128xf32, #tpu.memory_space<vmem>>, vector<1x16xf32>,
        %get3A_241 = arith.index_cast %scan3A_125 : i32 to index
        %get3A_242 = arith.constant 80 : index
        %get3A_243 = tpu.vector_load %arg7[%get3A_241, %get3A_242] {strides = array<i32>} : memref<32x128xi32, #tpu.memory_space<vmem>>, vector<1x16xi32>,
        %get3A_244 = vector.shape_cast %get3A_243 : vector<1x16xi32> to vector<16xi32>
        %shift_left3A_245 = arith.constant 16 : i32
        %shift_left3A_246 = vector.broadcast %shift_left3A_245 : i32 to vector<16xi32>
        %shift_left3A_247 = arith.shli %get3A_244, %shift_left3A_246 : vector<16xi32>
        %bitcast_convert_type3A_248 = tpu.bitcast %shift_left3A_247 : vector<16xi32> -> vector<16xf32>
        %and3A_249 = arith.constant -65536 : i32
        %and3A_250 = vector.broadcast %and3A_249 : i32 to vector<16xi32>
        %and3A_251 = arith.andi %get3A_244, %and3A_250 : vector<16xi32>
        %bitcast_convert_type3A_252 = tpu.bitcast %and3A_251 : vector<16xi32> -> vector<16xf32>
        %swap3A_253 = arith.index_cast %scan3A_125 : i32 to index
        %swap3A_254 = arith.constant 80 : index
        %swap3A_255 = tpu.vector_load %arg9[%swap3A_253, %swap3A_254] {strides = array<i32>} : memref<64x128xf32, #tpu.memory_space<vmem>>, vector<1x16xf32>,
        %swap3A_256 = vector.shape_cast %swap3A_255 : vector<1x16xf32> to vector<16xf32>
        %swap3A_257 = vector.shape_cast %bitcast_convert_type3A_248 : vector<16xf32> to vector<1x16xf32>
        tpu.vector_store %arg9[%swap3A_253, %swap3A_254], %swap3A_257 {strides = array<i32>} : memref<64x128xf32, #tpu.memory_space<vmem>>, vector<1x16xf32>,
        %add3A_258 = arith.constant 32 : i32
        %add3A_259 = arith.addi %scan3A_125, %add3A_258 : i32
        %swap3A_260 = arith.index_cast %add3A_259 : i32 to index
        %swap3A_261 = arith.constant 80 : index
        %swap3A_262 = tpu.vector_load %arg9[%swap3A_260, %swap3A_261] {strides = array<i32>} : memref<64x128xf32, #tpu.memory_space<vmem>>, vector<1x16xf32>,
        %swap3A_263 = vector.shape_cast %swap3A_262 : vector<1x16xf32> to vector<16xf32>
        %swap3A_264 = vector.shape_cast %bitcast_convert_type3A_252 : vector<16xf32> to vector<1x16xf32>
        tpu.vector_store %arg9[%swap3A_260, %swap3A_261], %swap3A_264 {strides = array<i32>} : memref<64x128xf32, #tpu.memory_space<vmem>>, vector<1x16xf32>,
        %get3A_265 = arith.index_cast %scan3A_125 : i32 to index
        %get3A_266 = arith.constant 96 : index
        %get3A_267 = tpu.vector_load %arg7[%get3A_265, %get3A_266] {strides = array<i32>} : memref<32x128xi32, #tpu.memory_space<vmem>>, vector<1x16xi32>,
        %get3A_268 = vector.shape_cast %get3A_267 : vector<1x16xi32> to vector<16xi32>
        %shift_left3A_269 = arith.constant 16 : i32
        %shift_left3A_270 = vector.broadcast %shift_left3A_269 : i32 to vector<16xi32>
        %shift_left3A_271 = arith.shli %get3A_268, %shift_left3A_270 : vector<16xi32>
        %bitcast_convert_type3A_272 = tpu.bitcast %shift_left3A_271 : vector<16xi32> -> vector<16xf32>
        %and3A_273 = arith.constant -65536 : i32
        %and3A_274 = vector.broadcast %and3A_273 : i32 to vector<16xi32>
        %and3A_275 = arith.andi %get3A_268, %and3A_274 : vector<16xi32>
        %bitcast_convert_type3A_276 = tpu.bitcast %and3A_275 : vector<16xi32> -> vector<16xf32>
        %swap3A_277 = arith.index_cast %scan3A_125 : i32 to index
        %swap3A_278 = arith.constant 96 : index
        %swap3A_279 = tpu.vector_load %arg9[%swap3A_277, %swap3A_278] {strides = array<i32>} : memref<64x128xf32, #tpu.memory_space<vmem>>, vector<1x16xf32>,
        %swap3A_280 = vector.shape_cast %swap3A_279 : vector<1x16xf32> to vector<16xf32>
        %swap3A_281 = vector.shape_cast %bitcast_convert_type3A_272 : vector<16xf32> to vector<1x16xf32>
        tpu.vector_store %arg9[%swap3A_277, %swap3A_278], %swap3A_281 {strides = array<i32>} : memref<64x128xf32, #tpu.memory_space<vmem>>, vector<1x16xf32>,
        %add3A_282 = arith.constant 32 : i32
        %add3A_283 = arith.addi %scan3A_125, %add3A_282 : i32
        %swap3A_284 = arith.index_cast %add3A_283 : i32 to index
        %swap3A_285 = arith.constant 96 : index
        %swap3A_286 = tpu.vector_load %arg9[%swap3A_284, %swap3A_285] {strides = array<i32>} : memref<64x128xf32, #tpu.memory_space<vmem>>, vector<1x16xf32>,
        %swap3A_287 = vector.shape_cast %swap3A_286 : vector<1x16xf32> to vector<16xf32>
        %swap3A_288 = vector.shape_cast %bitcast_convert_type3A_276 : vector<16xf32> to vector<1x16xf32>
        tpu.vector_store %arg9[%swap3A_284, %swap3A_285], %swap3A_288 {strides = array<i32>} : memref<64x128xf32, #tpu.memory_space<vmem>>, vector<1x16xf32>,
        %get3A_289 = arith.index_cast %scan3A_125 : i32 to index
        %get3A_290 = arith.constant 112 : index
        %get3A_291 = tpu.vector_load %arg7[%get3A_289, %get3A_290] {strides = array<i32>} : memref<32x128xi32, #tpu.memory_space<vmem>>, vector<1x16xi32>,
        %get3A_292 = vector.shape_cast %get3A_291 : vector<1x16xi32> to vector<16xi32>
        %shift_left3A_293 = arith.constant 16 : i32
        %shift_left3A_294 = vector.broadcast %shift_left3A_293 : i32 to vector<16xi32>
        %shift_left3A_295 = arith.shli %get3A_292, %shift_left3A_294 : vector<16xi32>
        %bitcast_convert_type3A_296 = tpu.bitcast %shift_left3A_295 : vector<16xi32> -> vector<16xf32>
        %and3A_297 = arith.constant -65536 : i32
        %and3A_298 = vector.broadcast %and3A_297 : i32 to vector<16xi32>
        %and3A_299 = arith.andi %get3A_292, %and3A_298 : vector<16xi32>
        %bitcast_convert_type3A_300 = tpu.bitcast %and3A_299 : vector<16xi32> -> vector<16xf32>
        %swap3A_301 = arith.index_cast %scan3A_125 : i32 to index
        %swap3A_302 = arith.constant 112 : index
        %swap3A_303 = tpu.vector_load %arg9[%swap3A_301, %swap3A_302] {strides = array<i32>} : memref<64x128xf32, #tpu.memory_space<vmem>>, vector<1x16xf32>,
        %swap3A_304 = vector.shape_cast %swap3A_303 : vector<1x16xf32> to vector<16xf32>
        %swap3A_305 = vector.shape_cast %bitcast_convert_type3A_296 : vector<16xf32> to vector<1x16xf32>
        tpu.vector_store %arg9[%swap3A_301, %swap3A_302], %swap3A_305 {strides = array<i32>} : memref<64x128xf32, #tpu.memory_space<vmem>>, vector<1x16xf32>,
        %add3A_306 = arith.constant 32 : i32
        %add3A_307 = arith.addi %scan3A_125, %add3A_306 : i32
        %swap3A_308 = arith.index_cast %add3A_307 : i32 to index
        %swap3A_309 = arith.constant 112 : index
        %swap3A_310 = tpu.vector_load %arg9[%swap3A_308, %swap3A_309] {strides = array<i32>} : memref<64x128xf32, #tpu.memory_space<vmem>>, vector<1x16xf32>,
        %swap3A_311 = vector.shape_cast %swap3A_310 : vector<1x16xf32> to vector<16xf32>
        %swap3A_312 = vector.shape_cast %bitcast_convert_type3A_300 : vector<16xf32> to vector<1x16xf32>
        tpu.vector_store %arg9[%swap3A_308, %swap3A_309], %swap3A_312 {strides = array<i32>} : memref<64x128xf32, #tpu.memory_space<vmem>>, vector<1x16xf32>,
      }
      %scan3A_81 = arith.constant 32 : i32
      %add3A_82 = arith.constant 2 : i32
      %add3A_83 = arith.addi %mul3A_61, %add3A_82 : i32
      %lt3A_84 = arith.constant 78 : i32
      %lt3A_85 = arith.cmpi slt, %add3A_83, %lt3A_84 : i32
      %convert_element_type3A_86 = arith.extui %lt3A_85 : i1 to i32
      %cond3A_87 = arith.constant 0 : i32
      %cond3A_88 = arith.cmpi ne, %convert_element_type3A_86, %cond3A_87 : i32
      scf.if %cond3A_88 {
        %add3A_125 = arith.constant 2 : i32
        %add3A_126 = arith.addi %mul3A_61, %add3A_125 : i32
        %add3A_127 = arith.addi %add3A_4, %add3A_126 : i32
        %mul3A_128 = arith.constant 32 : i32
        %mul3A_129 = arith.muli %add3A_127, %mul3A_128 : i32
        %dma_start3A_130 = arith.constant 0 : i32
        %dma_start3A_131 = tpu.memref_slice %arg2[%mul3A_129, %dma_start3A_130] : memref<80000x128xi32, #tpu.memory_space<hbm>> -> memref<32x128xi32, #tpu.memory_space<hbm>>
        %dma_start3A_132 = arith.constant 0 : i32
        %dma_start3A_133 = tpu.memref_slice %arg2[%mul3A_129, %dma_start3A_132] : memref<80000x128xi32, #tpu.memory_space<hbm>> -> memref<32x128xi32, #tpu.memory_space<hbm>>
        tpu.enqueue_dma source(%dma_start3A_133 : memref<32x128xi32, #tpu.memory_space<hbm>>) target(%arg7 : memref<32x128xi32, #tpu.memory_space<vmem>>) target_semaphore(%arg12 : memref<!tpu.dma_semaphore, #tpu.memory_space<semaphore_mem>>)
      } else {
      }
      %dma_start3A_89 = arith.constant 0 : i32
      %dma_start3A_90 = tpu.memref_slice %arg6[%mul3A_61, %dma_start3A_89] : memref<80x64xi32, #tpu.memory_space<vmem>> -> memref<1x64xi32, #tpu.memory_space<vmem>>
      %dma_start3A_91 = tpu.memref_squeeze %dma_start3A_90 : memref<1x64xi32, #tpu.memory_space<vmem>> -> memref<64xi32, #tpu.memory_space<vmem>>
      %dma_start3A_92 = arith.constant 0 : i32
      %dma_start3A_93 = arith.constant 0 : i32
      %dma_start3A_94 = tpu.memref_slice %arg11[%dma_start3A_92, %dma_start3A_93] : memref<10000x128xf32, #tpu.memory_space<vmem_shared>> -> memref<10000x128xf32, #tpu.memory_space<vmem_shared>>
      tpu.enqueue_indirect_dma source(%arg9 : memref<64x128xf32, #tpu.memory_space<vmem>>) target(%dma_start3A_94 : memref<10000x128xf32, #tpu.memory_space<vmem_shared>>) offsets(%dma_start3A_91 : memref<64xi32, #tpu.memory_space<vmem>>) semaphore(%arg14 : memref<!tpu.dma_semaphore, #tpu.memory_space<semaphore_mem>>) {add = true}
      %dma_wait3A_95 = arith.constant 0 : i32
      %dma_wait3A_96 = arith.constant 0 : i32
      %dma_wait3A_97 = tpu.memref_slice %arg2[%dma_wait3A_95, %dma_wait3A_96] : memref<80000x128xi32, #tpu.memory_space<hbm>> -> memref<32x128xi32, #tpu.memory_space<hbm>>
      %dma_wait3A_98 = arith.constant 0 : i32
      %dma_wait3A_99 = arith.constant 0 : i32
      %dma_wait3A_100 = tpu.memref_slice %arg2[%dma_wait3A_98, %dma_wait3A_99] : memref<80000x128xi32, #tpu.memory_space<hbm>> -> memref<32x128xi32, #tpu.memory_space<hbm>>
      tpu.wait_dma2 semaphore(%arg13 : memref<!tpu.dma_semaphore, #tpu.memory_space<semaphore_mem>>) src(%dma_wait3A_100 : memref<32x128xi32, #tpu.memory_space<hbm>>) dst(%arg8 : memref<32x128xi32, #tpu.memory_space<vmem>>)
      %gt3A_101 = arith.constant 0 : i32
      %gt3A_102 = arith.cmpi sgt, %scan3A_59, %gt3A_101 : i32
      %convert_element_type3A_103 = arith.extui %gt3A_102 : i1 to i32
      %cond3A_104 = arith.constant 0 : i32
      %cond3A_105 = arith.cmpi ne, %convert_element_type3A_103, %cond3A_104 : i32
      scf.if %cond3A_105 {
        %sub3A = arith.constant 2 : i32
        %sub3A_125 = arith.subi %add3A_65, %sub3A : i32
        %max3A = arith.constant 1 : i32
        %max3A_126 = arith.maxsi %sub3A_125, %max3A : i32
        %dma_wait3A_127 = arith.constant 0 : i32
        %dma_wait3A_128 = tpu.memref_slice %arg6[%max3A_126, %dma_wait3A_127] : memref<80x64xi32, #tpu.memory_space<vmem>> -> memref<1x64xi32, #tpu.memory_space<vmem>>
        %dma_wait3A_129 = tpu.memref_squeeze %dma_wait3A_128 : memref<1x64xi32, #tpu.memory_space<vmem>> -> memref<64xi32, #tpu.memory_space<vmem>>
        %dma_wait3A_130 = arith.constant 0 : i32
        %dma_wait3A_131 = arith.constant 0 : i32
        %dma_wait3A_132 = tpu.memref_slice %arg11[%dma_wait3A_130, %dma_wait3A_131] : memref<10000x128xf32, #tpu.memory_space<vmem_shared>> -> memref<10000x128xf32, #tpu.memory_space<vmem_shared>>
        tpu.wait_indirect_dma semaphore(%arg15 : memref<!tpu.dma_semaphore, #tpu.memory_space<semaphore_mem>>) src(%arg10 : memref<64x128xf32, #tpu.memory_space<vmem>>) dst(%dma_wait3A_132 : memref<10000x128xf32, #tpu.memory_space<vmem_shared>>)
      } else {
      }
      %scan3A_106 = arith.constant 0 : i32
      %scan3A_107 = arith.constant 0 : i32
      %scan3A_108 = arith.constant 32 : i32
      %scan3A_109 = arith.addi %scan3A_107, %scan3A_108 : i32
      %scan3A_110 = arith.constant 1 : i32
      scf.for %scan3A_125 = %scan3A_107 to %scan3A_109 step %scan3A_110  : i32 {
        %get3A = arith.index_cast %scan3A_125 : i32 to index
        %get3A_126 = arith.constant 0 : index
        %get3A_127 = tpu.vector_load %arg8[%get3A, %get3A_126] {strides = array<i32>} : memref<32x128xi32, #tpu.memory_space<vmem>>, vector<1x16xi32>,
        %get3A_128 = vector.shape_cast %get3A_127 : vector<1x16xi32> to vector<16xi32>
        %shift_left3A = arith.constant 16 : i32
        %shift_left3A_129 = vector.broadcast %shift_left3A : i32 to vector<16xi32>
        %shift_left3A_130 = arith.shli %get3A_128, %shift_left3A_129 : vector<16xi32>
        %bitcast_convert_type3A = tpu.bitcast %shift_left3A_130 : vector<16xi32> -> vector<16xf32>
        %and3A = arith.constant -65536 : i32
        %and3A_131 = vector.broadcast %and3A : i32 to vector<16xi32>
        %and3A_132 = arith.andi %get3A_128, %and3A_131 : vector<16xi32>
        %bitcast_convert_type3A_133 = tpu.bitcast %and3A_132 : vector<16xi32> -> vector<16xf32>
        %swap3A = arith.index_cast %scan3A_125 : i32 to index
        %swap3A_134 = arith.constant 0 : index
        %swap3A_135 = tpu.vector_load %arg10[%swap3A, %swap3A_134] {strides = array<i32>} : memref<64x128xf32, #tpu.memory_space<vmem>>, vector<1x16xf32>,
        %swap3A_136 = vector.shape_cast %swap3A_135 : vector<1x16xf32> to vector<16xf32>
        %swap3A_137 = vector.shape_cast %bitcast_convert_type3A : vector<16xf32> to vector<1x16xf32>
        tpu.vector_store %arg10[%swap3A, %swap3A_134], %swap3A_137 {strides = array<i32>} : memref<64x128xf32, #tpu.memory_space<vmem>>, vector<1x16xf32>,
        %add3A_138 = arith.constant 32 : i32
        %add3A_139 = arith.addi %scan3A_125, %add3A_138 : i32
        %swap3A_140 = arith.index_cast %add3A_139 : i32 to index
        %swap3A_141 = arith.constant 0 : index
        %swap3A_142 = tpu.vector_load %arg10[%swap3A_140, %swap3A_141] {strides = array<i32>} : memref<64x128xf32, #tpu.memory_space<vmem>>, vector<1x16xf32>,
        %swap3A_143 = vector.shape_cast %swap3A_142 : vector<1x16xf32> to vector<16xf32>
        %swap3A_144 = vector.shape_cast %bitcast_convert_type3A_133 : vector<16xf32> to vector<1x16xf32>
        tpu.vector_store %arg10[%swap3A_140, %swap3A_141], %swap3A_144 {strides = array<i32>} : memref<64x128xf32, #tpu.memory_space<vmem>>, vector<1x16xf32>,
        %get3A_145 = arith.index_cast %scan3A_125 : i32 to index
        %get3A_146 = arith.constant 16 : index
        %get3A_147 = tpu.vector_load %arg8[%get3A_145, %get3A_146] {strides = array<i32>} : memref<32x128xi32, #tpu.memory_space<vmem>>, vector<1x16xi32>,
        %get3A_148 = vector.shape_cast %get3A_147 : vector<1x16xi32> to vector<16xi32>
        %shift_left3A_149 = arith.constant 16 : i32
        %shift_left3A_150 = vector.broadcast %shift_left3A_149 : i32 to vector<16xi32>
        %shift_left3A_151 = arith.shli %get3A_148, %shift_left3A_150 : vector<16xi32>
        %bitcast_convert_type3A_152 = tpu.bitcast %shift_left3A_151 : vector<16xi32> -> vector<16xf32>
        %and3A_153 = arith.constant -65536 : i32
        %and3A_154 = vector.broadcast %and3A_153 : i32 to vector<16xi32>
        %and3A_155 = arith.andi %get3A_148, %and3A_154 : vector<16xi32>
        %bitcast_convert_type3A_156 = tpu.bitcast %and3A_155 : vector<16xi32> -> vector<16xf32>
        %swap3A_157 = arith.index_cast %scan3A_125 : i32 to index
        %swap3A_158 = arith.constant 16 : index
        %swap3A_159 = tpu.vector_load %arg10[%swap3A_157, %swap3A_158] {strides = array<i32>} : memref<64x128xf32, #tpu.memory_space<vmem>>, vector<1x16xf32>,
        %swap3A_160 = vector.shape_cast %swap3A_159 : vector<1x16xf32> to vector<16xf32>
        %swap3A_161 = vector.shape_cast %bitcast_convert_type3A_152 : vector<16xf32> to vector<1x16xf32>
        tpu.vector_store %arg10[%swap3A_157, %swap3A_158], %swap3A_161 {strides = array<i32>} : memref<64x128xf32, #tpu.memory_space<vmem>>, vector<1x16xf32>,
        %add3A_162 = arith.constant 32 : i32
        %add3A_163 = arith.addi %scan3A_125, %add3A_162 : i32
        %swap3A_164 = arith.index_cast %add3A_163 : i32 to index
        %swap3A_165 = arith.constant 16 : index
        %swap3A_166 = tpu.vector_load %arg10[%swap3A_164, %swap3A_165] {strides = array<i32>} : memref<64x128xf32, #tpu.memory_space<vmem>>, vector<1x16xf32>,
        %swap3A_167 = vector.shape_cast %swap3A_166 : vector<1x16xf32> to vector<16xf32>
        %swap3A_168 = vector.shape_cast %bitcast_convert_type3A_156 : vector<16xf32> to vector<1x16xf32>
        tpu.vector_store %arg10[%swap3A_164, %swap3A_165], %swap3A_168 {strides = array<i32>} : memref<64x128xf32, #tpu.memory_space<vmem>>, vector<1x16xf32>,
        %get3A_169 = arith.index_cast %scan3A_125 : i32 to index
        %get3A_170 = arith.constant 32 : index
        %get3A_171 = tpu.vector_load %arg8[%get3A_169, %get3A_170] {strides = array<i32>} : memref<32x128xi32, #tpu.memory_space<vmem>>, vector<1x16xi32>,
        %get3A_172 = vector.shape_cast %get3A_171 : vector<1x16xi32> to vector<16xi32>
        %shift_left3A_173 = arith.constant 16 : i32
        %shift_left3A_174 = vector.broadcast %shift_left3A_173 : i32 to vector<16xi32>
        %shift_left3A_175 = arith.shli %get3A_172, %shift_left3A_174 : vector<16xi32>
        %bitcast_convert_type3A_176 = tpu.bitcast %shift_left3A_175 : vector<16xi32> -> vector<16xf32>
        %and3A_177 = arith.constant -65536 : i32
        %and3A_178 = vector.broadcast %and3A_177 : i32 to vector<16xi32>
        %and3A_179 = arith.andi %get3A_172, %and3A_178 : vector<16xi32>
        %bitcast_convert_type3A_180 = tpu.bitcast %and3A_179 : vector<16xi32> -> vector<16xf32>
        %swap3A_181 = arith.index_cast %scan3A_125 : i32 to index
        %swap3A_182 = arith.constant 32 : index
        %swap3A_183 = tpu.vector_load %arg10[%swap3A_181, %swap3A_182] {strides = array<i32>} : memref<64x128xf32, #tpu.memory_space<vmem>>, vector<1x16xf32>,
        %swap3A_184 = vector.shape_cast %swap3A_183 : vector<1x16xf32> to vector<16xf32>
        %swap3A_185 = vector.shape_cast %bitcast_convert_type3A_176 : vector<16xf32> to vector<1x16xf32>
        tpu.vector_store %arg10[%swap3A_181, %swap3A_182], %swap3A_185 {strides = array<i32>} : memref<64x128xf32, #tpu.memory_space<vmem>>, vector<1x16xf32>,
        %add3A_186 = arith.constant 32 : i32
        %add3A_187 = arith.addi %scan3A_125, %add3A_186 : i32
        %swap3A_188 = arith.index_cast %add3A_187 : i32 to index
        %swap3A_189 = arith.constant 32 : index
        %swap3A_190 = tpu.vector_load %arg10[%swap3A_188, %swap3A_189] {strides = array<i32>} : memref<64x128xf32, #tpu.memory_space<vmem>>, vector<1x16xf32>,
        %swap3A_191 = vector.shape_cast %swap3A_190 : vector<1x16xf32> to vector<16xf32>
        %swap3A_192 = vector.shape_cast %bitcast_convert_type3A_180 : vector<16xf32> to vector<1x16xf32>
        tpu.vector_store %arg10[%swap3A_188, %swap3A_189], %swap3A_192 {strides = array<i32>} : memref<64x128xf32, #tpu.memory_space<vmem>>, vector<1x16xf32>,
        %get3A_193 = arith.index_cast %scan3A_125 : i32 to index
        %get3A_194 = arith.constant 48 : index
        %get3A_195 = tpu.vector_load %arg8[%get3A_193, %get3A_194] {strides = array<i32>} : memref<32x128xi32, #tpu.memory_space<vmem>>, vector<1x16xi32>,
        %get3A_196 = vector.shape_cast %get3A_195 : vector<1x16xi32> to vector<16xi32>
        %shift_left3A_197 = arith.constant 16 : i32
        %shift_left3A_198 = vector.broadcast %shift_left3A_197 : i32 to vector<16xi32>
        %shift_left3A_199 = arith.shli %get3A_196, %shift_left3A_198 : vector<16xi32>
        %bitcast_convert_type3A_200 = tpu.bitcast %shift_left3A_199 : vector<16xi32> -> vector<16xf32>
        %and3A_201 = arith.constant -65536 : i32
        %and3A_202 = vector.broadcast %and3A_201 : i32 to vector<16xi32>
        %and3A_203 = arith.andi %get3A_196, %and3A_202 : vector<16xi32>
        %bitcast_convert_type3A_204 = tpu.bitcast %and3A_203 : vector<16xi32> -> vector<16xf32>
        %swap3A_205 = arith.index_cast %scan3A_125 : i32 to index
        %swap3A_206 = arith.constant 48 : index
        %swap3A_207 = tpu.vector_load %arg10[%swap3A_205, %swap3A_206] {strides = array<i32>} : memref<64x128xf32, #tpu.memory_space<vmem>>, vector<1x16xf32>,
        %swap3A_208 = vector.shape_cast %swap3A_207 : vector<1x16xf32> to vector<16xf32>
        %swap3A_209 = vector.shape_cast %bitcast_convert_type3A_200 : vector<16xf32> to vector<1x16xf32>
        tpu.vector_store %arg10[%swap3A_205, %swap3A_206], %swap3A_209 {strides = array<i32>} : memref<64x128xf32, #tpu.memory_space<vmem>>, vector<1x16xf32>,
        %add3A_210 = arith.constant 32 : i32
        %add3A_211 = arith.addi %scan3A_125, %add3A_210 : i32
        %swap3A_212 = arith.index_cast %add3A_211 : i32 to index
        %swap3A_213 = arith.constant 48 : index
        %swap3A_214 = tpu.vector_load %arg10[%swap3A_212, %swap3A_213] {strides = array<i32>} : memref<64x128xf32, #tpu.memory_space<vmem>>, vector<1x16xf32>,
        %swap3A_215 = vector.shape_cast %swap3A_214 : vector<1x16xf32> to vector<16xf32>
        %swap3A_216 = vector.shape_cast %bitcast_convert_type3A_204 : vector<16xf32> to vector<1x16xf32>
        tpu.vector_store %arg10[%swap3A_212, %swap3A_213], %swap3A_216 {strides = array<i32>} : memref<64x128xf32, #tpu.memory_space<vmem>>, vector<1x16xf32>,
        %get3A_217 = arith.index_cast %scan3A_125 : i32 to index
        %get3A_218 = arith.constant 64 : index
        %get3A_219 = tpu.vector_load %arg8[%get3A_217, %get3A_218] {strides = array<i32>} : memref<32x128xi32, #tpu.memory_space<vmem>>, vector<1x16xi32>,
        %get3A_220 = vector.shape_cast %get3A_219 : vector<1x16xi32> to vector<16xi32>
        %shift_left3A_221 = arith.constant 16 : i32
        %shift_left3A_222 = vector.broadcast %shift_left3A_221 : i32 to vector<16xi32>
        %shift_left3A_223 = arith.shli %get3A_220, %shift_left3A_222 : vector<16xi32>
        %bitcast_convert_type3A_224 = tpu.bitcast %shift_left3A_223 : vector<16xi32> -> vector<16xf32>
        %and3A_225 = arith.constant -65536 : i32
        %and3A_226 = vector.broadcast %and3A_225 : i32 to vector<16xi32>
        %and3A_227 = arith.andi %get3A_220, %and3A_226 : vector<16xi32>
        %bitcast_convert_type3A_228 = tpu.bitcast %and3A_227 : vector<16xi32> -> vector<16xf32>
        %swap3A_229 = arith.index_cast %scan3A_125 : i32 to index
        %swap3A_230 = arith.constant 64 : index
        %swap3A_231 = tpu.vector_load %arg10[%swap3A_229, %swap3A_230] {strides = array<i32>} : memref<64x128xf32, #tpu.memory_space<vmem>>, vector<1x16xf32>,
        %swap3A_232 = vector.shape_cast %swap3A_231 : vector<1x16xf32> to vector<16xf32>
        %swap3A_233 = vector.shape_cast %bitcast_convert_type3A_224 : vector<16xf32> to vector<1x16xf32>
        tpu.vector_store %arg10[%swap3A_229, %swap3A_230], %swap3A_233 {strides = array<i32>} : memref<64x128xf32, #tpu.memory_space<vmem>>, vector<1x16xf32>,
        %add3A_234 = arith.constant 32 : i32
        %add3A_235 = arith.addi %scan3A_125, %add3A_234 : i32
        %swap3A_236 = arith.index_cast %add3A_235 : i32 to index
        %swap3A_237 = arith.constant 64 : index
        %swap3A_238 = tpu.vector_load %arg10[%swap3A_236, %swap3A_237] {strides = array<i32>} : memref<64x128xf32, #tpu.memory_space<vmem>>, vector<1x16xf32>,
        %swap3A_239 = vector.shape_cast %swap3A_238 : vector<1x16xf32> to vector<16xf32>
        %swap3A_240 = vector.shape_cast %bitcast_convert_type3A_228 : vector<16xf32> to vector<1x16xf32>
        tpu.vector_store %arg10[%swap3A_236, %swap3A_237], %swap3A_240 {strides = array<i32>} : memref<64x128xf32, #tpu.memory_space<vmem>>, vector<1x16xf32>,
        %get3A_241 = arith.index_cast %scan3A_125 : i32 to index
        %get3A_242 = arith.constant 80 : index
        %get3A_243 = tpu.vector_load %arg8[%get3A_241, %get3A_242] {strides = array<i32>} : memref<32x128xi32, #tpu.memory_space<vmem>>, vector<1x16xi32>,
        %get3A_244 = vector.shape_cast %get3A_243 : vector<1x16xi32> to vector<16xi32>
        %shift_left3A_245 = arith.constant 16 : i32
        %shift_left3A_246 = vector.broadcast %shift_left3A_245 : i32 to vector<16xi32>
        %shift_left3A_247 = arith.shli %get3A_244, %shift_left3A_246 : vector<16xi32>
        %bitcast_convert_type3A_248 = tpu.bitcast %shift_left3A_247 : vector<16xi32> -> vector<16xf32>
        %and3A_249 = arith.constant -65536 : i32
        %and3A_250 = vector.broadcast %and3A_249 : i32 to vector<16xi32>
        %and3A_251 = arith.andi %get3A_244, %and3A_250 : vector<16xi32>
        %bitcast_convert_type3A_252 = tpu.bitcast %and3A_251 : vector<16xi32> -> vector<16xf32>
        %swap3A_253 = arith.index_cast %scan3A_125 : i32 to index
        %swap3A_254 = arith.constant 80 : index
        %swap3A_255 = tpu.vector_load %arg10[%swap3A_253, %swap3A_254] {strides = array<i32>} : memref<64x128xf32, #tpu.memory_space<vmem>>, vector<1x16xf32>,
        %swap3A_256 = vector.shape_cast %swap3A_255 : vector<1x16xf32> to vector<16xf32>
        %swap3A_257 = vector.shape_cast %bitcast_convert_type3A_248 : vector<16xf32> to vector<1x16xf32>
        tpu.vector_store %arg10[%swap3A_253, %swap3A_254], %swap3A_257 {strides = array<i32>} : memref<64x128xf32, #tpu.memory_space<vmem>>, vector<1x16xf32>,
        %add3A_258 = arith.constant 32 : i32
        %add3A_259 = arith.addi %scan3A_125, %add3A_258 : i32
        %swap3A_260 = arith.index_cast %add3A_259 : i32 to index
        %swap3A_261 = arith.constant 80 : index
        %swap3A_262 = tpu.vector_load %arg10[%swap3A_260, %swap3A_261] {strides = array<i32>} : memref<64x128xf32, #tpu.memory_space<vmem>>, vector<1x16xf32>,
        %swap3A_263 = vector.shape_cast %swap3A_262 : vector<1x16xf32> to vector<16xf32>
        %swap3A_264 = vector.shape_cast %bitcast_convert_type3A_252 : vector<16xf32> to vector<1x16xf32>
        tpu.vector_store %arg10[%swap3A_260, %swap3A_261], %swap3A_264 {strides = array<i32>} : memref<64x128xf32, #tpu.memory_space<vmem>>, vector<1x16xf32>,
        %get3A_265 = arith.index_cast %scan3A_125 : i32 to index
        %get3A_266 = arith.constant 96 : index
        %get3A_267 = tpu.vector_load %arg8[%get3A_265, %get3A_266] {strides = array<i32>} : memref<32x128xi32, #tpu.memory_space<vmem>>, vector<1x16xi32>,
        %get3A_268 = vector.shape_cast %get3A_267 : vector<1x16xi32> to vector<16xi32>
        %shift_left3A_269 = arith.constant 16 : i32
        %shift_left3A_270 = vector.broadcast %shift_left3A_269 : i32 to vector<16xi32>
        %shift_left3A_271 = arith.shli %get3A_268, %shift_left3A_270 : vector<16xi32>
        %bitcast_convert_type3A_272 = tpu.bitcast %shift_left3A_271 : vector<16xi32> -> vector<16xf32>
        %and3A_273 = arith.constant -65536 : i32
        %and3A_274 = vector.broadcast %and3A_273 : i32 to vector<16xi32>
        %and3A_275 = arith.andi %get3A_268, %and3A_274 : vector<16xi32>
        %bitcast_convert_type3A_276 = tpu.bitcast %and3A_275 : vector<16xi32> -> vector<16xf32>
        %swap3A_277 = arith.index_cast %scan3A_125 : i32 to index
        %swap3A_278 = arith.constant 96 : index
        %swap3A_279 = tpu.vector_load %arg10[%swap3A_277, %swap3A_278] {strides = array<i32>} : memref<64x128xf32, #tpu.memory_space<vmem>>, vector<1x16xf32>,
        %swap3A_280 = vector.shape_cast %swap3A_279 : vector<1x16xf32> to vector<16xf32>
        %swap3A_281 = vector.shape_cast %bitcast_convert_type3A_272 : vector<16xf32> to vector<1x16xf32>
        tpu.vector_store %arg10[%swap3A_277, %swap3A_278], %swap3A_281 {strides = array<i32>} : memref<64x128xf32, #tpu.memory_space<vmem>>, vector<1x16xf32>,
        %add3A_282 = arith.constant 32 : i32
        %add3A_283 = arith.addi %scan3A_125, %add3A_282 : i32
        %swap3A_284 = arith.index_cast %add3A_283 : i32 to index
        %swap3A_285 = arith.constant 96 : index
        %swap3A_286 = tpu.vector_load %arg10[%swap3A_284, %swap3A_285] {strides = array<i32>} : memref<64x128xf32, #tpu.memory_space<vmem>>, vector<1x16xf32>,
        %swap3A_287 = vector.shape_cast %swap3A_286 : vector<1x16xf32> to vector<16xf32>
        %swap3A_288 = vector.shape_cast %bitcast_convert_type3A_276 : vector<16xf32> to vector<1x16xf32>
        tpu.vector_store %arg10[%swap3A_284, %swap3A_285], %swap3A_288 {strides = array<i32>} : memref<64x128xf32, #tpu.memory_space<vmem>>, vector<1x16xf32>,
        %get3A_289 = arith.index_cast %scan3A_125 : i32 to index
        %get3A_290 = arith.constant 112 : index
        %get3A_291 = tpu.vector_load %arg8[%get3A_289, %get3A_290] {strides = array<i32>} : memref<32x128xi32, #tpu.memory_space<vmem>>, vector<1x16xi32>,
        %get3A_292 = vector.shape_cast %get3A_291 : vector<1x16xi32> to vector<16xi32>
        %shift_left3A_293 = arith.constant 16 : i32
        %shift_left3A_294 = vector.broadcast %shift_left3A_293 : i32 to vector<16xi32>
        %shift_left3A_295 = arith.shli %get3A_292, %shift_left3A_294 : vector<16xi32>
        %bitcast_convert_type3A_296 = tpu.bitcast %shift_left3A_295 : vector<16xi32> -> vector<16xf32>
        %and3A_297 = arith.constant -65536 : i32
        %and3A_298 = vector.broadcast %and3A_297 : i32 to vector<16xi32>
        %and3A_299 = arith.andi %get3A_292, %and3A_298 : vector<16xi32>
        %bitcast_convert_type3A_300 = tpu.bitcast %and3A_299 : vector<16xi32> -> vector<16xf32>
        %swap3A_301 = arith.index_cast %scan3A_125 : i32 to index
        %swap3A_302 = arith.constant 112 : index
        %swap3A_303 = tpu.vector_load %arg10[%swap3A_301, %swap3A_302] {strides = array<i32>} : memref<64x128xf32, #tpu.memory_space<vmem>>, vector<1x16xf32>,
        %swap3A_304 = vector.shape_cast %swap3A_303 : vector<1x16xf32> to vector<16xf32>
        %swap3A_305 = vector.shape_cast %bitcast_convert_type3A_296 : vector<16xf32> to vector<1x16xf32>
        tpu.vector_store %arg10[%swap3A_301, %swap3A_302], %swap3A_305 {strides = array<i32>} : memref<64x128xf32, #tpu.memory_space<vmem>>, vector<1x16xf32>,
        %add3A_306 = arith.constant 32 : i32
        %add3A_307 = arith.addi %scan3A_125, %add3A_306 : i32
        %swap3A_308 = arith.index_cast %add3A_307 : i32 to index
        %swap3A_309 = arith.constant 112 : index
        %swap3A_310 = tpu.vector_load %arg10[%swap3A_308, %swap3A_309] {strides = array<i32>} : memref<64x128xf32, #tpu.memory_space<vmem>>, vector<1x16xf32>,
        %swap3A_311 = vector.shape_cast %swap3A_310 : vector<1x16xf32> to vector<16xf32>
        %swap3A_312 = vector.shape_cast %bitcast_convert_type3A_300 : vector<16xf32> to vector<1x16xf32>
        tpu.vector_store %arg10[%swap3A_308, %swap3A_309], %swap3A_312 {strides = array<i32>} : memref<64x128xf32, #tpu.memory_space<vmem>>, vector<1x16xf32>,
      }
      %scan3A_111 = arith.constant 32 : i32
      %add3A_112 = arith.constant 2 : i32
      %add3A_113 = arith.addi %add3A_65, %add3A_112 : i32
      %lt3A_114 = arith.constant 78 : i32
      %lt3A_115 = arith.cmpi slt, %add3A_113, %lt3A_114 : i32
      %convert_element_type3A_116 = arith.extui %lt3A_115 : i1 to i32
      %cond3A_117 = arith.constant 0 : i32
      %cond3A_118 = arith.cmpi ne, %convert_element_type3A_116, %cond3A_117 : i32
      scf.if %cond3A_118 {
        %add3A_125 = arith.constant 2 : i32
        %add3A_126 = arith.addi %add3A_65, %add3A_125 : i32
        %add3A_127 = arith.addi %add3A_4, %add3A_126 : i32
        %mul3A_128 = arith.constant 32 : i32
        %mul3A_129 = arith.muli %add3A_127, %mul3A_128 : i32
        %dma_start3A_130 = arith.constant 0 : i32
        %dma_start3A_131 = tpu.memref_slice %arg2[%mul3A_129, %dma_start3A_130] : memref<80000x128xi32, #tpu.memory_space<hbm>> -> memref<32x128xi32, #tpu.memory_space<hbm>>
        %dma_start3A_132 = arith.constant 0 : i32
        %dma_start3A_133 = tpu.memref_slice %arg2[%mul3A_129, %dma_start3A_132] : memref<80000x128xi32, #tpu.memory_space<hbm>> -> memref<32x128xi32, #tpu.memory_space<hbm>>
        tpu.enqueue_dma source(%dma_start3A_133 : memref<32x128xi32, #tpu.memory_space<hbm>>) target(%arg8 : memref<32x128xi32, #tpu.memory_space<vmem>>) target_semaphore(%arg13 : memref<!tpu.dma_semaphore, #tpu.memory_space<semaphore_mem>>)
      } else {
      }
      %dma_start3A_119 = arith.constant 0 : i32
      %dma_start3A_120 = tpu.memref_slice %arg6[%add3A_65, %dma_start3A_119] : memref<80x64xi32, #tpu.memory_space<vmem>> -> memref<1x64xi32, #tpu.memory_space<vmem>>
      %dma_start3A_121 = tpu.memref_squeeze %dma_start3A_120 : memref<1x64xi32, #tpu.memory_space<vmem>> -> memref<64xi32, #tpu.memory_space<vmem>>
      %dma_start3A_122 = arith.constant 0 : i32
      %dma_start3A_123 = arith.constant 0 : i32
      %dma_start3A_124 = tpu.memref_slice %arg11[%dma_start3A_122, %dma_start3A_123] : memref<10000x128xf32, #tpu.memory_space<vmem_shared>> -> memref<10000x128xf32, #tpu.memory_space<vmem_shared>>
      tpu.enqueue_indirect_dma source(%arg10 : memref<64x128xf32, #tpu.memory_space<vmem>>) target(%dma_start3A_124 : memref<10000x128xf32, #tpu.memory_space<vmem_shared>>) offsets(%dma_start3A_121 : memref<64xi32, #tpu.memory_space<vmem>>) semaphore(%arg15 : memref<!tpu.dma_semaphore, #tpu.memory_space<semaphore_mem>>) {add = true}
    }
    %scan3A_29 = arith.constant 39 : i32
    %dma_wait3A = arith.constant 76 : i32
    %dma_wait3A_30 = arith.constant 0 : i32
    %dma_wait3A_31 = tpu.memref_slice %arg6[%dma_wait3A, %dma_wait3A_30] : memref<80x64xi32, #tpu.memory_space<vmem>> -> memref<1x64xi32, #tpu.memory_space<vmem>>
    %dma_wait3A_32 = tpu.memref_squeeze %dma_wait3A_31 : memref<1x64xi32, #tpu.memory_space<vmem>> -> memref<64xi32, #tpu.memory_space<vmem>>
    %dma_wait3A_33 = arith.constant 0 : i32
    %dma_wait3A_34 = arith.constant 0 : i32
    %dma_wait3A_35 = tpu.memref_slice %arg11[%dma_wait3A_33, %dma_wait3A_34] : memref<10000x128xf32, #tpu.memory_space<vmem_shared>> -> memref<10000x128xf32, #tpu.memory_space<vmem_shared>>
    tpu.wait_indirect_dma semaphore(%arg14 : memref<!tpu.dma_semaphore, #tpu.memory_space<semaphore_mem>>) src(%arg9 : memref<64x128xf32, #tpu.memory_space<vmem>>) dst(%dma_wait3A_35 : memref<10000x128xf32, #tpu.memory_space<vmem_shared>>)
    %dma_wait3A_36 = arith.constant 77 : i32
    %dma_wait3A_37 = arith.constant 0 : i32
    %dma_wait3A_38 = tpu.memref_slice %arg6[%dma_wait3A_36, %dma_wait3A_37] : memref<80x64xi32, #tpu.memory_space<vmem>> -> memref<1x64xi32, #tpu.memory_space<vmem>>
    %dma_wait3A_39 = tpu.memref_squeeze %dma_wait3A_38 : memref<1x64xi32, #tpu.memory_space<vmem>> -> memref<64xi32, #tpu.memory_space<vmem>>
    %dma_wait3A_40 = arith.constant 0 : i32
    %dma_wait3A_41 = arith.constant 0 : i32
    %dma_wait3A_42 = tpu.memref_slice %arg11[%dma_wait3A_40, %dma_wait3A_41] : memref<10000x128xf32, #tpu.memory_space<vmem_shared>> -> memref<10000x128xf32, #tpu.memory_space<vmem_shared>>
    tpu.wait_indirect_dma semaphore(%arg15 : memref<!tpu.dma_semaphore, #tpu.memory_space<semaphore_mem>>) src(%arg10 : memref<64x128xf32, #tpu.memory_space<vmem>>) dst(%dma_wait3A_42 : memref<10000x128xf32, #tpu.memory_space<vmem_shared>>)
    %convert_element_type3A_43 = arith.extui %lt3A_5 : i1 to i32
    %cond3A_44 = arith.constant 0 : i32
    %cond3A_45 = arith.cmpi ne, %convert_element_type3A_43, %cond3A_44 : i32
    scf.if %cond3A_45 {
      %add3A_59 = arith.constant 78 : i32
      %add3A_60 = arith.addi %add3A_4, %add3A_59 : i32
      %mul3A_61 = arith.constant 32 : i32
      %mul3A_62 = arith.muli %add3A_60, %mul3A_61 : i32
      "tpu.region"() ({
        %run_scoped3A_69 = tpu.sem_alloc : memref<!tpu.dma_semaphore, #tpu.memory_space<semaphore_mem>>
        %dma_start3A_70 = arith.constant 0 : i32
        %dma_start3A_71 = tpu.memref_slice %arg2[%mul3A_62, %dma_start3A_70] : memref<80000x128xi32, #tpu.memory_space<hbm>> -> memref<32x128xi32, #tpu.memory_space<hbm>>
        %dma_start3A_72 = arith.constant 0 : i32
        %dma_start3A_73 = tpu.memref_slice %arg2[%mul3A_62, %dma_start3A_72] : memref<80000x128xi32, #tpu.memory_space<hbm>> -> memref<32x128xi32, #tpu.memory_space<hbm>>
        tpu.enqueue_dma source(%dma_start3A_73 : memref<32x128xi32, #tpu.memory_space<hbm>>) target(%arg8 : memref<32x128xi32, #tpu.memory_space<vmem>>) target_semaphore(%run_scoped3A_69 : memref<!tpu.dma_semaphore, #tpu.memory_space<semaphore_mem>>)
        %dma_wait3A_74 = arith.constant 0 : i32
        %dma_wait3A_75 = tpu.memref_slice %arg2[%mul3A_62, %dma_wait3A_74] : memref<80000x128xi32, #tpu.memory_space<hbm>> -> memref<32x128xi32, #tpu.memory_space<hbm>>
        %dma_wait3A_76 = arith.constant 0 : i32
        %dma_wait3A_77 = tpu.memref_slice %arg2[%mul3A_62, %dma_wait3A_76] : memref<80000x128xi32, #tpu.memory_space<hbm>> -> memref<32x128xi32, #tpu.memory_space<hbm>>
        tpu.wait_dma2 semaphore(%run_scoped3A_69 : memref<!tpu.dma_semaphore, #tpu.memory_space<semaphore_mem>>) src(%dma_wait3A_77 : memref<32x128xi32, #tpu.memory_space<hbm>>) dst(%arg8 : memref<32x128xi32, #tpu.memory_space<vmem>>)
        tpu.yield
      }) : () -> ()
      %scan3A_63 = arith.constant 0 : i32
      %scan3A_64 = arith.constant 0 : i32
      %scan3A_65 = arith.constant 32 : i32
      %scan3A_66 = arith.addi %scan3A_64, %scan3A_65 : i32
      %scan3A_67 = arith.constant 1 : i32
      scf.for %scan3A_69 = %scan3A_64 to %scan3A_66 step %scan3A_67  : i32 {
        %get3A = arith.index_cast %scan3A_69 : i32 to index
        %get3A_70 = arith.constant 0 : index
        %get3A_71 = tpu.vector_load %arg8[%get3A, %get3A_70] {strides = array<i32>} : memref<32x128xi32, #tpu.memory_space<vmem>>, vector<1x16xi32>,
        %get3A_72 = vector.shape_cast %get3A_71 : vector<1x16xi32> to vector<16xi32>
        %shift_left3A = arith.constant 16 : i32
        %shift_left3A_73 = vector.broadcast %shift_left3A : i32 to vector<16xi32>
        %shift_left3A_74 = arith.shli %get3A_72, %shift_left3A_73 : vector<16xi32>
        %bitcast_convert_type3A = tpu.bitcast %shift_left3A_74 : vector<16xi32> -> vector<16xf32>
        %and3A = arith.constant -65536 : i32
        %and3A_75 = vector.broadcast %and3A : i32 to vector<16xi32>
        %and3A_76 = arith.andi %get3A_72, %and3A_75 : vector<16xi32>
        %bitcast_convert_type3A_77 = tpu.bitcast %and3A_76 : vector<16xi32> -> vector<16xf32>
        %swap3A = arith.index_cast %scan3A_69 : i32 to index
        %swap3A_78 = arith.constant 0 : index
        %swap3A_79 = tpu.vector_load %arg10[%swap3A, %swap3A_78] {strides = array<i32>} : memref<64x128xf32, #tpu.memory_space<vmem>>, vector<1x16xf32>,
        %swap3A_80 = vector.shape_cast %swap3A_79 : vector<1x16xf32> to vector<16xf32>
        %swap3A_81 = vector.shape_cast %bitcast_convert_type3A : vector<16xf32> to vector<1x16xf32>
        tpu.vector_store %arg10[%swap3A, %swap3A_78], %swap3A_81 {strides = array<i32>} : memref<64x128xf32, #tpu.memory_space<vmem>>, vector<1x16xf32>,
        %add3A_82 = arith.constant 32 : i32
        %add3A_83 = arith.addi %scan3A_69, %add3A_82 : i32
        %swap3A_84 = arith.index_cast %add3A_83 : i32 to index
        %swap3A_85 = arith.constant 0 : index
        %swap3A_86 = tpu.vector_load %arg10[%swap3A_84, %swap3A_85] {strides = array<i32>} : memref<64x128xf32, #tpu.memory_space<vmem>>, vector<1x16xf32>,
        %swap3A_87 = vector.shape_cast %swap3A_86 : vector<1x16xf32> to vector<16xf32>
        %swap3A_88 = vector.shape_cast %bitcast_convert_type3A_77 : vector<16xf32> to vector<1x16xf32>
        tpu.vector_store %arg10[%swap3A_84, %swap3A_85], %swap3A_88 {strides = array<i32>} : memref<64x128xf32, #tpu.memory_space<vmem>>, vector<1x16xf32>,
        %get3A_89 = arith.index_cast %scan3A_69 : i32 to index
        %get3A_90 = arith.constant 16 : index
        %get3A_91 = tpu.vector_load %arg8[%get3A_89, %get3A_90] {strides = array<i32>} : memref<32x128xi32, #tpu.memory_space<vmem>>, vector<1x16xi32>,
        %get3A_92 = vector.shape_cast %get3A_91 : vector<1x16xi32> to vector<16xi32>
        %shift_left3A_93 = arith.constant 16 : i32
        %shift_left3A_94 = vector.broadcast %shift_left3A_93 : i32 to vector<16xi32>
        %shift_left3A_95 = arith.shli %get3A_92, %shift_left3A_94 : vector<16xi32>
        %bitcast_convert_type3A_96 = tpu.bitcast %shift_left3A_95 : vector<16xi32> -> vector<16xf32>
        %and3A_97 = arith.constant -65536 : i32
        %and3A_98 = vector.broadcast %and3A_97 : i32 to vector<16xi32>
        %and3A_99 = arith.andi %get3A_92, %and3A_98 : vector<16xi32>
        %bitcast_convert_type3A_100 = tpu.bitcast %and3A_99 : vector<16xi32> -> vector<16xf32>
        %swap3A_101 = arith.index_cast %scan3A_69 : i32 to index
        %swap3A_102 = arith.constant 16 : index
        %swap3A_103 = tpu.vector_load %arg10[%swap3A_101, %swap3A_102] {strides = array<i32>} : memref<64x128xf32, #tpu.memory_space<vmem>>, vector<1x16xf32>,
        %swap3A_104 = vector.shape_cast %swap3A_103 : vector<1x16xf32> to vector<16xf32>
        %swap3A_105 = vector.shape_cast %bitcast_convert_type3A_96 : vector<16xf32> to vector<1x16xf32>
        tpu.vector_store %arg10[%swap3A_101, %swap3A_102], %swap3A_105 {strides = array<i32>} : memref<64x128xf32, #tpu.memory_space<vmem>>, vector<1x16xf32>,
        %add3A_106 = arith.constant 32 : i32
        %add3A_107 = arith.addi %scan3A_69, %add3A_106 : i32
        %swap3A_108 = arith.index_cast %add3A_107 : i32 to index
        %swap3A_109 = arith.constant 16 : index
        %swap3A_110 = tpu.vector_load %arg10[%swap3A_108, %swap3A_109] {strides = array<i32>} : memref<64x128xf32, #tpu.memory_space<vmem>>, vector<1x16xf32>,
        %swap3A_111 = vector.shape_cast %swap3A_110 : vector<1x16xf32> to vector<16xf32>
        %swap3A_112 = vector.shape_cast %bitcast_convert_type3A_100 : vector<16xf32> to vector<1x16xf32>
        tpu.vector_store %arg10[%swap3A_108, %swap3A_109], %swap3A_112 {strides = array<i32>} : memref<64x128xf32, #tpu.memory_space<vmem>>, vector<1x16xf32>,
        %get3A_113 = arith.index_cast %scan3A_69 : i32 to index
        %get3A_114 = arith.constant 32 : index
        %get3A_115 = tpu.vector_load %arg8[%get3A_113, %get3A_114] {strides = array<i32>} : memref<32x128xi32, #tpu.memory_space<vmem>>, vector<1x16xi32>,
        %get3A_116 = vector.shape_cast %get3A_115 : vector<1x16xi32> to vector<16xi32>
        %shift_left3A_117 = arith.constant 16 : i32
        %shift_left3A_118 = vector.broadcast %shift_left3A_117 : i32 to vector<16xi32>
        %shift_left3A_119 = arith.shli %get3A_116, %shift_left3A_118 : vector<16xi32>
        %bitcast_convert_type3A_120 = tpu.bitcast %shift_left3A_119 : vector<16xi32> -> vector<16xf32>
        %and3A_121 = arith.constant -65536 : i32
        %and3A_122 = vector.broadcast %and3A_121 : i32 to vector<16xi32>
        %and3A_123 = arith.andi %get3A_116, %and3A_122 : vector<16xi32>
        %bitcast_convert_type3A_124 = tpu.bitcast %and3A_123 : vector<16xi32> -> vector<16xf32>
        %swap3A_125 = arith.index_cast %scan3A_69 : i32 to index
        %swap3A_126 = arith.constant 32 : index
        %swap3A_127 = tpu.vector_load %arg10[%swap3A_125, %swap3A_126] {strides = array<i32>} : memref<64x128xf32, #tpu.memory_space<vmem>>, vector<1x16xf32>,
        %swap3A_128 = vector.shape_cast %swap3A_127 : vector<1x16xf32> to vector<16xf32>
        %swap3A_129 = vector.shape_cast %bitcast_convert_type3A_120 : vector<16xf32> to vector<1x16xf32>
        tpu.vector_store %arg10[%swap3A_125, %swap3A_126], %swap3A_129 {strides = array<i32>} : memref<64x128xf32, #tpu.memory_space<vmem>>, vector<1x16xf32>,
        %add3A_130 = arith.constant 32 : i32
        %add3A_131 = arith.addi %scan3A_69, %add3A_130 : i32
        %swap3A_132 = arith.index_cast %add3A_131 : i32 to index
        %swap3A_133 = arith.constant 32 : index
        %swap3A_134 = tpu.vector_load %arg10[%swap3A_132, %swap3A_133] {strides = array<i32>} : memref<64x128xf32, #tpu.memory_space<vmem>>, vector<1x16xf32>,
        %swap3A_135 = vector.shape_cast %swap3A_134 : vector<1x16xf32> to vector<16xf32>
        %swap3A_136 = vector.shape_cast %bitcast_convert_type3A_124 : vector<16xf32> to vector<1x16xf32>
        tpu.vector_store %arg10[%swap3A_132, %swap3A_133], %swap3A_136 {strides = array<i32>} : memref<64x128xf32, #tpu.memory_space<vmem>>, vector<1x16xf32>,
        %get3A_137 = arith.index_cast %scan3A_69 : i32 to index
        %get3A_138 = arith.constant 48 : index
        %get3A_139 = tpu.vector_load %arg8[%get3A_137, %get3A_138] {strides = array<i32>} : memref<32x128xi32, #tpu.memory_space<vmem>>, vector<1x16xi32>,
        %get3A_140 = vector.shape_cast %get3A_139 : vector<1x16xi32> to vector<16xi32>
        %shift_left3A_141 = arith.constant 16 : i32
        %shift_left3A_142 = vector.broadcast %shift_left3A_141 : i32 to vector<16xi32>
        %shift_left3A_143 = arith.shli %get3A_140, %shift_left3A_142 : vector<16xi32>
        %bitcast_convert_type3A_144 = tpu.bitcast %shift_left3A_143 : vector<16xi32> -> vector<16xf32>
        %and3A_145 = arith.constant -65536 : i32
        %and3A_146 = vector.broadcast %and3A_145 : i32 to vector<16xi32>
        %and3A_147 = arith.andi %get3A_140, %and3A_146 : vector<16xi32>
        %bitcast_convert_type3A_148 = tpu.bitcast %and3A_147 : vector<16xi32> -> vector<16xf32>
        %swap3A_149 = arith.index_cast %scan3A_69 : i32 to index
        %swap3A_150 = arith.constant 48 : index
        %swap3A_151 = tpu.vector_load %arg10[%swap3A_149, %swap3A_150] {strides = array<i32>} : memref<64x128xf32, #tpu.memory_space<vmem>>, vector<1x16xf32>,
        %swap3A_152 = vector.shape_cast %swap3A_151 : vector<1x16xf32> to vector<16xf32>
        %swap3A_153 = vector.shape_cast %bitcast_convert_type3A_144 : vector<16xf32> to vector<1x16xf32>
        tpu.vector_store %arg10[%swap3A_149, %swap3A_150], %swap3A_153 {strides = array<i32>} : memref<64x128xf32, #tpu.memory_space<vmem>>, vector<1x16xf32>,
        %add3A_154 = arith.constant 32 : i32
        %add3A_155 = arith.addi %scan3A_69, %add3A_154 : i32
        %swap3A_156 = arith.index_cast %add3A_155 : i32 to index
        %swap3A_157 = arith.constant 48 : index
        %swap3A_158 = tpu.vector_load %arg10[%swap3A_156, %swap3A_157] {strides = array<i32>} : memref<64x128xf32, #tpu.memory_space<vmem>>, vector<1x16xf32>,
        %swap3A_159 = vector.shape_cast %swap3A_158 : vector<1x16xf32> to vector<16xf32>
        %swap3A_160 = vector.shape_cast %bitcast_convert_type3A_148 : vector<16xf32> to vector<1x16xf32>
        tpu.vector_store %arg10[%swap3A_156, %swap3A_157], %swap3A_160 {strides = array<i32>} : memref<64x128xf32, #tpu.memory_space<vmem>>, vector<1x16xf32>,
        %get3A_161 = arith.index_cast %scan3A_69 : i32 to index
        %get3A_162 = arith.constant 64 : index
        %get3A_163 = tpu.vector_load %arg8[%get3A_161, %get3A_162] {strides = array<i32>} : memref<32x128xi32, #tpu.memory_space<vmem>>, vector<1x16xi32>,
        %get3A_164 = vector.shape_cast %get3A_163 : vector<1x16xi32> to vector<16xi32>
        %shift_left3A_165 = arith.constant 16 : i32
        %shift_left3A_166 = vector.broadcast %shift_left3A_165 : i32 to vector<16xi32>
        %shift_left3A_167 = arith.shli %get3A_164, %shift_left3A_166 : vector<16xi32>
        %bitcast_convert_type3A_168 = tpu.bitcast %shift_left3A_167 : vector<16xi32> -> vector<16xf32>
        %and3A_169 = arith.constant -65536 : i32
        %and3A_170 = vector.broadcast %and3A_169 : i32 to vector<16xi32>
        %and3A_171 = arith.andi %get3A_164, %and3A_170 : vector<16xi32>
        %bitcast_convert_type3A_172 = tpu.bitcast %and3A_171 : vector<16xi32> -> vector<16xf32>
        %swap3A_173 = arith.index_cast %scan3A_69 : i32 to index
        %swap3A_174 = arith.constant 64 : index
        %swap3A_175 = tpu.vector_load %arg10[%swap3A_173, %swap3A_174] {strides = array<i32>} : memref<64x128xf32, #tpu.memory_space<vmem>>, vector<1x16xf32>,
        %swap3A_176 = vector.shape_cast %swap3A_175 : vector<1x16xf32> to vector<16xf32>
        %swap3A_177 = vector.shape_cast %bitcast_convert_type3A_168 : vector<16xf32> to vector<1x16xf32>
        tpu.vector_store %arg10[%swap3A_173, %swap3A_174], %swap3A_177 {strides = array<i32>} : memref<64x128xf32, #tpu.memory_space<vmem>>, vector<1x16xf32>,
        %add3A_178 = arith.constant 32 : i32
        %add3A_179 = arith.addi %scan3A_69, %add3A_178 : i32
        %swap3A_180 = arith.index_cast %add3A_179 : i32 to index
        %swap3A_181 = arith.constant 64 : index
        %swap3A_182 = tpu.vector_load %arg10[%swap3A_180, %swap3A_181] {strides = array<i32>} : memref<64x128xf32, #tpu.memory_space<vmem>>, vector<1x16xf32>,
        %swap3A_183 = vector.shape_cast %swap3A_182 : vector<1x16xf32> to vector<16xf32>
        %swap3A_184 = vector.shape_cast %bitcast_convert_type3A_172 : vector<16xf32> to vector<1x16xf32>
        tpu.vector_store %arg10[%swap3A_180, %swap3A_181], %swap3A_184 {strides = array<i32>} : memref<64x128xf32, #tpu.memory_space<vmem>>, vector<1x16xf32>,
        %get3A_185 = arith.index_cast %scan3A_69 : i32 to index
        %get3A_186 = arith.constant 80 : index
        %get3A_187 = tpu.vector_load %arg8[%get3A_185, %get3A_186] {strides = array<i32>} : memref<32x128xi32, #tpu.memory_space<vmem>>, vector<1x16xi32>,
        %get3A_188 = vector.shape_cast %get3A_187 : vector<1x16xi32> to vector<16xi32>
        %shift_left3A_189 = arith.constant 16 : i32
        %shift_left3A_190 = vector.broadcast %shift_left3A_189 : i32 to vector<16xi32>
        %shift_left3A_191 = arith.shli %get3A_188, %shift_left3A_190 : vector<16xi32>
        %bitcast_convert_type3A_192 = tpu.bitcast %shift_left3A_191 : vector<16xi32> -> vector<16xf32>
        %and3A_193 = arith.constant -65536 : i32
        %and3A_194 = vector.broadcast %and3A_193 : i32 to vector<16xi32>
        %and3A_195 = arith.andi %get3A_188, %and3A_194 : vector<16xi32>
        %bitcast_convert_type3A_196 = tpu.bitcast %and3A_195 : vector<16xi32> -> vector<16xf32>
        %swap3A_197 = arith.index_cast %scan3A_69 : i32 to index
        %swap3A_198 = arith.constant 80 : index
        %swap3A_199 = tpu.vector_load %arg10[%swap3A_197, %swap3A_198] {strides = array<i32>} : memref<64x128xf32, #tpu.memory_space<vmem>>, vector<1x16xf32>,
        %swap3A_200 = vector.shape_cast %swap3A_199 : vector<1x16xf32> to vector<16xf32>
        %swap3A_201 = vector.shape_cast %bitcast_convert_type3A_192 : vector<16xf32> to vector<1x16xf32>
        tpu.vector_store %arg10[%swap3A_197, %swap3A_198], %swap3A_201 {strides = array<i32>} : memref<64x128xf32, #tpu.memory_space<vmem>>, vector<1x16xf32>,
        %add3A_202 = arith.constant 32 : i32
        %add3A_203 = arith.addi %scan3A_69, %add3A_202 : i32
        %swap3A_204 = arith.index_cast %add3A_203 : i32 to index
        %swap3A_205 = arith.constant 80 : index
        %swap3A_206 = tpu.vector_load %arg10[%swap3A_204, %swap3A_205] {strides = array<i32>} : memref<64x128xf32, #tpu.memory_space<vmem>>, vector<1x16xf32>,
        %swap3A_207 = vector.shape_cast %swap3A_206 : vector<1x16xf32> to vector<16xf32>
        %swap3A_208 = vector.shape_cast %bitcast_convert_type3A_196 : vector<16xf32> to vector<1x16xf32>
        tpu.vector_store %arg10[%swap3A_204, %swap3A_205], %swap3A_208 {strides = array<i32>} : memref<64x128xf32, #tpu.memory_space<vmem>>, vector<1x16xf32>,
        %get3A_209 = arith.index_cast %scan3A_69 : i32 to index
        %get3A_210 = arith.constant 96 : index
        %get3A_211 = tpu.vector_load %arg8[%get3A_209, %get3A_210] {strides = array<i32>} : memref<32x128xi32, #tpu.memory_space<vmem>>, vector<1x16xi32>,
        %get3A_212 = vector.shape_cast %get3A_211 : vector<1x16xi32> to vector<16xi32>
        %shift_left3A_213 = arith.constant 16 : i32
        %shift_left3A_214 = vector.broadcast %shift_left3A_213 : i32 to vector<16xi32>
        %shift_left3A_215 = arith.shli %get3A_212, %shift_left3A_214 : vector<16xi32>
        %bitcast_convert_type3A_216 = tpu.bitcast %shift_left3A_215 : vector<16xi32> -> vector<16xf32>
        %and3A_217 = arith.constant -65536 : i32
        %and3A_218 = vector.broadcast %and3A_217 : i32 to vector<16xi32>
        %and3A_219 = arith.andi %get3A_212, %and3A_218 : vector<16xi32>
        %bitcast_convert_type3A_220 = tpu.bitcast %and3A_219 : vector<16xi32> -> vector<16xf32>
        %swap3A_221 = arith.index_cast %scan3A_69 : i32 to index
        %swap3A_222 = arith.constant 96 : index
        %swap3A_223 = tpu.vector_load %arg10[%swap3A_221, %swap3A_222] {strides = array<i32>} : memref<64x128xf32, #tpu.memory_space<vmem>>, vector<1x16xf32>,
        %swap3A_224 = vector.shape_cast %swap3A_223 : vector<1x16xf32> to vector<16xf32>
        %swap3A_225 = vector.shape_cast %bitcast_convert_type3A_216 : vector<16xf32> to vector<1x16xf32>
        tpu.vector_store %arg10[%swap3A_221, %swap3A_222], %swap3A_225 {strides = array<i32>} : memref<64x128xf32, #tpu.memory_space<vmem>>, vector<1x16xf32>,
        %add3A_226 = arith.constant 32 : i32
        %add3A_227 = arith.addi %scan3A_69, %add3A_226 : i32
        %swap3A_228 = arith.index_cast %add3A_227 : i32 to index
        %swap3A_229 = arith.constant 96 : index
        %swap3A_230 = tpu.vector_load %arg10[%swap3A_228, %swap3A_229] {strides = array<i32>} : memref<64x128xf32, #tpu.memory_space<vmem>>, vector<1x16xf32>,
        %swap3A_231 = vector.shape_cast %swap3A_230 : vector<1x16xf32> to vector<16xf32>
        %swap3A_232 = vector.shape_cast %bitcast_convert_type3A_220 : vector<16xf32> to vector<1x16xf32>
        tpu.vector_store %arg10[%swap3A_228, %swap3A_229], %swap3A_232 {strides = array<i32>} : memref<64x128xf32, #tpu.memory_space<vmem>>, vector<1x16xf32>,
        %get3A_233 = arith.index_cast %scan3A_69 : i32 to index
        %get3A_234 = arith.constant 112 : index
        %get3A_235 = tpu.vector_load %arg8[%get3A_233, %get3A_234] {strides = array<i32>} : memref<32x128xi32, #tpu.memory_space<vmem>>, vector<1x16xi32>,
        %get3A_236 = vector.shape_cast %get3A_235 : vector<1x16xi32> to vector<16xi32>
        %shift_left3A_237 = arith.constant 16 : i32
        %shift_left3A_238 = vector.broadcast %shift_left3A_237 : i32 to vector<16xi32>
        %shift_left3A_239 = arith.shli %get3A_236, %shift_left3A_238 : vector<16xi32>
        %bitcast_convert_type3A_240 = tpu.bitcast %shift_left3A_239 : vector<16xi32> -> vector<16xf32>
        %and3A_241 = arith.constant -65536 : i32
        %and3A_242 = vector.broadcast %and3A_241 : i32 to vector<16xi32>
        %and3A_243 = arith.andi %get3A_236, %and3A_242 : vector<16xi32>
        %bitcast_convert_type3A_244 = tpu.bitcast %and3A_243 : vector<16xi32> -> vector<16xf32>
        %swap3A_245 = arith.index_cast %scan3A_69 : i32 to index
        %swap3A_246 = arith.constant 112 : index
        %swap3A_247 = tpu.vector_load %arg10[%swap3A_245, %swap3A_246] {strides = array<i32>} : memref<64x128xf32, #tpu.memory_space<vmem>>, vector<1x16xf32>,
        %swap3A_248 = vector.shape_cast %swap3A_247 : vector<1x16xf32> to vector<16xf32>
        %swap3A_249 = vector.shape_cast %bitcast_convert_type3A_240 : vector<16xf32> to vector<1x16xf32>
        tpu.vector_store %arg10[%swap3A_245, %swap3A_246], %swap3A_249 {strides = array<i32>} : memref<64x128xf32, #tpu.memory_space<vmem>>, vector<1x16xf32>,
        %add3A_250 = arith.constant 32 : i32
        %add3A_251 = arith.addi %scan3A_69, %add3A_250 : i32
        %swap3A_252 = arith.index_cast %add3A_251 : i32 to index
        %swap3A_253 = arith.constant 112 : index
        %swap3A_254 = tpu.vector_load %arg10[%swap3A_252, %swap3A_253] {strides = array<i32>} : memref<64x128xf32, #tpu.memory_space<vmem>>, vector<1x16xf32>,
        %swap3A_255 = vector.shape_cast %swap3A_254 : vector<1x16xf32> to vector<16xf32>
        %swap3A_256 = vector.shape_cast %bitcast_convert_type3A_244 : vector<16xf32> to vector<1x16xf32>
        tpu.vector_store %arg10[%swap3A_252, %swap3A_253], %swap3A_256 {strides = array<i32>} : memref<64x128xf32, #tpu.memory_space<vmem>>, vector<1x16xf32>,
      }
      %scan3A_68 = arith.constant 32 : i32
      %run_scoped3A = arith.constant 78 : i32
      "tpu.region"() ({
        %run_scoped3A_69 = tpu.sem_alloc : memref<!tpu.dma_semaphore, #tpu.memory_space<semaphore_mem>>
        %dma_start3A_70 = arith.constant 0 : i32
        %dma_start3A_71 = tpu.memref_slice %arg6[%run_scoped3A, %dma_start3A_70] : memref<80x64xi32, #tpu.memory_space<vmem>> -> memref<1x64xi32, #tpu.memory_space<vmem>>
        %dma_start3A_72 = tpu.memref_squeeze %dma_start3A_71 : memref<1x64xi32, #tpu.memory_space<vmem>> -> memref<64xi32, #tpu.memory_space<vmem>>
        %dma_start3A_73 = arith.constant 0 : i32
        %dma_start3A_74 = arith.constant 0 : i32
        %dma_start3A_75 = tpu.memref_slice %arg11[%dma_start3A_73, %dma_start3A_74] : memref<10000x128xf32, #tpu.memory_space<vmem_shared>> -> memref<10000x128xf32, #tpu.memory_space<vmem_shared>>
        tpu.enqueue_indirect_dma source(%arg10 : memref<64x128xf32, #tpu.memory_space<vmem>>) target(%dma_start3A_75 : memref<10000x128xf32, #tpu.memory_space<vmem_shared>>) offsets(%dma_start3A_72 : memref<64xi32, #tpu.memory_space<vmem>>) semaphore(%run_scoped3A_69 : memref<!tpu.dma_semaphore, #tpu.memory_space<semaphore_mem>>) {add = true}
        %dma_wait3A_76 = arith.constant 0 : i32
        %dma_wait3A_77 = tpu.memref_slice %arg6[%run_scoped3A, %dma_wait3A_76] : memref<80x64xi32, #tpu.memory_space<vmem>> -> memref<1x64xi32, #tpu.memory_space<vmem>>
        %dma_wait3A_78 = tpu.memref_squeeze %dma_wait3A_77 : memref<1x64xi32, #tpu.memory_space<vmem>> -> memref<64xi32, #tpu.memory_space<vmem>>
        %dma_wait3A_79 = arith.constant 0 : i32
        %dma_wait3A_80 = arith.constant 0 : i32
        %dma_wait3A_81 = tpu.memref_slice %arg11[%dma_wait3A_79, %dma_wait3A_80] : memref<10000x128xf32, #tpu.memory_space<vmem_shared>> -> memref<10000x128xf32, #tpu.memory_space<vmem_shared>>
        tpu.wait_indirect_dma semaphore(%run_scoped3A_69 : memref<!tpu.dma_semaphore, #tpu.memory_space<semaphore_mem>>) src(%arg10 : memref<64x128xf32, #tpu.memory_space<vmem>>) dst(%dma_wait3A_81 : memref<10000x128xf32, #tpu.memory_space<vmem_shared>>)
        tpu.yield
      }) : () -> ()
    } else {
    }
    %barrier3A_46 = arith.constant 0 : index
    tpu.barrier barrier_id(%barrier3A_46)
    %mul3A_47 = arith.constant 624 : i32
    %mul3A_48 = arith.muli %arg1, %mul3A_47 : i32
    %mul3A_49 = arith.constant 10000 : i32
    %mul3A_50 = arith.muli %arg0, %mul3A_49 : i32
    %mul3A_51 = arith.constant 624 : i32
    %mul3A_52 = arith.muli %arg1, %mul3A_51 : i32
    %add3A_53 = arith.addi %mul3A_50, %mul3A_52 : i32
    "tpu.region"() ({
      %run_scoped3A = tpu.sem_alloc : memref<!tpu.dma_semaphore, #tpu.memory_space<semaphore_mem>>
      %dma_start3A_59 = arith.constant 0 : i32
      %dma_start3A_60 = tpu.memref_slice %arg5[%add3A_53, %dma_start3A_59] : memref<20000x128xf32, #tpu.memory_space<hbm>> -> memref<624x128xf32, #tpu.memory_space<hbm>>
      %dma_start3A_61 = arith.constant 0 : i32
      %dma_start3A_62 = tpu.memref_slice %arg11[%mul3A_48, %dma_start3A_61] : memref<10000x128xf32, #tpu.memory_space<vmem_shared>> -> memref<624x128xf32, #tpu.memory_space<vmem_shared>>
      tpu.enqueue_dma source(%dma_start3A_62 : memref<624x128xf32, #tpu.memory_space<vmem_shared>>) target(%dma_start3A_60 : memref<624x128xf32, #tpu.memory_space<hbm>>) target_semaphore(%run_scoped3A : memref<!tpu.dma_semaphore, #tpu.memory_space<semaphore_mem>>)
      %dma_wait3A_63 = arith.constant 0 : i32
      %dma_wait3A_64 = tpu.memref_slice %arg5[%add3A_53, %dma_wait3A_63] : memref<20000x128xf32, #tpu.memory_space<hbm>> -> memref<624x128xf32, #tpu.memory_space<hbm>>
      %dma_wait3A_65 = arith.constant 0 : i32
      %dma_wait3A_66 = tpu.memref_slice %arg11[%mul3A_48, %dma_wait3A_65] : memref<10000x128xf32, #tpu.memory_space<vmem_shared>> -> memref<624x128xf32, #tpu.memory_space<vmem_shared>>
      tpu.wait_dma2 semaphore(%run_scoped3A : memref<!tpu.dma_semaphore, #tpu.memory_space<semaphore_mem>>) src(%dma_wait3A_66 : memref<624x128xf32, #tpu.memory_space<vmem_shared>>) dst(%dma_wait3A_64 : memref<624x128xf32, #tpu.memory_space<hbm>>)
      tpu.yield
    }) : () -> ()
    %eq3A_54 = arith.constant 15 : i32
    %eq3A_55 = arith.cmpi eq, %arg1, %eq3A_54 : i32
    %convert_element_type3A_56 = arith.extui %eq3A_55 : i1 to i32
    %cond3A_57 = arith.constant 0 : i32
    %cond3A_58 = arith.cmpi ne, %convert_element_type3A_56, %cond3A_57 : i32
    scf.if %cond3A_58 {
      %mul3A_59 = arith.constant 10000 : i32
      %mul3A_60 = arith.muli %arg0, %mul3A_59 : i32
      %add3A_61 = arith.constant 9984 : i32
      %add3A_62 = arith.addi %mul3A_60, %add3A_61 : i32
      "tpu.region"() ({
        %run_scoped3A = tpu.sem_alloc : memref<!tpu.dma_semaphore, #tpu.memory_space<semaphore_mem>>
        %dma_start3A_63 = arith.constant 0 : i32
        %dma_start3A_64 = tpu.memref_slice %arg5[%add3A_62, %dma_start3A_63] : memref<20000x128xf32, #tpu.memory_space<hbm>> -> memref<16x128xf32, #tpu.memory_space<hbm>>
        %dma_start3A_65 = arith.constant 9984 : i32
        %dma_start3A_66 = arith.constant 0 : i32
        %dma_start3A_67 = tpu.memref_slice %arg11[%dma_start3A_65, %dma_start3A_66] : memref<10000x128xf32, #tpu.memory_space<vmem_shared>> -> memref<16x128xf32, #tpu.memory_space<vmem_shared>>
        tpu.enqueue_dma source(%dma_start3A_67 : memref<16x128xf32, #tpu.memory_space<vmem_shared>>) target(%dma_start3A_64 : memref<16x128xf32, #tpu.memory_space<hbm>>) target_semaphore(%run_scoped3A : memref<!tpu.dma_semaphore, #tpu.memory_space<semaphore_mem>>)
        %dma_wait3A_68 = arith.constant 0 : i32
        %dma_wait3A_69 = tpu.memref_slice %arg5[%add3A_62, %dma_wait3A_68] : memref<20000x128xf32, #tpu.memory_space<hbm>> -> memref<16x128xf32, #tpu.memory_space<hbm>>
        %dma_wait3A_70 = arith.constant 9984 : i32
        %dma_wait3A_71 = arith.constant 0 : i32
        %dma_wait3A_72 = tpu.memref_slice %arg11[%dma_wait3A_70, %dma_wait3A_71] : memref<10000x128xf32, #tpu.memory_space<vmem_shared>> -> memref<16x128xf32, #tpu.memory_space<vmem_shared>>
        tpu.wait_dma2 semaphore(%run_scoped3A : memref<!tpu.dma_semaphore, #tpu.memory_space<semaphore_mem>>) src(%dma_wait3A_72 : memref<16x128xf32, #tpu.memory_space<vmem_shared>>) dst(%dma_wait3A_69 : memref<16x128xf32, #tpu.memory_space<hbm>>)
        tpu.yield
      }) : () -> ()
    } else {
    }
    return
  }
}

module attributes {stable_mosaic.version = 14 : i64} {
  func.func @_mm_body(%arg0: i32, %arg1: memref<16000x128xf32, #tpu.memory_space<vmem>>, %arg2: memref<128x128xf32, #tpu.memory_space<vmem>>, %arg3: memref<1x128xf32, #tpu.memory_space<vmem>>, %arg4: memref<8000x128xi32, #tpu.memory_space<vmem>>) attributes {dimension_semantics = [#tpu.dimension_semantics<arbitrary>], iteration_bounds = array<i64: 10>, scalar_prefetch = 0 : i64, scratch_operands = 0 : i64, tpu.core_type = #tpu.core_type<tc>, window_params = [{transform_indices = @transform_0, window_bounds = array<i64: 16000, 128>}, {pipeline_mode = #tpu.pipeline_mode<synchronous>, transform_indices = @transform_1, window_bounds = array<i64: 128, 128>}, {pipeline_mode = #tpu.pipeline_mode<synchronous>, transform_indices = @transform_2, window_bounds = array<i64: 1, 128>}, {transform_indices = @transform_3, window_bounds = array<i64: 8000, 128>}]} {
    %get3A = arith.constant 0 : index
    %get3A_0 = arith.constant 0 : index
    %get3A_1 = vector.load %arg1[%get3A, %get3A_0] : memref<16000x128xf32, #tpu.memory_space<vmem>>, vector<16000x128xf32>
    %convert_element_type3A = arith.truncf %get3A_1 : vector<16000x128xf32> to vector<16000x128xbf16>
    %get3A_2 = arith.constant 0 : index
    %get3A_3 = arith.constant 0 : index
    %get3A_4 = vector.load %arg2[%get3A_2, %get3A_3] : memref<128x128xf32, #tpu.memory_space<vmem>>, vector<128x128xf32>
    %convert_element_type3A_5 = arith.truncf %get3A_4 : vector<128x128xf32> to vector<128x128xbf16>
    %dot_general3A = arith.constant dense<0.000000e+00> : vector<16000x128xf32>
    %dot_general3A_6 = tpu.matmul %convert_element_type3A, %convert_element_type3A_5, %dot_general3A {dimension_numbers = #tpu.dot_dimension_numbers<[1], [1], [0], [0], [0, 0, 1, 0], [], []>, transpose_lhs_hint = false} : vector<16000x128xbf16>, vector<128x128xbf16>, vector<16000x128xf32> -> vector<16000x128xf32>
    %get3A_7 = arith.constant 0 : index
    %get3A_8 = arith.constant 0 : index
    %get3A_9 = vector.load %arg3[%get3A_7, %get3A_8] : memref<1x128xf32, #tpu.memory_space<vmem>>, vector<1x128xf32>
    %add3A = vector.broadcast %get3A_9 : vector<1x128xf32> to vector<16000x128xf32>
    %add3A_10 = arith.addf %dot_general3A_6, %add3A : vector<16000x128xf32>
    %max3A = arith.constant 0.000000e+00 : f32
    %max3A_11 = vector.broadcast %max3A : f32 to vector<16000x128xf32>
    %max3A_12 = arith.maximumf %add3A_10, %max3A_11 : vector<16000x128xf32>
    %convert_element_type3A_13 = arith.truncf %max3A_12 : vector<16000x128xf32> to vector<16000x128xbf16>
    %convert_element_type3A_14 = arith.extf %convert_element_type3A_13 : vector<16000x128xbf16> to vector<16000x128xf32>
    %bitcast_convert_type3A = tpu.bitcast %convert_element_type3A_14 : vector<16000x128xf32> -> vector<16000x128xi32>
    %reshape3A = vector.shape_cast %bitcast_convert_type3A : vector<16000x128xi32> to vector<250x64x128xi32>
    %slice3A = vector.extract_strided_slice %reshape3A {offsets = [0, 0, 0], sizes = [250, 32, 128], strides = [1, 1, 1]} : vector<250x64x128xi32> to vector<250x32x128xi32>
    %slice3A_15 = vector.extract_strided_slice %reshape3A {offsets = [0, 32, 0], sizes = [250, 32, 128], strides = [1, 1, 1]} : vector<250x64x128xi32> to vector<250x32x128xi32>
    %shift_right_arithmetic3A = arith.constant 16 : i32
    %shift_right_arithmetic3A_16 = vector.broadcast %shift_right_arithmetic3A : i32 to vector<250x32x128xi32>
    %shift_right_arithmetic3A_17 = arith.shrsi %slice3A, %shift_right_arithmetic3A_16 : vector<250x32x128xi32>
    %and3A = arith.constant 65535 : i32
    %and3A_18 = vector.broadcast %and3A : i32 to vector<250x32x128xi32>
    %and3A_19 = arith.andi %shift_right_arithmetic3A_17, %and3A_18 : vector<250x32x128xi32>
    %and3A_20 = arith.constant -65536 : i32
    %and3A_21 = vector.broadcast %and3A_20 : i32 to vector<250x32x128xi32>
    %and3A_22 = arith.andi %slice3A_15, %and3A_21 : vector<250x32x128xi32>
    %or3A = arith.ori %and3A_19, %and3A_22 : vector<250x32x128xi32>
    %reshape3A_23 = vector.shape_cast %or3A : vector<250x32x128xi32> to vector<8000x128xi32>
    %swap3A = arith.constant 0 : index
    %swap3A_24 = arith.constant 0 : index
    %swap3A_25 = vector.load %arg4[%swap3A, %swap3A_24] : memref<8000x128xi32, #tpu.memory_space<vmem>>, vector<8000x128xi32>
    tpu.vector_store %arg4[%swap3A, %swap3A_24], %reshape3A_23 {strides = array<i32>} : memref<8000x128xi32, #tpu.memory_space<vmem>>, vector<8000x128xi32>,
    return
  }
  func.func @transform_0(%arg0: i32) -> (i32, i32) {
    %add3A = arith.constant 10 : i32
    %add3A_0 = arith.addi %arg0, %add3A : i32
    %c0_i32 = arith.constant 0 : i32
    %c0_i32_1 = arith.constant 0 : i32
    return %add3A_0, %c0_i32 : i32, i32
  }
  func.func @transform_1(%arg0: i32) -> (i32, i32) {
    %c0_i32 = arith.constant 0 : i32
    %c0_i32_0 = arith.constant 0 : i32
    %c0_i32_1 = arith.constant 0 : i32
    return %c0_i32, %c0_i32_0 : i32, i32
  }
  func.func @transform_2(%arg0: i32) -> (i32, i32) {
    %c0_i32 = arith.constant 0 : i32
    %c0_i32_0 = arith.constant 0 : i32
    %c0_i32_1 = arith.constant 0 : i32
    return %c0_i32, %c0_i32_0 : i32, i32
  }
  func.func @transform_3(%arg0: i32) -> (i32, i32) {
    %c0_i32 = arith.constant 0 : i32
    %c0_i32_0 = arith.constant 0 : i32
    return %arg0, %c0_i32 : i32, i32
  }
}

module attributes {stable_mosaic.version = 14 : i64} {
  func.func @_fin_body(%arg0: i32, %arg1: memref<2000x128xf32, #tpu.memory_space<vmem>>, %arg2: memref<2000x128xf32, #tpu.memory_space<vmem>>, %arg3: memref<2000x128xf32, #tpu.memory_space<vmem>>, %arg4: memref<2000x128xf32, #tpu.memory_space<vmem>>, %arg5: memref<2000x128xf32, #tpu.memory_space<vmem>>) attributes {dimension_semantics = [#tpu.dimension_semantics<arbitrary>], iteration_bounds = array<i64: 5>, scalar_prefetch = 0 : i64, scratch_operands = 0 : i64, tpu.core_type = #tpu.core_type<tc>, window_params = [{transform_indices = @transform_0, window_bounds = array<i64: 2000, 128>}, {transform_indices = @transform_1, window_bounds = array<i64: 2000, 128>}, {transform_indices = @transform_2, window_bounds = array<i64: 2000, 128>}, {transform_indices = @transform_3, window_bounds = array<i64: 2000, 128>}, {transform_indices = @transform_4, window_bounds = array<i64: 2000, 128>}]} {
    %get3A = arith.constant 0 : index
    %get3A_0 = arith.constant 0 : index
    %get3A_1 = vector.load %arg1[%get3A, %get3A_0] : memref<2000x128xf32, #tpu.memory_space<vmem>>, vector<2000x128xf32>
    %get3A_2 = arith.constant 0 : index
    %get3A_3 = arith.constant 0 : index
    %get3A_4 = vector.load %arg2[%get3A_2, %get3A_3] : memref<2000x128xf32, #tpu.memory_space<vmem>>, vector<2000x128xf32>
    %add3A = arith.addf %get3A_1, %get3A_4 : vector<2000x128xf32>
    %get3A_5 = arith.constant 0 : index
    %get3A_6 = arith.constant 0 : index
    %get3A_7 = vector.load %arg3[%get3A_5, %get3A_6] : memref<2000x128xf32, #tpu.memory_space<vmem>>, vector<2000x128xf32>
    %add3A_8 = arith.addf %add3A, %get3A_7 : vector<2000x128xf32>
    %get3A_9 = arith.constant 0 : index
    %get3A_10 = arith.constant 0 : index
    %get3A_11 = vector.load %arg4[%get3A_9, %get3A_10] : memref<2000x128xf32, #tpu.memory_space<vmem>>, vector<2000x128xf32>
    %add3A_12 = arith.addf %add3A_8, %get3A_11 : vector<2000x128xf32>
    %max3A = arith.constant 0.000000e+00 : f32
    %max3A_13 = vector.broadcast %max3A : f32 to vector<2000x128xf32>
    %max3A_14 = arith.maximumf %add3A_12, %max3A_13 : vector<2000x128xf32>
    %reduce_max3A = arith.constant dense<0xFF800000> : vector<2000xf32>
    %reduce_max3A_15 = vector.multi_reduction <maximumf>, %max3A_14, %reduce_max3A [1] : vector<2000x128xf32> to vector<2000xf32>
    %broadcast_in_dim3A = vector.shape_cast %reduce_max3A_15 : vector<2000xf32> to vector<2000x1xf32>
    %div3A = vector.broadcast %broadcast_in_dim3A : vector<2000x1xf32> to vector<2000x128xf32>
    %div3A_16 = arith.divf %max3A_14, %div3A : vector<2000x128xf32>
    %swap3A = arith.constant 0 : index
    %swap3A_17 = arith.constant 0 : index
    %swap3A_18 = vector.load %arg5[%swap3A, %swap3A_17] : memref<2000x128xf32, #tpu.memory_space<vmem>>, vector<2000x128xf32>
    tpu.vector_store %arg5[%swap3A, %swap3A_17], %div3A_16 {strides = array<i32>} : memref<2000x128xf32, #tpu.memory_space<vmem>>, vector<2000x128xf32>,
    return
  }
  func.func @transform_0(%arg0: i32) -> (i32, i32) {
    %c0_i32 = arith.constant 0 : i32
    %c0_i32_0 = arith.constant 0 : i32
    return %arg0, %c0_i32 : i32, i32
  }
  func.func @transform_1(%arg0: i32) -> (i32, i32) {
    %add3A = arith.constant 5 : i32
    %add3A_0 = arith.addi %arg0, %add3A : i32
    %c0_i32 = arith.constant 0 : i32
    %c0_i32_1 = arith.constant 0 : i32
    return %add3A_0, %c0_i32 : i32, i32
  }
  func.func @transform_2(%arg0: i32) -> (i32, i32) {
    %c0_i32 = arith.constant 0 : i32
    %c0_i32_0 = arith.constant 0 : i32
    return %arg0, %c0_i32 : i32, i32
  }
  func.func @transform_3(%arg0: i32) -> (i32, i32) {
    %add3A = arith.constant 5 : i32
    %add3A_0 = arith.addi %arg0, %add3A : i32
    %c0_i32 = arith.constant 0 : i32
    %c0_i32_1 = arith.constant 0 : i32
    return %add3A_0, %c0_i32 : i32, i32
  }
  func.func @transform_4(%arg0: i32) -> (i32, i32) {
    %c0_i32 = arith.constant 0 : i32
    %c0_i32_0 = arith.constant 0 : i32
    return %arg0, %c0_i32 : i32, i32
  }
}

module attributes {stable_mosaic.version = 14 : i64} {
  func.func @_mm_body(%arg0: i32, %arg1: memref<16000x128xf32, #tpu.memory_space<vmem>>, %arg2: memref<128x128xf32, #tpu.memory_space<vmem>>, %arg3: memref<1x128xf32, #tpu.memory_space<vmem>>, %arg4: memref<8000x128xi32, #tpu.memory_space<vmem>>) attributes {dimension_semantics = [#tpu.dimension_semantics<arbitrary>], iteration_bounds = array<i64: 10>, scalar_prefetch = 0 : i64, scratch_operands = 0 : i64, tpu.core_type = #tpu.core_type<tc>, window_params = [{transform_indices = @transform_0, window_bounds = array<i64: 16000, 128>}, {pipeline_mode = #tpu.pipeline_mode<synchronous>, transform_indices = @transform_1, window_bounds = array<i64: 128, 128>}, {pipeline_mode = #tpu.pipeline_mode<synchronous>, transform_indices = @transform_2, window_bounds = array<i64: 1, 128>}, {transform_indices = @transform_3, window_bounds = array<i64: 8000, 128>}]} {
    %get3A = arith.constant 0 : index
    %get3A_0 = arith.constant 0 : index
    %get3A_1 = vector.load %arg1[%get3A, %get3A_0] : memref<16000x128xf32, #tpu.memory_space<vmem>>, vector<16000x128xf32>
    %convert_element_type3A = arith.truncf %get3A_1 : vector<16000x128xf32> to vector<16000x128xbf16>
    %get3A_2 = arith.constant 0 : index
    %get3A_3 = arith.constant 0 : index
    %get3A_4 = vector.load %arg2[%get3A_2, %get3A_3] : memref<128x128xf32, #tpu.memory_space<vmem>>, vector<128x128xf32>
    %convert_element_type3A_5 = arith.truncf %get3A_4 : vector<128x128xf32> to vector<128x128xbf16>
    %dot_general3A = arith.constant dense<0.000000e+00> : vector<16000x128xf32>
    %dot_general3A_6 = tpu.matmul %convert_element_type3A, %convert_element_type3A_5, %dot_general3A {dimension_numbers = #tpu.dot_dimension_numbers<[1], [1], [0], [0], [0, 0, 1, 0], [], []>, transpose_lhs_hint = false} : vector<16000x128xbf16>, vector<128x128xbf16>, vector<16000x128xf32> -> vector<16000x128xf32>
    %get3A_7 = arith.constant 0 : index
    %get3A_8 = arith.constant 0 : index
    %get3A_9 = vector.load %arg3[%get3A_7, %get3A_8] : memref<1x128xf32, #tpu.memory_space<vmem>>, vector<1x128xf32>
    %add3A = vector.broadcast %get3A_9 : vector<1x128xf32> to vector<16000x128xf32>
    %add3A_10 = arith.addf %dot_general3A_6, %add3A : vector<16000x128xf32>
    %max3A = arith.constant 0.000000e+00 : f32
    %max3A_11 = vector.broadcast %max3A : f32 to vector<16000x128xf32>
    %max3A_12 = arith.maximumf %add3A_10, %max3A_11 : vector<16000x128xf32>
    %convert_element_type3A_13 = arith.truncf %max3A_12 : vector<16000x128xf32> to vector<16000x128xbf16>
    %convert_element_type3A_14 = arith.extf %convert_element_type3A_13 : vector<16000x128xbf16> to vector<16000x128xf32>
    %bitcast_convert_type3A = tpu.bitcast %convert_element_type3A_14 : vector<16000x128xf32> -> vector<16000x128xi32>
    %reshape3A = vector.shape_cast %bitcast_convert_type3A : vector<16000x128xi32> to vector<250x64x128xi32>
    %slice3A = vector.extract_strided_slice %reshape3A {offsets = [0, 0, 0], sizes = [250, 32, 128], strides = [1, 1, 1]} : vector<250x64x128xi32> to vector<250x32x128xi32>
    %slice3A_15 = vector.extract_strided_slice %reshape3A {offsets = [0, 32, 0], sizes = [250, 32, 128], strides = [1, 1, 1]} : vector<250x64x128xi32> to vector<250x32x128xi32>
    %shift_right_arithmetic3A = arith.constant 16 : i32
    %shift_right_arithmetic3A_16 = vector.broadcast %shift_right_arithmetic3A : i32 to vector<250x32x128xi32>
    %shift_right_arithmetic3A_17 = arith.shrsi %slice3A, %shift_right_arithmetic3A_16 : vector<250x32x128xi32>
    %and3A = arith.constant 65535 : i32
    %and3A_18 = vector.broadcast %and3A : i32 to vector<250x32x128xi32>
    %and3A_19 = arith.andi %shift_right_arithmetic3A_17, %and3A_18 : vector<250x32x128xi32>
    %and3A_20 = arith.constant -65536 : i32
    %and3A_21 = vector.broadcast %and3A_20 : i32 to vector<250x32x128xi32>
    %and3A_22 = arith.andi %slice3A_15, %and3A_21 : vector<250x32x128xi32>
    %or3A = arith.ori %and3A_19, %and3A_22 : vector<250x32x128xi32>
    %reshape3A_23 = vector.shape_cast %or3A : vector<250x32x128xi32> to vector<8000x128xi32>
    %swap3A = arith.constant 0 : index
    %swap3A_24 = arith.constant 0 : index
    %swap3A_25 = vector.load %arg4[%swap3A, %swap3A_24] : memref<8000x128xi32, #tpu.memory_space<vmem>>, vector<8000x128xi32>
    tpu.vector_store %arg4[%swap3A, %swap3A_24], %reshape3A_23 {strides = array<i32>} : memref<8000x128xi32, #tpu.memory_space<vmem>>, vector<8000x128xi32>,
    return
  }
  func.func @transform_0(%arg0: i32) -> (i32, i32) {
    %add3A = arith.constant 0 : i32
    %add3A_0 = arith.addi %arg0, %add3A : i32
    %c0_i32 = arith.constant 0 : i32
    %c0_i32_1 = arith.constant 0 : i32
    return %add3A_0, %c0_i32 : i32, i32
  }
  func.func @transform_1(%arg0: i32) -> (i32, i32) {
    %c0_i32 = arith.constant 0 : i32
    %c0_i32_0 = arith.constant 0 : i32
    %c0_i32_1 = arith.constant 0 : i32
    return %c0_i32, %c0_i32_0 : i32, i32
  }
  func.func @transform_2(%arg0: i32) -> (i32, i32) {
    %c0_i32 = arith.constant 0 : i32
    %c0_i32_0 = arith.constant 0 : i32
    %c0_i32_1 = arith.constant 0 : i32
    return %c0_i32, %c0_i32_0 : i32, i32
  }
  func.func @transform_3(%arg0: i32) -> (i32, i32) {
    %c0_i32 = arith.constant 0 : i32
    %c0_i32_0 = arith.constant 0 : i32
    return %arg0, %c0_i32 : i32, i32
  }
}

</mosaic_0001>

<sc_bundles>
// kernel: kernel.10.cloned.1.call-start
scs
__scs_entry_jumppad:
0x0: {  	(pc) =	sbr.rel $0x88, $3  }
0x1: {  	(tag) =	ssettag $0x0;
	lr =	simm.s32 $0x1  }
0x2: {  	[smem:$0x3F9D] =	sst lr;
	_ =	strace $0xD0000000  }
0x3: {  	_ = 	snop  }
0x4: {  	_ = 	snop  }
0x5: {  	_ = 	snop  }
0x6: {  	_ = 	snop  }
0x7: {  	_ = 	snop  }
__scs_overlays_trampoline_lowered:
0x8: {  	[smem:$0x3FAC] =	sst s0  }
0x9: {  	[smem:$0x3FAD] =	sst s1  }
0xa: {  	[smem:$0x3FAE] =	sst s2  }
0xb: {  	[smem:$0x3FAF] =	sst s3  }
0xc: {  	[smem:$0x3FB0] =	sst s4  }
0xd: {  	[smem:$0x3FB1] =	sst s5  }
0xe: {  	[smem:$0x3FB2] =	sst s6  }
0xf: {  	[smem:$0x3FB3] =	sst s7  }
0x10: {  	[smem:$0x3FB4] =	sst s8  }
0x11: {  	[smem:$0x3FB5] =	sst s9;
	s0 =	simm.s32 @!p0 $0x0  }
0x12: {  	s1 =	sld [smem:$0x3F9B];
	s0 =	simm.s32 @p0 $0x1  }
0x13: {  	[smem:$0x3FB6] =	sst s0;
	s0 =	simm.s32 @!p1 $0x0  }
0x14: {  	s2 =	sld [smem:$0x3F9A];
	s0 =	simm.s32 @p1 $0x1  }
0x15: {  	[smem:$0x3FB7] =	sst s0;
	s0 =	simm.s32 @!p2 $0x0  }
0x16: {  	s3 =	sld [smem:$0x3FDB];
	s0 =	simm.s32 @p2 $0x1  }
0x17: {  	s4 =	simm.s32 $0x1BF5;
	[smem:$0x3FB9] =	sst s0  }
0x18: {  	s0 =	sld [smem:$0x3F9C];
	_ =	swait.ge [sflag:s4], $0x0  }
0x19: {  	s7 =	sld [smem:$0x3F9D]  }
0x1a: {  	s8 =	sadd.s32 $0xFFFFE003, lr  }
0x1b: {  	s9 =	sadd.s32 $0xFFFFFEF7, lr;
	s5 =	simm.s32 $0xFFFFFFFF;
	p2 =	slt.u32 s8, $0xFFFFF086  }
0x1c: {  	p1 =	slt.u32 s9, $0xF7A;
	s5 =	simm.s32 @!p2 $0x0  }
0x1d: {  	s5 =	simm.s32 @p1 $0x1;
	p0 =	seq.s32 s7, s2  }
0x1e: {  	s7 =	smul.u32 @!p0 $0xF7A, s2;
	p2 =	seq.s32 @!p0 s5, $0x0  }
0x1f: {  	s9 =	smul.u32 $0xF7A, s1;
	s8 =	simm.s32 @!p0 $0x1BF5;
	p2 =	por !p2, p0  }
0x20: {  	[sflag:s8] =	ssyncset.s32 @!p0 $0xFFFFF086;
	s6 =	sadd.s32 @!p0 s3, s7;
	s7 =	simm.s32 @!p0 $0x108  }
0x21: {  	s3 =	sadd.s32 s3, s9;
	s6 =	sadd.s32 @!p0 $0x88, s6;
	s7 =	simm.s32 @p2 $0x1082  }
0x22: {  	[simem:s7], [sflag:s8] =	dma.local @!p0 [hbm:s6], $0xF7A  }
0x23: {  	s9 =	sor.u32 $0xD0000000, s2;
	s6 =	simm.s32 $0x108;
	_ =	swait.ge @!p0 [sflag:s8], $0x0  }
0x24: {  	s3 =	sadd.s32 $0x88, s3;
	s6 =	simm.s32 @!p1 $0x1082;
	[sflag:s4] =	ssyncset.s32 $0xFFFFF086  }
0x25: {  	[simem:s6], [sflag:s4] =	dma.local [hbm:s3], $0xF7A  }
0x26: {  	[smem:$0x3F9D] =	sst s1;
	(tag) =	ssettag s2;
	_ =	strace s9  }
0x27: {  	s1 =	sld [smem:$0x3FAD]  }
0x28: {  	s2 =	sld [smem:$0x3FAE]  }
0x29: {  	s4 =	sld [smem:$0x3FB0]  }
0x2a: {  	p0 =	seq.s32 s5, $0x0;
	s5 =	sld [smem:$0x3FB1]  }
0x2b: {  	s6 =	sld [smem:$0x3FB2]  }
0x2c: {  	s7 =	sld [smem:$0x3FB3]  }
0x2d: {  	s3 =	simm.s32 $0x108;
	s8 =	sld [smem:$0x3FB4]  }
0x2e: {  	s3 =	simm.s32 @!p0 $0x1082;
	s9 =	sld [smem:$0x3FB5]  }
0x2f: {  	lr =	sadd.s32 s0, s3;
	s0 =	sld [smem:$0x3FAC]  }
0x30: {  	s3 =	sld [smem:$0x3FAF]  }
0x31: {  	[smem:$0x3FB8] =	sst s10  }
0x32: {  	s10 =	sld [smem:$0x3FB6];
	_ =	sdelay $0x3  }
0x33: {  	p0 =	seq.s32 s10, $0x1;
	s10 =	sld [smem:$0x3FB8];
	_ =	sdelay $0x3  }
0x34: {  	[smem:$0x3FB8] =	sst s10  }
0x35: {  	s10 =	sld [smem:$0x3FB7];
	_ =	sdelay $0x3  }
0x36: {  	p1 =	seq.s32 s10, $0x1;
	s10 =	sld [smem:$0x3FB8];
	_ =	sdelay $0x3  }
0x37: {  	[smem:$0x3FB8] =	sst s10  }
0x38: {  	s10 =	sld [smem:$0x3FB9]  }
0x39: {  	_ = 	snop;
	(pc) =	sbr.ind lr, $3  }
0x3a: {  	_ = 	snop  }
0x3b: {  	_ = 	snop  }
0x3c: {  	p2 =	seq.s32 s10, $0x1;
	s10 =	sld [smem:$0x3FB8]  }
0x3d: {  	_ =	shalt  }
0x3e: {  	_ =	shalt  }
0x3f: {  	_ =	shalt  }
0x40: {  	_ =	shalt  }
0x41: {  	_ =	shalt  }
0x42: {  	_ =	shalt  }
0x43: {  	_ =	shalt  }
0x44: {  	_ =	shalt  }
0x45: {  	_ =	shalt  }
0x46: {  	_ =	shalt  }
0x47: {  	_ =	shalt  }
0x48: {  	_ =	shalt  }
0x49: {  	_ =	shalt  }
0x4a: {  	_ =	shalt  }
0x4b: {  	_ =	shalt  }
0x4c: {  	_ =	shalt  }
0x4d: {  	_ =	shalt  }
0x4e: {  	_ =	shalt  }
0x4f: {  	_ =	shalt  }
0x50: {  	_ =	shalt  }
0x51: {  	_ =	shalt  }
0x52: {  	_ =	shalt  }
0x53: {  	_ =	shalt  }
0x54: {  	_ =	shalt  }
0x55: {  	_ =	shalt  }
0x56: {  	_ =	shalt  }
0x57: {  	_ =	shalt  }
0x58: {  	_ =	shalt  }
0x59: {  	_ =	shalt  }
0x5a: {  	_ =	shalt  }
0x5b: {  	_ =	shalt  }
0x5c: {  	_ =	shalt  }
0x5d: {  	_ =	shalt  }
0x5e: {  	_ =	shalt  }
0x5f: {  	_ =	shalt  }
0x60: {  	_ =	shalt  }
0x61: {  	_ =	shalt  }
0x62: {  	_ =	shalt  }
0x63: {  	_ =	shalt  }
0x64: {  	_ =	shalt  }
0x65: {  	_ =	shalt  }
0x66: {  	_ =	shalt  }
0x67: {  	_ =	shalt  }
0x68: {  	_ =	shalt  }
0x69: {  	_ =	shalt  }
0x6a: {  	_ =	shalt  }
0x6b: {  	_ =	shalt  }
0x6c: {  	_ =	shalt  }
0x6d: {  	_ =	shalt  }
0x6e: {  	_ =	shalt  }
0x6f: {  	_ =	shalt  }
0x70: {  	_ =	shalt  }
0x71: {  	_ =	shalt  }
0x72: {  	_ =	shalt  }
0x73: {  	_ =	shalt  }
0x74: {  	_ =	shalt  }
0x75: {  	_ =	shalt  }
0x76: {  	_ =	shalt  }
0x77: {  	_ =	shalt  }
0x78: {  	_ =	shalt  }
0x79: {  	_ =	shalt  }
0x7a: {  	_ =	shalt  }
0x7b: {  	_ =	shalt  }
0x7c: {  	_ =	shalt  }
0x7d: {  	_ =	shalt  }
0x7e: {  	_ =	shalt  }
0x7f: {  	_ =	shalt  }
0x80: {  	_ =	shalt  }
0x81: {  	_ =	shalt  }
0x82: {  	_ =	shalt  }
0x83: {  	_ =	shalt  }
0x84: {  	_ =	shalt  }
0x85: {  	_ =	shalt  }
0x86: {  	_ =	shalt  }
0x87: {  	_ =	shalt  }
.Lfunc_end0:
.L_simem_size_0:
called_computation.1_lowered:
.L_overlay_start_0:
0x88: {  	s2 =	sld [smem:$0x3FD9]  }
0x89: {  	s3 =	sld [smem:$0x3FFE];
	_ =	sdelay $0x1  }
0x8a: {  	s1 =	srdreg.scid  }
0x8b: {  	s0 =	sand.u32 $0x1, s1  }
0x8c: {  	s16 =	sshll.u32 s0, $0xA;
	s2 =	sadd.s32 s3, s2  }
0x8d: {  	s2 =	sadd.s32 s2, s16  }
0x8e: {  	[smem:$0x3FC4] =	sst s2  }
0x8f: {  	_ = 	snop  }
0x90: {  	(tm) =	ssettm $0x1  }
0x91: {  	s17 =	sld [smem:$0x3FFB];
	_ =	sdelay $0x3  }
0x92: {  	_ =	strace s17  }
0x93: {  	s2 =	sld [smem:$0x3FFC];
	_ =	sdelay $0x3  }
0x94: {  	_ =	strace s2  }
0x95: {  	s2 =	sld [smem:$0x3FFD];
	_ =	sdelay $0x3  }
0x96: {  	_ =	strace s2  }
0x97: {  	_ =	strace $0x8FFFFFFF  }
0x98: {  	s18 =	sld [smem:$0x3FDB];
	_ =	sdelay $0x1  }
0x99: {  	s19 =	simm.s32 $_scs_section_size  }
0x9a: {  	s4 =	simm.s32 $_size__tile_overlayer_lowered;
	s5 =	simm.s32 $_tile_overlayer_lowered  }
0x9b: {  	s22 =	simm.s32 $0x1BFF;
	s21 =	sshll.u32 s5, $0x1;
	s2 =	sadd.s32 s19, s18  }
0x9c: {  	s6 =	simm.s32 $0x0;
	s20 =	sshll.u32 s4, $0x1;
	s4 =	sadd.s32 s21, s2  }
0x9d: {  	[timem:s6], [sflag:s22] =	dma.local [hbm:s4], s20  }
0x9e: {  	_ =	swait.ge [sflag:s22], s20  }
0x9f: {  	s3 =	ssub.s32 $0x0, s20;
	[sflag:s22] =	ssyncset.done $0x0  }
0xa0: {  	[sflag:s22] =	ssyncadd.s32 s3;
	_ =	sdelay $0x1  }
0xa1: {  	s23 =	simm.s32 $0x1B8B  }
0xa2: {  	_ =	swait.ge [sflag:s23], $0x1  }
0xa3: {  	[sflag:s23] =	ssyncset.done $0x0  }
0xa4: {  	s25 =	simm.s32 $0x1B8E;
	s24 =	sld [smem:$0x3FFE];
	[sflag:s23] =	ssyncadd.s32 $0xFFFFFFFF  }
0xa5: {  	s26 =	simm.s32 $execute0_lowered;
	[smem:$0x3FD2] =	sst s25  }
0xa6: {  	s4 =	sshll.u32 s26, $0x1;
	_ =	strace $0x80000046;
	[dreg:$0x1] =	wrdreg $0xFFFFFFFF  }
0xa7: {  	s28 =	simm.s32 $_size_execute0_lowered;
	s2 =	sadd.s32 s2, s4;
	[dreg:$0x0] =	wrdreg $0x0  }
0xa8: {  	s4 =	sshll.u32 s28, $0x1;
	[dreg:$0x2] =	wrdreg s2  }
0xa9: {  	[dreg:$0x3] =	wrdreg s4  }
0xaa: {  	[dreg:$0x4] =	wrdreg $0xC0  }
0xab: {  	_ =	task [dreg:s6], $0x5FFFF  }
0xac: {  	[dreg:$0x1] =	wrdreg $0xFFFFFFFF  }
0xad: {  	[dreg:$0x0] =	wrdreg $0x60  }
0xae: {  	[dreg:$0x2] =	wrdreg s24  }
0xaf: {  	[dreg:$0x3] =	wrdreg $0x88000  }
0xb0: {  	[dreg:$0x4] =	wrdreg $0xA  }
0xb1: {  	_ =	task.clear_ibuf [dreg:s6], $0x5FFFF;
	_ =	strace $0x90000046  }
0xb2: {  	s29 =	simm.s32 $0xA;
	_ =	strace $0x80000048  }
0xb3: {  	_ =	swait.ge [sflag:s29], $0x1  }
0xb4: {  	[sflag:s29] =	ssyncadd.s32 $0xFFFFFFFF  }
0xb5: {  	_ =	strace $0x90000048  }
0xb6: {  	_ =	sfence  }
0xb7: {  	s30 =	sld [smem:$0x0];
	_ =	sdelay $0x2  }
0xb8: {  	s31 =	sshll.u32 s1, $0xD;
	s1 =	sshrl.u32 s1, $0x2  }
0xb9: {  	s3 =	sand.u32 $0x4000, s31;
	s1 =	sadd.s32 s1, s30  }
0xba: {  	s0 =	sor.u32 s3, s0;
	s1 =	sshll.u32 s1, $0x11  }
0xbb: {  	s0 =	sor.u32 s1, s0  }
0xbc: {  	s0 =	sadd.s32 $0x8F2B, s0  }
0xbd: {  	[sflag:s0] =	ssyncadd.remote.s32 $0x1  }
0xbe: {  	_ =	sfence.sel $0xFFFF  }
0xbf: {  	[dreg:$0x0] =	wrdreg $0xFFFFFFFF;
	(pc) =	sbr.abs _section_cstart, $3  }
0xc0: {  	[dreg:$0x1] =	wrdreg $0xFFFFFFFF  }
0xc1: {  	_ =	task.clear_ibuf [dreg:s6], $0x2FFFF;
	_ =	strace $0x9FFFFFFF  }
0xc2: {  	(tm) =	ssettm $0x7FFFFFFF  }
0xc3: {  	_ =	shalt  }
tec
execute0_lowered:
.L_overlay_start_1:
0x0: {  	(tag) =	ssettag $0x1  }
0x1: {  	s0 =	srdreg.scid;
	s1 =	rddreg [dreg:$0x0]  }
0x2: {  	s2 =	rddreg [dreg:$0x1];
	s17 =	stileid.u32;
	s3 =	simm.s32 $0x0  }
0x3: {  	s20 =	simm.s32 $0x3800;
	s21 =	simm.s32 $0x1;
	s22 =	simm.s32 $0x40  }
0x4: {  	s23 =	simm.s32 $0x4800;
	s24 =	simm.s32 $0x2;
	s28 =	simm.s32 $0x4  }
0x5: {  	s30 =	simm.s32 $0x0;
	s0 =	sand.u32 $0x1, s0;
	s9 =	smul.u32 $0x4E000, s17  }
0x6: {  	[smem:$0x7FF] =	sst s3;
	s13 =	smul.u32 $0x2700, s17;
	s26 =	sshll.u32 s17, $0x6  }
0x7: {  	s18 =	sadd.s32 $0x138000, s2;
	p0 =	sne.s32 s17, $0xF;
	s4 =	sshll.u32 s0, $0x4  }
0x8: {  	_ =	strace $0x80000047;
	s7 =	ssub.s32 $0x2, s0;
	s14 =	smul.u32 $0x27100, s0  }
0x9: {  	s0 =	smul.u32 $0x138800, s0;
	s18 =	sshrl.u32 @!p0 s18, $0x3;
	s12 =	sor.u32 s17, s4  }
0xa: {  	s4 =	sadd.s32 $0xF800, s1;
	s10 =	sshrl.u32 s7, $0x1;
	s5 =	smul.u32 $0x500, s12  }
0xb: {  	s25 =	sshrl.u32 s9, $0x2;
	s17 =	simm.s32 $0x5;
	s6 =	smul.u32 $0x4E, s12  }
0xc: {  	s11 =	smin.u32 s12, $0x4;
	s15 =	ssub.s32 s7, s10;
	s16 =	sadd.s32 s25, s2  }
0xd: {  	s13 =	sadd.s32 s13, s14;
	s0 =	sshrl.u32 s0, $0x3;
	p1 =	sgt.u32 s12, $0x3  }
0xe: {  	s25 =	simm.s32 $0x6800;
	s15 =	smax.u32 s15, $0x1;
	s16 =	sshrl.u32 s16, $0x3  }
0xf: {  	s8 =	sadd.s32 s5, s1;
	s5 =	sadd.s32 $0x148000, s1;
	s1 =	sadd.s32 $0x14A800, s1  }
.Ltmp0:
0x10: {  	s11 =	sadd.s32 s11, s6;
	s6 =	sor.u32 $0x1C05, s26;
	(pc) =	sbr.rel .LBB2_1-.Ltmp0, $4  }
0x11: {  	s26 =	simm.s32 $0x3;
	s29 =	sshll.u32 s11, $0x9;
	s8 =	sadd.s32 $0x5800, s8  }
0x12: {  	s10 =	sadd.s32 $0x2, s11;
	s11 =	sadd.s32 $0x3, s11;
	s7 =	sadd.s32 s4, s29  }
0x13: {  	s13 =	sadd.s32 s1, s13;
	s0 =	sadd.s32 s1, s0;
	s31 =	sadd.s32 $0x9C00, s7  }
0x14: {  	s14 =	sadd.s32 $0x27000, s0;
	s9 =	sadd.s32 $0x200, s7;
	[dreg:$0x3] =	wrdreg s31  }
.LBB2_12:
0x15: {  	[bflag:$0x0] =	sbarrier.arrive $0xFFFF  }
0x16: {  	[hbm:s13], [sflag:s6] =	dma.local [spmem:s16], $0x2700  }
0x17: {  	s30 =	sadd.s32 $0x1, s30;
	_ =	swait.ge [sflag:s17], $0x2700  }
0x18: {  	p2 =	sne.s32 s30, s15;
	[sflag:s17] =	ssyncset.done $0x0  }
.Ltmp1:
0x19: {  	s0 =	simm.s32 @!p0 $0x5;
	[sflag:s17] =	ssyncadd.s32 $0xFFFFD900;
	(pc) =	sbr.rel @!p2 .LBB2_13-.Ltmp1, $4  }
0x1a: {  	[hbm:s14], [sflag:s6] =	dma.local @!p0 [spmem:s18], $0x100  }
0x1b: {  	_ =	swait.ge @!p0 [sflag:s0], $0x100  }
0x1c: {  	[sflag:s0] =	ssyncset.done @!p0 $0x0  }
0x1d: {  	[sflag:s0] =	ssyncadd.s32 @!p0 $0xFFFFFF00  }
.LBB2_1:
0x1e: {  	[spmem:s16], [sflag:s6] =	dma.local [hbm:s5], $0x2700  }
0x1f: {  	_ =	swait.ge [sflag:s17], $0x2700  }
0x20: {  	[sflag:s17] =	ssyncset.done $0x0  }
0x21: {  	s0 =	simm.s32 @!p0 $0x5;
	[sflag:s17] =	ssyncadd.s32 $0xFFFFD900  }
0x22: {  	[spmem:s18], [sflag:s6] =	dma.local @!p0 [hbm:s5], $0x100  }
0x23: {  	_ =	swait.ge @!p0 [sflag:s0], $0x100  }
0x24: {  	[sflag:s0] =	ssyncset.done @!p0 $0x0  }
0x25: {  	[sflag:s0] =	ssyncadd.s32 @!p0 $0xFFFFFF00  }
0x26: {  	[tilespmem:s3], [sflag:$0x5] =	stream.linear.gather [hbm4b:s8+s3], $0x2800, $0x38;
	[tilespmem:$0x1C080] =	vst v63  }
0x27: {  	_ =	swait.ge [sflag:s17], $0x2800  }
0x28: {  	[sflag:s17] =	ssyncset.done $0x0  }
0x29: {  	[sflag:s17] =	ssyncadd.s32 $0xFFFFD800  }
0x2a: {  	s29 =	simm.s32 $0x2800;
	[bflag:$0x0] =	sbarrier.arrive $0xFFFF  }
0x2b: {  	[tilespmem:s29], [sflag:$0x1] =	stream.linear.gather [hbm4b:s7+s3], $0x1000, $0x38;
	[tilespmem:$0x1C080] =	vst v63  }
0x2c: {  	s31 =	simm.s32 $0x0  }
0x2d: {  	[tilespmem:s20], [sflag:$0x2] =	stream.linear.gather [hbm4b:s9+s3], $0x1000, $0x38;
	[tilespmem:$0x1C080] =	vst v63  }
.LBB2_2:
0x2e: {  	_ =	swait.ge [sflag:s21], $0x1000  }
0x2f: {  	p3 =	seq.s32 s31, $0x0;
	[sflag:s21] =	ssyncset.done $0x0  }
0x30: {  	s0 =	simm.s32 @!p3 $0x3;
	[sflag:s21] =	ssyncadd.s32 $0xFFFFF000  }
0x31: {  	_ =	swait.ge @!p3 [sflag:s0], $0x2000  }
0x32: {  	[sflag:s0] =	ssyncset.done @!p3 $0x0  }
0x33: {  	s1 =	simm.s32 $0x0;
	[sflag:s0] =	ssyncadd.s32 @!p3 $0xFFFFE000  }
0x34: {  	v0 =	vld [tilespmem:s1+$0x2870]  }
0x35: {  	v1 =	vld [tilespmem:s1+$0x2800];
	_ =	sdelay $0x1  }
0x36: {  	v2 =	vld [tilespmem:s1+$0x2810]  }
0x37: {  	v5 =	vld [tilespmem:s1+$0x2840]  }
0x38: {  	v6 =	vand.u32 $0xFFFF0000, v0  }
0x39: {  	v3 =	vld [tilespmem:s1+$0x2820];
	v8 =	vshll.u32 v1, $0x10;
	[tilespmem:s1+$0x5870] =	vst v6  }
0x3a: {  	v1 =	vand.u32 $0xFFFF0000, v1;
	[tilespmem:s1+$0x4800] =	vst v8  }
0x3b: {  	v4 =	vld [tilespmem:s1+$0x2830];
	v62 =	vshll.u32 v2, $0x10;
	[tilespmem:s1+$0x5800] =	vst v1  }
0x3c: {  	v7 =	vld [tilespmem:s1+$0x2850];
	v63 =	vshll.u32 v5, $0x10;
	[tilespmem:s1+$0x4810] =	vst v62  }
0x3d: {  	v6 =	vld [tilespmem:s1+$0x2860];
	v1 =	vand.u32 $0xFFFF0000, v2;
	[tilespmem:s1+$0x4840] =	vst v63  }
0x3e: {  	v2 =	vshll.u32 v3, $0x10;
	[tilespmem:s1+$0x5810] =	vst v1  }
0x3f: {  	v1 =	vand.u32 $0xFFFF0000, v3;
	[tilespmem:s1+$0x4820] =	vst v2  }
0x40: {  	v0 =	vshll.u32 v0, $0x10;
	v2 =	vshll.u32 v4, $0x10;
	[tilespmem:s1+$0x5820] =	vst v1  }
0x41: {  	v5 =	vand.u32 $0xFFFF0000, v5;
	v3 =	vand.u32 $0xFFFF0000, v7;
	v1 =	vand.u32 $0xFFFF0000, v4;
	[tilespmem:s1+$0x4830] =	vst v2  }
0x42: {  	s29 =	simm.s32 $0x80;
	s19 =	simm.s32 $0x400;
	s0 =	sshll.u32 s31, $0x1;
	v4 =	vshll.u32 v7, $0x10;
	[tilespmem:s1+$0x5830] =	vst v1;
	v2 =	vshll.u32 v6, $0x10;
	v1 =	vand.u32 $0xFFFF0000, v6  }
.LBB2_3:
0x43: {  	p2 =	sne.s32 s19, $0x3E00;
	v6 =	vld [tilespmem:s29+$0x2870];
	[tilespmem:s1+$0x5840] =	vst v5  }
0x44: {  	v5 =	vld [tilespmem:s29+$0x2800];
	[tilespmem:s1+$0x4850] =	vst v4  }
0x45: {  	v4 =	vld [tilespmem:s29+$0x2810];
	[tilespmem:s1+$0x5850] =	vst v3  }
0x46: {  	v3 =	vld [tilespmem:s29+$0x2820];
	[tilespmem:s1+$0x4860] =	vst v2  }
0x47: {  	v2 =	vld [tilespmem:s29+$0x2830];
	[tilespmem:s1+$0x5860] =	vst v1  }
0x48: {  	v1 =	vld [tilespmem:s29+$0x2840];
	v7 =	vand.u32 $0xFFFF0000, v6;
	[tilespmem:s1+$0x4870] =	vst v0;
	v0 =	vshll.u32 v6, $0x10;
	s1 =	smov.u32 s29  }
0x49: {  	v6 =	vshll.u32 v5, $0x10;
	v5 =	vand.u32 $0xFFFF0000, v5;
	v8 =	vld [tilespmem:s1+$0x2850];
	[tilespmem:s1+$0x5870] =	vst v7  }
0x4a: {  	[tilespmem:s1+$0x4800] =	vst v6;
	v6 =	vshll.u32 v4, $0x10;
	v4 =	vand.u32 $0xFFFF0000, v4;
	v7 =	vld [tilespmem:s1+$0x2860]  }
0x4b: {  	[tilespmem:s1+$0x5800] =	vst v5;
	v9 =	vshll.u32 v3, $0x10;
	v10 =	vand.u32 $0xFFFF0000, v3  }
0x4c: {  	[tilespmem:s1+$0x4810] =	vst v6;
	v6 =	vshll.u32 v2, $0x10;
	v11 =	vand.u32 $0xFFFF0000, v2  }
0x4d: {  	[tilespmem:s1+$0x5810] =	vst v4;
	v12 =	vshll.u32 v1, $0x10;
	v5 =	vand.u32 $0xFFFF0000, v1  }
.Ltmp2:
0x4e: {  	[tilespmem:s1+$0x4820] =	vst v9;
	v4 =	vshll.u32 v8, $0x10;
	v3 =	vand.u32 $0xFFFF0000, v8;
	(pc) =	sbr.rel @p2 .LBB2_3-.Ltmp2, $4  }
0x4f: {  	[tilespmem:s1+$0x5820] =	vst v10;
	v2 =	vshll.u32 v7, $0x10;
	v1 =	vand.u32 $0xFFFF0000, v7  }
0x50: {  	[tilespmem:s1+$0x4830] =	vst v6  }
0x51: {  	[tilespmem:s1+$0x5830] =	vst v11  }
0x52: {  	s29 =	sshra.s32 s19, $0x2;
	s19 =	sadd.s32 $0x200, s19;
	[tilespmem:s1+$0x4840] =	vst v12  }
0x53: {  	v6 =	vld [tilespmem:s29+$0x2870];
	[tilespmem:s1+$0x5840] =	vst v5  }
0x54: {  	v5 =	vld [tilespmem:s29+$0x2800];
	[tilespmem:s1+$0x4850] =	vst v4  }
0x55: {  	v4 =	vld [tilespmem:s29+$0x2810];
	[tilespmem:s1+$0x5850] =	vst v3  }
0x56: {  	v3 =	vld [tilespmem:s29+$0x2820];
	[tilespmem:s1+$0x4860] =	vst v2  }
0x57: {  	v2 =	vld [tilespmem:s29+$0x2830];
	[tilespmem:s1+$0x5860] =	vst v1  }
0x58: {  	v1 =	vld [tilespmem:s29+$0x2840];
	[tilespmem:s1+$0x4870] =	vst v0;
	v0 =	vand.u32 $0xFFFF0000, v6  }
0x59: {  	v8 =	vshll.u32 v5, $0x10;
	[tilespmem:s29+$0x5870] =	vst v0  }
0x5a: {  	v0 =	vand.u32 $0xFFFF0000, v5;
	[tilespmem:s29+$0x4800] =	vst v8  }
0x5b: {  	v60 =	vshll.u32 v4, $0x10;
	[tilespmem:s29+$0x5800] =	vst v0  }
0x5c: {  	v0 =	vand.u32 $0xFFFF0000, v4;
	[tilespmem:s29+$0x4810] =	vst v60  }
0x5d: {  	v4 =	vshll.u32 v3, $0x10;
	[tilespmem:s29+$0x5810] =	vst v0  }
0x5e: {  	v7 =	vld [tilespmem:s29+$0x2850];
	v0 =	vand.u32 $0xFFFF0000, v3;
	[tilespmem:s29+$0x4820] =	vst v4  }
0x5f: {  	v3 =	vshll.u32 v2, $0x10;
	[tilespmem:s29+$0x5820] =	vst v0  }
0x60: {  	v5 =	vld [tilespmem:s29+$0x2860];
	v0 =	vand.u32 $0xFFFF0000, v2;
	[tilespmem:s29+$0x4830] =	vst v3  }
0x61: {  	v2 =	vshll.u32 v1, $0x10;
	[tilespmem:s29+$0x5830] =	vst v0  }
0x62: {  	v0 =	vand.u32 $0xFFFF0000, v1;
	[tilespmem:s29+$0x4840] =	vst v2  }
0x63: {  	v1 =	vshll.u32 v7, $0x10;
	[tilespmem:s29+$0x5840] =	vst v0  }
0x64: {  	p2 =	seq.s32 s31, $0x26;
	v0 =	vand.u32 $0xFFFF0000, v7;
	[tilespmem:s29+$0x4850] =	vst v1  }
0x65: {  	s1 =	sadd.s32 @!p2 s0, s10;
	v1 =	vshll.u32 v5, $0x10;
	[tilespmem:s29+$0x5850] =	vst v0  }
0x66: {  	s1 =	sshll.u32 @!p2 s1, $0x9;
	v0 =	vand.u32 $0xFFFF0000, v5;
	[tilespmem:s29+$0x4860] =	vst v1  }
0x67: {  	s1 =	sand.u32 @!p2 $0x1FFFFE00, s1;
	v1 =	vshll.u32 v6, $0x10;
	[tilespmem:s29+$0x5860] =	vst v0  }
0x68: {  	s12 =	simm.s32 @!p2 $0x0;
	s19 =	simm.s32 @!p2 $0x2800;
	s1 =	sadd.s32 @!p2 s4, s1;
	[tilespmem:s29+$0x4870] =	vst v1  }
0x69: {  	[tilespmem:s19], [sflag:$0x1] =	stream.linear.gather @!p2 [hbm4b:s1+s12], $0x1000, $0x38;
	[tilespmem:$0x1C080] =	vst v63  }
0x6a: {  	s19 =	sshll.u32 s31, $0x8  }
0x6b: {  	s1 =	sand.u32 $0x3FFFFF00, s19  }
0x6c: {  	[spmem:s2] =	stream.indirect.scatter.add.f32 [tilespmem:s23], [sflag:$0x3], $0x80, s1, s22, $0xb8;
	[tilespmem:$0x1C080] =	vst v63  }
0x6d: {  	_ =	swait.ge [sflag:s24], $0x1000  }
0x6e: {  	[sflag:s24] =	ssyncset.done $0x0  }
0x6f: {  	s12 =	simm.s32 @!p3 $0x4;
	[sflag:s24] =	ssyncadd.s32 $0xFFFFF000  }
0x70: {  	_ =	swait.ge @!p3 [sflag:s12], $0x2000  }
0x71: {  	[sflag:s12] =	ssyncset.done @!p3 $0x0  }
0x72: {  	s29 =	simm.s32 $0x0;
	[sflag:s12] =	ssyncadd.s32 @!p3 $0xFFFFE000  }
0x73: {  	v0 =	vld [tilespmem:s29+$0x3870]  }
0x74: {  	v1 =	vld [tilespmem:s29+$0x3800];
	_ =	sdelay $0x1  }
0x75: {  	v2 =	vld [tilespmem:s29+$0x3810]  }
0x76: {  	v5 =	vld [tilespmem:s29+$0x3840]  }
0x77: {  	v6 =	vand.u32 $0xFFFF0000, v0  }
0x78: {  	v3 =	vld [tilespmem:s29+$0x3820];
	v61 =	vshll.u32 v1, $0x10;
	[tilespmem:s29+$0x7870] =	vst v6  }
0x79: {  	v1 =	vand.u32 $0xFFFF0000, v1;
	[tilespmem:s29+$0x6800] =	vst v61  }
0x7a: {  	v4 =	vld [tilespmem:s29+$0x3830];
	v62 =	vshll.u32 v2, $0x10;
	[tilespmem:s29+$0x7800] =	vst v1  }
0x7b: {  	v7 =	vld [tilespmem:s29+$0x3850];
	v63 =	vshll.u32 v5, $0x10;
	[tilespmem:s29+$0x6810] =	vst v62  }
0x7c: {  	v6 =	vld [tilespmem:s29+$0x3860];
	v1 =	vand.u32 $0xFFFF0000, v2;
	[tilespmem:s29+$0x6840] =	vst v63  }
0x7d: {  	v2 =	vshll.u32 v3, $0x10;
	[tilespmem:s29+$0x7810] =	vst v1  }
0x7e: {  	v1 =	vand.u32 $0xFFFF0000, v3;
	[tilespmem:s29+$0x6820] =	vst v2  }
0x7f: {  	v0 =	vshll.u32 v0, $0x10;
	v2 =	vshll.u32 v4, $0x10;
	[tilespmem:s29+$0x7820] =	vst v1  }
0x80: {  	v5 =	vand.u32 $0xFFFF0000, v5;
	v3 =	vand.u32 $0xFFFF0000, v7;
	v1 =	vand.u32 $0xFFFF0000, v4;
	[tilespmem:s29+$0x6830] =	vst v2  }
0x81: {  	s19 =	simm.s32 $0x80;
	s12 =	simm.s32 $0x400;
	v4 =	vshll.u32 v7, $0x10;
	[tilespmem:s29+$0x7830] =	vst v1;
	v2 =	vshll.u32 v6, $0x10;
	v1 =	vand.u32 $0xFFFF0000, v6  }
.LBB2_5:
0x82: {  	p3 =	sne.s32 s12, $0x3E00;
	v6 =	vld [tilespmem:s19+$0x3870];
	[tilespmem:s29+$0x7840] =	vst v5  }
0x83: {  	v5 =	vld [tilespmem:s19+$0x3800];
	[tilespmem:s29+$0x6850] =	vst v4  }
0x84: {  	v4 =	vld [tilespmem:s19+$0x3810];
	[tilespmem:s29+$0x7850] =	vst v3  }
0x85: {  	v3 =	vld [tilespmem:s19+$0x3820];
	[tilespmem:s29+$0x6860] =	vst v2  }
0x86: {  	v2 =	vld [tilespmem:s19+$0x3830];
	[tilespmem:s29+$0x7860] =	vst v1  }
0x87: {  	v1 =	vld [tilespmem:s19+$0x3840];
	v7 =	vand.u32 $0xFFFF0000, v6;
	[tilespmem:s29+$0x6870] =	vst v0;
	v0 =	vshll.u32 v6, $0x10;
	s29 =	smov.u32 s19  }
0x88: {  	v6 =	vshll.u32 v5, $0x10;
	v5 =	vand.u32 $0xFFFF0000, v5;
	v8 =	vld [tilespmem:s29+$0x3850];
	[tilespmem:s29+$0x7870] =	vst v7  }
0x89: {  	[tilespmem:s29+$0x6800] =	vst v6;
	v6 =	vshll.u32 v4, $0x10;
	v4 =	vand.u32 $0xFFFF0000, v4;
	v7 =	vld [tilespmem:s29+$0x3860]  }
0x8a: {  	[tilespmem:s29+$0x7800] =	vst v5;
	v9 =	vshll.u32 v3, $0x10;
	v10 =	vand.u32 $0xFFFF0000, v3  }
0x8b: {  	[tilespmem:s29+$0x6810] =	vst v6;
	v6 =	vshll.u32 v2, $0x10;
	v11 =	vand.u32 $0xFFFF0000, v2  }
0x8c: {  	[tilespmem:s29+$0x7810] =	vst v4;
	v12 =	vshll.u32 v1, $0x10;
	v5 =	vand.u32 $0xFFFF0000, v1  }
.Ltmp3:
0x8d: {  	[tilespmem:s29+$0x6820] =	vst v9;
	v4 =	vshll.u32 v8, $0x10;
	v3 =	vand.u32 $0xFFFF0000, v8;
	(pc) =	sbr.rel @p3 .LBB2_5-.Ltmp3, $4  }
0x8e: {  	[tilespmem:s29+$0x7820] =	vst v10;
	v2 =	vshll.u32 v7, $0x10;
	v1 =	vand.u32 $0xFFFF0000, v7  }
0x8f: {  	[tilespmem:s29+$0x6830] =	vst v6  }
0x90: {  	[tilespmem:s29+$0x7830] =	vst v11  }
0x91: {  	s19 =	sshra.s32 s12, $0x2;
	s12 =	sadd.s32 $0x200, s12;
	[tilespmem:s29+$0x6840] =	vst v12  }
0x92: {  	v6 =	vld [tilespmem:s19+$0x3870];
	[tilespmem:s29+$0x7840] =	vst v5  }
0x93: {  	v5 =	vld [tilespmem:s19+$0x3800];
	[tilespmem:s29+$0x6850] =	vst v4  }
0x94: {  	v4 =	vld [tilespmem:s19+$0x3810];
	[tilespmem:s29+$0x7850] =	vst v3  }
0x95: {  	v3 =	vld [tilespmem:s19+$0x3820];
	[tilespmem:s29+$0x6860] =	vst v2  }
0x96: {  	v2 =	vld [tilespmem:s19+$0x3830];
	[tilespmem:s29+$0x7860] =	vst v1  }
0x97: {  	v1 =	vld [tilespmem:s19+$0x3840];
	[tilespmem:s29+$0x6870] =	vst v0;
	v48 =	vand.u32 $0xFFFF0000, v6  }
0x98: {  	v63 =	vshll.u32 v6, $0x10;
	[tilespmem:s19+$0x7870] =	vst v48  }
0x99: {  	v8 =	vshll.u32 v5, $0x10;
	[tilespmem:s19+$0x6870] =	vst v63  }
0x9a: {  	v49 =	vand.u32 $0xFFFF0000, v5;
	[tilespmem:s19+$0x6800] =	vst v8  }
0x9b: {  	v51 =	vshll.u32 v4, $0x10;
	[tilespmem:s19+$0x7800] =	vst v49  }
0x9c: {  	v52 =	vand.u32 $0xFFFF0000, v4;
	[tilespmem:s19+$0x6810] =	vst v51  }
0x9d: {  	v53 =	vshll.u32 v3, $0x10;
	[tilespmem:s19+$0x7810] =	vst v52  }
0x9e: {  	v7 =	vld [tilespmem:s19+$0x3850];
	v54 =	vand.u32 $0xFFFF0000, v3;
	[tilespmem:s19+$0x6820] =	vst v53  }
0x9f: {  	v55 =	vshll.u32 v2, $0x10;
	[tilespmem:s19+$0x7820] =	vst v54  }
0xa0: {  	v50 =	vld [tilespmem:s19+$0x3860];
	v56 =	vand.u32 $0xFFFF0000, v2;
	[tilespmem:s19+$0x6830] =	vst v55  }
0xa1: {  	v57 =	vshll.u32 v1, $0x10;
	[tilespmem:s19+$0x7830] =	vst v56  }
0xa2: {  	v58 =	vand.u32 $0xFFFF0000, v1;
	[tilespmem:s19+$0x6840] =	vst v57  }
.Ltmp4:
0xa3: {  	v59 =	vshll.u32 v7, $0x10;
	[tilespmem:s19+$0x7840] =	vst v58;
	(pc) =	sbr.rel @p2 .LBB2_8-.Ltmp4, $4  }
0xa4: {  	v60 =	vand.u32 $0xFFFF0000, v7;
	[tilespmem:s19+$0x6850] =	vst v59  }
0xa5: {  	v61 =	vshll.u32 v50, $0x10;
	[tilespmem:s19+$0x7850] =	vst v60  }
0xa6: {  	v62 =	vand.u32 $0xFFFF0000, v50;
	[tilespmem:s19+$0x6860] =	vst v61  }
0xa7: {  	s1 =	sadd.s32 $0x80, s1;
	[tilespmem:s19+$0x7860] =	vst v62  }
0xa8: {  	s0 =	sadd.s32 s0, s11  }
0xa9: {  	s0 =	sshll.u32 s0, $0x9  }
.Ltmp5:
0xaa: {  	s0 =	sand.u32 $0x1FFFFE00, s0;
	(pc) =	sbr.rel .LBB2_2-.Ltmp5, $4  }
0xab: {  	s0 =	sadd.s32 s4, s0  }
0xac: {  	[tilespmem:s20], [sflag:$0x2] =	stream.linear.gather [hbm4b:s0+s3], $0x1000, $0x38;
	[tilespmem:$0x1C080] =	vst v63  }
0xad: {  	s31 =	sadd.s32 $0x1, s31  }
0xae: {  	[spmem:s2] =	stream.indirect.scatter.add.f32 [tilespmem:s25], [sflag:$0x4], $0x80, s1, s22, $0xb8;
	[tilespmem:$0x1C080] =	vst v63  }
.LBB2_8:
0xaf: {  	[spmem:s2] =	stream.indirect.scatter.add.f32 [tilespmem:s25], [sflag:$0x4], $0x80, s1, s22, $0xb8;
	[tilespmem:$0x1C080] =	vst v63  }
0xb0: {  	_ =	swait.ge [sflag:s26], $0x2000  }
.Ltmp6:
0xb1: {  	[sflag:s26] =	ssyncset.done $0x0;
	(pc) =	sbr.rel @p1 .LBB2_12-.Ltmp6, $4  }
0xb2: {  	[sflag:s26] =	ssyncadd.s32 $0xFFFFE000  }
0xb3: {  	_ =	swait.ge [sflag:s28], $0x2000  }
0xb4: {  	[sflag:s28] =	ssyncset.done $0x0  }
0xb5: {  	[sflag:s28] =	ssyncadd.s32 $0xFFFFE000  }
0xb6: {  	s0 =	simm.s32 $0x0;
	s1 =	rddreg [dreg:$0x3]  }
0xb7: {  	[tilespmem:s20], [sflag:$0x5] =	stream.linear.gather [hbm4b:s1+s0], $0x1000, $0x38;
	[tilespmem:$0x1C080] =	vst v63  }
0xb8: {  	_ =	swait.ge [sflag:s17], $0x1000  }
0xb9: {  	[sflag:s17] =	ssyncset.done $0x0  }
0xba: {  	s0 =	simm.s32 $0x0;
	[sflag:s17] =	ssyncadd.s32 $0xFFFFF000  }
0xbb: {  	v0 =	vld [tilespmem:s0+$0x3870]  }
0xbc: {  	v1 =	vld [tilespmem:s0+$0x3800];
	_ =	sdelay $0x1  }
0xbd: {  	v2 =	vld [tilespmem:s0+$0x3810]  }
0xbe: {  	v5 =	vld [tilespmem:s0+$0x3840]  }
0xbf: {  	v6 =	vand.u32 $0xFFFF0000, v0  }
0xc0: {  	v3 =	vld [tilespmem:s0+$0x3820];
	v8 =	vshll.u32 v1, $0x10;
	[tilespmem:s0+$0x7870] =	vst v6  }
0xc1: {  	v1 =	vand.u32 $0xFFFF0000, v1;
	[tilespmem:s0+$0x6800] =	vst v8  }
0xc2: {  	v4 =	vld [tilespmem:s0+$0x3830];
	v62 =	vshll.u32 v2, $0x10;
	[tilespmem:s0+$0x7800] =	vst v1  }
0xc3: {  	v7 =	vld [tilespmem:s0+$0x3850];
	v63 =	vshll.u32 v5, $0x10;
	[tilespmem:s0+$0x6810] =	vst v62  }
0xc4: {  	v6 =	vld [tilespmem:s0+$0x3860];
	v1 =	vand.u32 $0xFFFF0000, v2;
	[tilespmem:s0+$0x6840] =	vst v63  }
0xc5: {  	v2 =	vshll.u32 v3, $0x10;
	[tilespmem:s0+$0x7810] =	vst v1  }
0xc6: {  	v1 =	vand.u32 $0xFFFF0000, v3;
	[tilespmem:s0+$0x6820] =	vst v2  }
0xc7: {  	v0 =	vshll.u32 v0, $0x10;
	v2 =	vshll.u32 v4, $0x10;
	[tilespmem:s0+$0x7820] =	vst v1  }
0xc8: {  	v5 =	vand.u32 $0xFFFF0000, v5;
	v3 =	vand.u32 $0xFFFF0000, v7;
	v1 =	vand.u32 $0xFFFF0000, v4;
	[tilespmem:s0+$0x6830] =	vst v2  }
0xc9: {  	s12 =	simm.s32 $0x400;
	s1 =	simm.s32 $0x80;
	v4 =	vshll.u32 v7, $0x10;
	[tilespmem:s0+$0x7830] =	vst v1;
	v2 =	vshll.u32 v6, $0x10;
	v1 =	vand.u32 $0xFFFF0000, v6  }
.LBB2_10:
0xca: {  	p2 =	sne.s32 s12, $0x3E00;
	v6 =	vld [tilespmem:s1+$0x3870];
	[tilespmem:s0+$0x7840] =	vst v5  }
0xcb: {  	v5 =	vld [tilespmem:s1+$0x3800];
	[tilespmem:s0+$0x6850] =	vst v4  }
0xcc: {  	v4 =	vld [tilespmem:s1+$0x3810];
	[tilespmem:s0+$0x7850] =	vst v3  }
0xcd: {  	v3 =	vld [tilespmem:s1+$0x3820];
	[tilespmem:s0+$0x6860] =	vst v2  }
0xce: {  	v2 =	vld [tilespmem:s1+$0x3830];
	[tilespmem:s0+$0x7860] =	vst v1  }
0xcf: {  	v1 =	vld [tilespmem:s1+$0x3840];
	v7 =	vand.u32 $0xFFFF0000, v6;
	[tilespmem:s0+$0x6870] =	vst v0;
	v0 =	vshll.u32 v6, $0x10;
	s0 =	smov.u32 s1  }
0xd0: {  	v6 =	vshll.u32 v5, $0x10;
	v5 =	vand.u32 $0xFFFF0000, v5;
	v8 =	vld [tilespmem:s0+$0x3850];
	[tilespmem:s0+$0x7870] =	vst v7  }
0xd1: {  	[tilespmem:s0+$0x6800] =	vst v6;
	v6 =	vshll.u32 v4, $0x10;
	v4 =	vand.u32 $0xFFFF0000, v4;
	v7 =	vld [tilespmem:s0+$0x3860]  }
0xd2: {  	[tilespmem:s0+$0x7800] =	vst v5;
	v9 =	vshll.u32 v3, $0x10;
	v10 =	vand.u32 $0xFFFF0000, v3  }
0xd3: {  	[tilespmem:s0+$0x6810] =	vst v6;
	v6 =	vshll.u32 v2, $0x10;
	v11 =	vand.u32 $0xFFFF0000, v2  }
0xd4: {  	[tilespmem:s0+$0x7810] =	vst v4;
	v12 =	vshll.u32 v1, $0x10;
	v5 =	vand.u32 $0xFFFF0000, v1  }
.Ltmp7:
0xd5: {  	[tilespmem:s0+$0x6820] =	vst v9;
	v4 =	vshll.u32 v8, $0x10;
	v3 =	vand.u32 $0xFFFF0000, v8;
	(pc) =	sbr.rel @p2 .LBB2_10-.Ltmp7, $4  }
0xd6: {  	[tilespmem:s0+$0x7820] =	vst v10;
	v2 =	vshll.u32 v7, $0x10;
	v1 =	vand.u32 $0xFFFF0000, v7  }
0xd7: {  	[tilespmem:s0+$0x6830] =	vst v6  }
0xd8: {  	[tilespmem:s0+$0x7830] =	vst v11  }
0xd9: {  	s1 =	sshra.s32 s12, $0x2;
	s12 =	sadd.s32 $0x200, s12;
	[tilespmem:s0+$0x6840] =	vst v12  }
0xda: {  	v6 =	vld [tilespmem:s1+$0x3870];
	[tilespmem:s0+$0x7840] =	vst v5  }
0xdb: {  	v5 =	vld [tilespmem:s1+$0x3800];
	[tilespmem:s0+$0x6850] =	vst v4  }
0xdc: {  	v4 =	vld [tilespmem:s1+$0x3810];
	[tilespmem:s0+$0x7850] =	vst v3  }
0xdd: {  	v3 =	vld [tilespmem:s1+$0x3820];
	[tilespmem:s0+$0x6860] =	vst v2  }
0xde: {  	v2 =	vld [tilespmem:s1+$0x3830];
	[tilespmem:s0+$0x7860] =	vst v1  }
0xdf: {  	v1 =	vld [tilespmem:s1+$0x3840];
	[tilespmem:s0+$0x6870] =	vst v0;
	v48 =	vand.u32 $0xFFFF0000, v6  }
0xe0: {  	v63 =	vshll.u32 v6, $0x10;
	[tilespmem:s1+$0x7870] =	vst v48  }
0xe1: {  	v8 =	vshll.u32 v5, $0x10;
	[tilespmem:s1+$0x6870] =	vst v63  }
0xe2: {  	v49 =	vand.u32 $0xFFFF0000, v5;
	[tilespmem:s1+$0x6800] =	vst v8  }
0xe3: {  	v51 =	vshll.u32 v4, $0x10;
	[tilespmem:s1+$0x7800] =	vst v49  }
0xe4: {  	v52 =	vand.u32 $0xFFFF0000, v4;
	[tilespmem:s1+$0x6810] =	vst v51  }
0xe5: {  	v53 =	vshll.u32 v3, $0x10;
	[tilespmem:s1+$0x7810] =	vst v52  }
0xe6: {  	v7 =	vld [tilespmem:s1+$0x3850];
	v54 =	vand.u32 $0xFFFF0000, v3;
	[tilespmem:s1+$0x6820] =	vst v53  }
0xe7: {  	v55 =	vshll.u32 v2, $0x10;
	[tilespmem:s1+$0x7820] =	vst v54  }
0xe8: {  	v50 =	vld [tilespmem:s1+$0x3860];
	v56 =	vand.u32 $0xFFFF0000, v2;
	[tilespmem:s1+$0x6830] =	vst v55  }
0xe9: {  	v57 =	vshll.u32 v1, $0x10;
	[tilespmem:s1+$0x7830] =	vst v56  }
0xea: {  	v58 =	vand.u32 $0xFFFF0000, v1;
	[tilespmem:s1+$0x6840] =	vst v57  }
0xeb: {  	v59 =	vshll.u32 v7, $0x10;
	[tilespmem:s1+$0x7840] =	vst v58  }
0xec: {  	v60 =	vand.u32 $0xFFFF0000, v7;
	[tilespmem:s1+$0x6850] =	vst v59  }
0xed: {  	v61 =	vshll.u32 v50, $0x10;
	[tilespmem:s1+$0x7850] =	vst v60  }
0xee: {  	v62 =	vand.u32 $0xFFFF0000, v50;
	[tilespmem:s1+$0x6860] =	vst v61  }
.Ltmp8:
0xef: {  	s31 =	simm.s32 $0x2700;
	[tilespmem:s1+$0x7860] =	vst v62;
	(pc) =	sbr.rel .LBB2_12-.Ltmp8, $4  }
0xf0: {  	[spmem:s2] =	stream.indirect.scatter.add.f32 [tilespmem:s25], [sflag:$0x5], $0x80, s31, s22, $0xb8;
	[tilespmem:$0x1C080] =	vst v63  }
0xf1: {  	_ =	swait.ge [sflag:s17], $0x2000  }
0xf2: {  	[sflag:s17] =	ssyncset.done $0x0  }
0xf3: {  	[sflag:s17] =	ssyncadd.s32 $0xFFFFE000  }
.LBB2_13:
0xf4: {  	_ =	sfence.sel $0x180000  }
0xf5: {  	[bflag:$0x0] =	sbarrier.arrive $0xFFFF  }
0xf6: {  	_ =	strace $0x90000047  }
0xf7: {  	s0 =	stileid.u32;
	[bflag:$0x2] =	sbarrier.arrive $0xFFFF  }
0xf8: {  	p0 =	sne.s32 s0, $0x0;
	s0 =	rddreg [dreg:$0x2]  }
0xf9: {  	s0 =	sadd.s32 @!p0 $0x100000, s0  }
0xfa: {  	[sflag:s0] =	ssyncadd.tile.s32 @!p0 $0x1;
	_ =	shalt  }
.Lfunc_end2:
_tile_overlayer_lowered:
.L_overlay_start_2:
0xfb: {  	(tag) =	ssettag $0x2  }
0xfc: {  	s0 =	rddreg [dreg:$0x0];
	s2 =	stileid.u32  }
0xfd: {  	s1 =	rddreg [dreg:$0x1];
	p0 =	sne.s32 s2, $0x0  }
0xfe: {  	s3 =	rddreg [dreg:$0x2];
	[bflag:$0x3] =	sbarrier.arrive $0xFFFF;
	s2 =	simm.s32 @!p0 $0x1C05  }
0xff: {  	[timem:s3], [sflag:s2] =	dma.local @!p0 [hbm:s0], s1  }
0x100: {  	s0 =	simm.s32 @!p0 $0x5  }
0x101: {  	_ =	swait.ge @!p0 [sflag:s0], s1  }
0x102: {  	s1 =	ssub.s32 @!p0 $0x0, s1;
	[sflag:s0] =	ssyncset.done @!p0 $0x0  }
0x103: {  	[sflag:s0] =	ssyncadd.s32 @!p0 s1  }
0x104: {  	[bflag:$0x3] =	sbarrier.arrive $0xFFFF  }
0x105: {  	_ =	shalt  }

// kernel: kernel.7.cloned.1.call-start
scs
__scs_entry_jumppad:
0x0: {  	(pc) =	sbr.rel $0x88, $3  }
0x1: {  	(tag) =	ssettag $0x0;
	lr =	simm.s32 $0x1  }
0x2: {  	[smem:$0x3F9D] =	sst lr;
	_ =	strace $0xD0000000  }
0x3: {  	_ = 	snop  }
0x4: {  	_ = 	snop  }
0x5: {  	_ = 	snop  }
0x6: {  	_ = 	snop  }
0x7: {  	_ = 	snop  }
__scs_overlays_trampoline_lowered:
0x8: {  	[smem:$0x3FAC] =	sst s0  }
0x9: {  	[smem:$0x3FAD] =	sst s1  }
0xa: {  	[smem:$0x3FAE] =	sst s2  }
0xb: {  	[smem:$0x3FAF] =	sst s3  }
0xc: {  	[smem:$0x3FB0] =	sst s4  }
0xd: {  	[smem:$0x3FB1] =	sst s5  }
0xe: {  	[smem:$0x3FB2] =	sst s6  }
0xf: {  	[smem:$0x3FB3] =	sst s7  }
0x10: {  	[smem:$0x3FB4] =	sst s8  }
0x11: {  	[smem:$0x3FB5] =	sst s9;
	s0 =	simm.s32 @!p0 $0x0  }
0x12: {  	s1 =	sld [smem:$0x3F9B];
	s0 =	simm.s32 @p0 $0x1  }
0x13: {  	[smem:$0x3FB6] =	sst s0;
	s0 =	simm.s32 @!p1 $0x0  }
0x14: {  	s2 =	sld [smem:$0x3F9A];
	s0 =	simm.s32 @p1 $0x1  }
0x15: {  	[smem:$0x3FB7] =	sst s0;
	s0 =	simm.s32 @!p2 $0x0  }
0x16: {  	s3 =	sld [smem:$0x3FDB];
	s0 =	simm.s32 @p2 $0x1  }
0x17: {  	s4 =	simm.s32 $0x1BF5;
	[smem:$0x3FB9] =	sst s0  }
0x18: {  	s0 =	sld [smem:$0x3F9C];
	_ =	swait.ge [sflag:s4], $0x0  }
0x19: {  	s7 =	sld [smem:$0x3F9D]  }
0x1a: {  	s8 =	sadd.s32 $0xFFFFE003, lr  }
0x1b: {  	s9 =	sadd.s32 $0xFFFFFEF7, lr;
	s5 =	simm.s32 $0xFFFFFFFF;
	p2 =	slt.u32 s8, $0xFFFFF086  }
0x1c: {  	p1 =	slt.u32 s9, $0xF7A;
	s5 =	simm.s32 @!p2 $0x0  }
0x1d: {  	s5 =	simm.s32 @p1 $0x1;
	p0 =	seq.s32 s7, s2  }
0x1e: {  	s7 =	smul.u32 @!p0 $0xF7A, s2;
	p2 =	seq.s32 @!p0 s5, $0x0  }
0x1f: {  	s9 =	smul.u32 $0xF7A, s1;
	s8 =	simm.s32 @!p0 $0x1BF5;
	p2 =	por !p2, p0  }
0x20: {  	[sflag:s8] =	ssyncset.s32 @!p0 $0xFFFFF086;
	s6 =	sadd.s32 @!p0 s3, s7;
	s7 =	simm.s32 @!p0 $0x108  }
0x21: {  	s3 =	sadd.s32 s3, s9;
	s6 =	sadd.s32 @!p0 $0x88, s6;
	s7 =	simm.s32 @p2 $0x1082  }
0x22: {  	[simem:s7], [sflag:s8] =	dma.local @!p0 [hbm:s6], $0xF7A  }
0x23: {  	s9 =	sor.u32 $0xD0000000, s2;
	s6 =	simm.s32 $0x108;
	_ =	swait.ge @!p0 [sflag:s8], $0x0  }
0x24: {  	s3 =	sadd.s32 $0x88, s3;
	s6 =	simm.s32 @!p1 $0x1082;
	[sflag:s4] =	ssyncset.s32 $0xFFFFF086  }
0x25: {  	[simem:s6], [sflag:s4] =	dma.local [hbm:s3], $0xF7A  }
0x26: {  	[smem:$0x3F9D] =	sst s1;
	(tag) =	ssettag s2;
	_ =	strace s9  }
0x27: {  	s1 =	sld [smem:$0x3FAD]  }
0x28: {  	s2 =	sld [smem:$0x3FAE]  }
0x29: {  	s4 =	sld [smem:$0x3FB0]  }
0x2a: {  	p0 =	seq.s32 s5, $0x0;
	s5 =	sld [smem:$0x3FB1]  }
0x2b: {  	s6 =	sld [smem:$0x3FB2]  }
0x2c: {  	s7 =	sld [smem:$0x3FB3]  }
0x2d: {  	s3 =	simm.s32 $0x108;
	s8 =	sld [smem:$0x3FB4]  }
0x2e: {  	s3 =	simm.s32 @!p0 $0x1082;
	s9 =	sld [smem:$0x3FB5]  }
0x2f: {  	lr =	sadd.s32 s0, s3;
	s0 =	sld [smem:$0x3FAC]  }
0x30: {  	s3 =	sld [smem:$0x3FAF]  }
0x31: {  	[smem:$0x3FB8] =	sst s10  }
0x32: {  	s10 =	sld [smem:$0x3FB6];
	_ =	sdelay $0x3  }
0x33: {  	p0 =	seq.s32 s10, $0x1;
	s10 =	sld [smem:$0x3FB8];
	_ =	sdelay $0x3  }
0x34: {  	[smem:$0x3FB8] =	sst s10  }
0x35: {  	s10 =	sld [smem:$0x3FB7];
	_ =	sdelay $0x3  }
0x36: {  	p1 =	seq.s32 s10, $0x1;
	s10 =	sld [smem:$0x3FB8];
	_ =	sdelay $0x3  }
0x37: {  	[smem:$0x3FB8] =	sst s10  }
0x38: {  	s10 =	sld [smem:$0x3FB9]  }
0x39: {  	_ = 	snop;
	(pc) =	sbr.ind lr, $3  }
0x3a: {  	_ = 	snop  }
0x3b: {  	_ = 	snop  }
0x3c: {  	p2 =	seq.s32 s10, $0x1;
	s10 =	sld [smem:$0x3FB8]  }
0x3d: {  	_ =	shalt  }
0x3e: {  	_ =	shalt  }
0x3f: {  	_ =	shalt  }
0x40: {  	_ =	shalt  }
0x41: {  	_ =	shalt  }
0x42: {  	_ =	shalt  }
0x43: {  	_ =	shalt  }
0x44: {  	_ =	shalt  }
0x45: {  	_ =	shalt  }
0x46: {  	_ =	shalt  }
0x47: {  	_ =	shalt  }
0x48: {  	_ =	shalt  }
0x49: {  	_ =	shalt  }
0x4a: {  	_ =	shalt  }
0x4b: {  	_ =	shalt  }
0x4c: {  	_ =	shalt  }
0x4d: {  	_ =	shalt  }
0x4e: {  	_ =	shalt  }
0x4f: {  	_ =	shalt  }
0x50: {  	_ =	shalt  }
0x51: {  	_ =	shalt  }
0x52: {  	_ =	shalt  }
0x53: {  	_ =	shalt  }
0x54: {  	_ =	shalt  }
0x55: {  	_ =	shalt  }
0x56: {  	_ =	shalt  }
0x57: {  	_ =	shalt  }
0x58: {  	_ =	shalt  }
0x59: {  	_ =	shalt  }
0x5a: {  	_ =	shalt  }
0x5b: {  	_ =	shalt  }
0x5c: {  	_ =	shalt  }
0x5d: {  	_ =	shalt  }
0x5e: {  	_ =	shalt  }
0x5f: {  	_ =	shalt  }
0x60: {  	_ =	shalt  }
0x61: {  	_ =	shalt  }
0x62: {  	_ =	shalt  }
0x63: {  	_ =	shalt  }
0x64: {  	_ =	shalt  }
0x65: {  	_ =	shalt  }
0x66: {  	_ =	shalt  }
0x67: {  	_ =	shalt  }
0x68: {  	_ =	shalt  }
0x69: {  	_ =	shalt  }
0x6a: {  	_ =	shalt  }
0x6b: {  	_ =	shalt  }
0x6c: {  	_ =	shalt  }
0x6d: {  	_ =	shalt  }
0x6e: {  	_ =	shalt  }
0x6f: {  	_ =	shalt  }
0x70: {  	_ =	shalt  }
0x71: {  	_ =	shalt  }
0x72: {  	_ =	shalt  }
0x73: {  	_ =	shalt  }
0x74: {  	_ =	shalt  }
0x75: {  	_ =	shalt  }
0x76: {  	_ =	shalt  }
0x77: {  	_ =	shalt  }
0x78: {  	_ =	shalt  }
0x79: {  	_ =	shalt  }
0x7a: {  	_ =	shalt  }
0x7b: {  	_ =	shalt  }
0x7c: {  	_ =	shalt  }
0x7d: {  	_ =	shalt  }
0x7e: {  	_ =	shalt  }
0x7f: {  	_ =	shalt  }
0x80: {  	_ =	shalt  }
0x81: {  	_ =	shalt  }
0x82: {  	_ =	shalt  }
0x83: {  	_ =	shalt  }
0x84: {  	_ =	shalt  }
0x85: {  	_ =	shalt  }
0x86: {  	_ =	shalt  }
0x87: {  	_ =	shalt  }
.Lfunc_end0:
.L_simem_size_0:
called_computation_lowered:
.L_overlay_start_0:
0x88: {  	s2 =	sld [smem:$0x3FD9]  }
0x89: {  	s3 =	sld [smem:$0x3FFE];
	_ =	sdelay $0x1  }
0x8a: {  	s1 =	srdreg.scid  }
0x8b: {  	s0 =	sand.u32 $0x1, s1  }
0x8c: {  	s17 =	sshll.u32 s0, $0xA;
	s2 =	sadd.s32 s3, s2  }
0x8d: {  	s2 =	sadd.s32 s2, s17  }
0x8e: {  	[smem:$0x3FC4] =	sst s2  }
0x8f: {  	_ = 	snop  }
0x90: {  	s18 =	sld [smem:$0x3FD0];
	(tm) =	ssettm $0x1  }
0x91: {  	s19 =	sld [smem:$0x3FFB];
	_ =	sdelay $0x3  }
0x92: {  	_ =	strace s19  }
0x93: {  	s2 =	sld [smem:$0x3FFC];
	_ =	sdelay $0x3  }
0x94: {  	_ =	strace s2  }
0x95: {  	s2 =	sld [smem:$0x3FFD];
	_ =	sdelay $0x3  }
0x96: {  	_ =	strace s2  }
0x97: {  	_ =	strace $0x8FFFFFFF  }
0x98: {  	s20 =	sld [smem:$0x3FDB];
	_ =	sdelay $0x1  }
0x99: {  	s4 =	simm.s32 $_scs_section_size  }
0x9a: {  	s5 =	simm.s32 $_size__tile_overlayer_lowered;
	s6 =	simm.s32 $_tile_overlayer_lowered  }
0x9b: {  	s7 =	simm.s32 $0x1BFF;
	s21 =	sshll.u32 s6, $0x1;
	s4 =	sadd.s32 s4, s20  }
0x9c: {  	s22 =	simm.s32 $0x0;
	s5 =	sshll.u32 s5, $0x1;
	s6 =	sadd.s32 s21, s4  }
0x9d: {  	[timem:s22], [sflag:s7] =	dma.local [hbm:s6], s5  }
0x9e: {  	_ =	swait.ge [sflag:s7], s5  }
0x9f: {  	s5 =	ssub.s32 $0x0, s5;
	[sflag:s7] =	ssyncset.done $0x0  }
0xa0: {  	[sflag:s7] =	ssyncadd.s32 s5;
	_ =	sdelay $0x1  }
0xa1: {  	s23 =	simm.s32 $0x1B8B  }
0xa2: {  	_ =	swait.ge [sflag:s23], $0x1  }
0xa3: {  	[sflag:s23] =	ssyncset.done $0x0  }
0xa4: {  	[sflag:s23] =	ssyncadd.s32 $0xFFFFFFFF  }
0xa5: {  	s5 =	sld [smem:$0x0]  }
0xa6: {  	s6 =	sand.u32 $0xFFFFFFFE, s1  }
0xa7: {  	p0 =	sne.s32 s1, s6  }
0xa8: {  	s6 =	sshll.u32 @p0 s6, $0xE  }
0xa9: {  	s6 =	sadd.s32 @p0 $0x11B8D, s6;
	s7 =	sshll.u32 @p0 s5, $0x11  }
0xaa: {  	s6 =	sor.u32 @p0 s7, s6  }
0xab: {  	[sflag:s6] =	ssyncadd.remote.s32 @p0 $0x1;
	_ =	sdelay $0x1  }
0xac: {  	s6 =	simm.s32 @p0 $0x1B8D  }
0xad: {  	_ =	swait.eq @p0 [sflag:s6], $0x1  }
0xae: {  	[sflag:s6] =	ssyncadd.s32 @p0 $0xFFFFFFFF  }
0xaf: {  	s7 =	sshll.u32 @!p0 s1, $0xE  }
0xb0: {  	s7 =	sor.u32 @!p0 $0x4000, s7;
	s6 =	simm.s32 @!p0 $0x1B8D  }
0xb1: {  	s5 =	sshll.u32 @!p0 s5, $0x11;
	s7 =	sadd.s32 @!p0 $0x11B8D, s7;
	_ =	swait.eq @!p0 [sflag:s6], $0x1  }
0xb2: {  	s5 =	sor.u32 @!p0 s5, s7;
	[sflag:s6] =	ssyncadd.s32 @!p0 $0xFFFFFFFF  }
0xb3: {  	s25 =	simm.s32 $0x1B8E;
	s24 =	sld [smem:$0x3FFE];
	[sflag:s5] =	ssyncadd.remote.s32 @!p0 $0x1  }
0xb4: {  	s26 =	simm.s32 $execute0_lowered;
	[smem:$0x3FD2] =	sst s25  }
0xb5: {  	s6 =	sshll.u32 s26, $0x1;
	_ =	strace $0x80000049;
	[dreg:$0x1] =	wrdreg $0xFFFFFFFF  }
0xb6: {  	s28 =	simm.s32 $_size_execute0_lowered;
	s4 =	sadd.s32 s4, s6;
	[dreg:$0x0] =	wrdreg $0x0  }
0xb7: {  	s6 =	sshll.u32 s28, $0x1;
	[dreg:$0x2] =	wrdreg s4  }
0xb8: {  	[dreg:$0x3] =	wrdreg s6  }
0xb9: {  	[dreg:$0x4] =	wrdreg $0xC0  }
0xba: {  	_ =	task [dreg:s22], $0x5FFFF  }
0xbb: {  	[dreg:$0x1] =	wrdreg $0xFFFFFFFF  }
0xbc: {  	[dreg:$0x0] =	wrdreg $0x60  }
0xbd: {  	[dreg:$0x2] =	wrdreg s24  }
0xbe: {  	[dreg:$0x3] =	wrdreg s18  }
0xbf: {  	[dreg:$0x4] =	wrdreg $0x88000  }
0xc0: {  	[dreg:$0x5] =	wrdreg $0x9  }
0xc1: {  	_ =	task.clear_ibuf [dreg:s22], $0x6FFFF;
	_ =	strace $0x90000049  }
0xc2: {  	s29 =	simm.s32 $0x9;
	_ =	strace $0x8000004B  }
0xc3: {  	_ =	swait.ge [sflag:s29], $0x1  }
0xc4: {  	[sflag:s29] =	ssyncadd.s32 $0xFFFFFFFF  }
0xc5: {  	_ =	strace $0x9000004B  }
0xc6: {  	_ =	sfence  }
0xc7: {  	s30 =	sld [smem:$0x0];
	_ =	sdelay $0x2  }
0xc8: {  	s31 =	sshll.u32 s1, $0xD;
	s1 =	sshrl.u32 s1, $0x2  }
0xc9: {  	s4 =	sand.u32 $0x4000, s31;
	s1 =	sadd.s32 s1, s30  }
0xca: {  	s0 =	sor.u32 s4, s0;
	s1 =	sshll.u32 s1, $0x11  }
0xcb: {  	s0 =	sor.u32 s1, s0  }
0xcc: {  	s0 =	sadd.s32 $0x8F2B, s0  }
0xcd: {  	[sflag:s0] =	ssyncadd.remote.s32 $0x1  }
0xce: {  	_ =	sfence.sel $0xFFFF  }
0xcf: {  	[dreg:$0x0] =	wrdreg $0xFFFFFFFF;
	(pc) =	sbr.abs _section_cstart, $3  }
0xd0: {  	[dreg:$0x1] =	wrdreg $0xFFFFFFFF  }
0xd1: {  	_ =	task.clear_ibuf [dreg:s22], $0x2FFFF;
	_ =	strace $0x9FFFFFFF  }
0xd2: {  	(tm) =	ssettm $0x7FFFFFFF  }
0xd3: {  	_ =	shalt  }
tec
execute0_lowered:
.L_overlay_start_1:
0x0: {  	(tag) =	ssettag $0x1  }
0x1: {  	s0 =	rddreg [dreg:$0x0]  }
0x2: {  	s2 =	rddreg [dreg:$0x1]  }
0x3: {  	s1 =	rddreg [dreg:$0x2];
	s4 =	srdreg.scid;
	s3 =	simm.s32 $0x0  }
0x4: {  	s19 =	stileid.u32;
	s20 =	simm.s32 $0x3800;
	s21 =	simm.s32 $0x1  }
0x5: {  	s28 =	simm.s32 $0x4;
	s30 =	simm.s32 $0x0;
	s8 =	sand.u32 $0x1, s4  }
0x6: {  	[smem:$0x7FF] =	sst s3;
	s5 =	sadd.s32 $0x148000, s0;
	s10 =	smul.u32 $0x4E000, s19  }
0x7: {  	s13 =	smul.u32 $0x2700, s19;
	s24 =	sshll.u32 s19, $0x6;
	s18 =	sadd.s32 $0x138000, s1  }
0x8: {  	p0 =	sne.s32 s19, $0xF;
	s4 =	sshll.u32 s8, $0x4;
	s14 =	smul.u32 $0x27100, s8  }
0x9: {  	_ =	strace $0x8000004A;
	s6 =	ssub.s32 $0x2, s8;
	s17 =	smul.u32 $0x138800, s8  }
0xa: {  	s18 =	sshrl.u32 @!p0 s18, $0x3;
	s12 =	sor.u32 s19, s4;
	s4 =	sadd.s32 $0x198A00, s0  }
0xb: {  	s9 =	sshrl.u32 s6, $0x1;
	s0 =	sadd.s32 $0x2D1200, s0;
	s23 =	sshrl.u32 s10, $0x2  }
0xc: {  	s7 =	smul.u32 $0x4E, s12;
	s15 =	ssub.s32 s6, s9;
	s22 =	smin.u32 s12, $0x4  }
0xd: {  	s16 =	sadd.s32 s23, s1;
	s25 =	smul.u32 $0x500, s12;
	s6 =	sor.u32 $0x1C05, s24  }
0xe: {  	s26 =	sadd.s32 s13, s14;
	s29 =	sshrl.u32 s17, $0x3;
	s17 =	simm.s32 $0x5  }
0xf: {  	s23 =	simm.s32 $0x4800;
	s24 =	simm.s32 $0x2;
	p1 =	sgt.u32 s12, $0x3  }
0x10: {  	s13 =	sadd.s32 s0, s26;
	s0 =	sadd.s32 s0, s29;
	s15 =	smax.u32 s15, $0x1  }
.Ltmp0:
0x11: {  	s16 =	sshrl.u32 s16, $0x3;
	s11 =	sadd.s32 s22, s7;
	(pc) =	sbr.rel .LBB2_1-.Ltmp0, $4  }
0x12: {  	s26 =	simm.s32 $0x3;
	s8 =	sadd.s32 s2, s25;
	s7 =	sshll.u32 s11, $0x9  }
0x13: {  	s14 =	sadd.s32 $0x27000, s0;
	s22 =	simm.s32 $0x40;
	s7 =	sadd.s32 s4, s7  }
0x14: {  	s25 =	simm.s32 $0x6800;
	s10 =	sadd.s32 $0x2, s11;
	s31 =	sadd.s32 $0x9C00, s7  }
0x15: {  	s11 =	sadd.s32 $0x3, s11;
	s9 =	sadd.s32 $0x200, s7;
	[dreg:$0x4] =	wrdreg s31  }
.LBB2_12:
0x16: {  	[bflag:$0x0] =	sbarrier.arrive $0xFFFF  }
0x17: {  	[hbm:s13], [sflag:s6] =	dma.local [spmem:s16], $0x2700  }
0x18: {  	s30 =	sadd.s32 $0x1, s30;
	_ =	swait.ge [sflag:s17], $0x2700  }
0x19: {  	p2 =	sne.s32 s30, s15;
	[sflag:s17] =	ssyncset.done $0x0  }
.Ltmp1:
0x1a: {  	s0 =	simm.s32 @!p0 $0x5;
	[sflag:s17] =	ssyncadd.s32 $0xFFFFD900;
	(pc) =	sbr.rel @!p2 .LBB2_13-.Ltmp1, $4  }
0x1b: {  	[hbm:s14], [sflag:s6] =	dma.local @!p0 [spmem:s18], $0x100  }
0x1c: {  	_ =	swait.ge @!p0 [sflag:s0], $0x100  }
0x1d: {  	[sflag:s0] =	ssyncset.done @!p0 $0x0  }
0x1e: {  	[sflag:s0] =	ssyncadd.s32 @!p0 $0xFFFFFF00  }
.LBB2_1:
0x1f: {  	[spmem:s16], [sflag:s6] =	dma.local [hbm:s5], $0x2700  }
0x20: {  	_ =	swait.ge [sflag:s17], $0x2700  }
0x21: {  	[sflag:s17] =	ssyncset.done $0x0  }
0x22: {  	s0 =	simm.s32 @!p0 $0x5;
	[sflag:s17] =	ssyncadd.s32 $0xFFFFD900  }
0x23: {  	[spmem:s18], [sflag:s6] =	dma.local @!p0 [hbm:s5], $0x100  }
0x24: {  	_ =	swait.ge @!p0 [sflag:s0], $0x100  }
0x25: {  	[sflag:s0] =	ssyncset.done @!p0 $0x0  }
0x26: {  	[sflag:s0] =	ssyncadd.s32 @!p0 $0xFFFFFF00  }
0x27: {  	[tilespmem:s3], [sflag:$0x5] =	stream.linear.gather [hbm4b:s8+s3], $0x2800, $0x38;
	[tilespmem:$0x1C080] =	vst v63  }
0x28: {  	_ =	swait.ge [sflag:s17], $0x2800  }
0x29: {  	[sflag:s17] =	ssyncset.done $0x0  }
0x2a: {  	[sflag:s17] =	ssyncadd.s32 $0xFFFFD800  }
0x2b: {  	s29 =	simm.s32 $0x2800;
	[bflag:$0x0] =	sbarrier.arrive $0xFFFF  }
0x2c: {  	[tilespmem:s29], [sflag:$0x1] =	stream.linear.gather [hbm4b:s7+s3], $0x1000, $0x38;
	[tilespmem:$0x1C080] =	vst v63  }
0x2d: {  	s31 =	simm.s32 $0x0  }
0x2e: {  	[tilespmem:s20], [sflag:$0x2] =	stream.linear.gather [hbm4b:s9+s3], $0x1000, $0x38;
	[tilespmem:$0x1C080] =	vst v63  }
.LBB2_2:
0x2f: {  	_ =	swait.ge [sflag:s21], $0x1000  }
0x30: {  	p3 =	seq.s32 s31, $0x0;
	[sflag:s21] =	ssyncset.done $0x0  }
0x31: {  	s0 =	simm.s32 @!p3 $0x3;
	[sflag:s21] =	ssyncadd.s32 $0xFFFFF000  }
0x32: {  	_ =	swait.ge @!p3 [sflag:s0], $0x2000  }
0x33: {  	[sflag:s0] =	ssyncset.done @!p3 $0x0  }
0x34: {  	s2 =	simm.s32 $0x0;
	[sflag:s0] =	ssyncadd.s32 @!p3 $0xFFFFE000  }
0x35: {  	v0 =	vld [tilespmem:s2+$0x2870]  }
0x36: {  	v1 =	vld [tilespmem:s2+$0x2800];
	_ =	sdelay $0x1  }
0x37: {  	v2 =	vld [tilespmem:s2+$0x2810]  }
0x38: {  	v5 =	vld [tilespmem:s2+$0x2840]  }
0x39: {  	v6 =	vand.u32 $0xFFFF0000, v0  }
0x3a: {  	v3 =	vld [tilespmem:s2+$0x2820];
	v8 =	vshll.u32 v1, $0x10;
	[tilespmem:s2+$0x5870] =	vst v6  }
0x3b: {  	v1 =	vand.u32 $0xFFFF0000, v1;
	[tilespmem:s2+$0x4800] =	vst v8  }
0x3c: {  	v4 =	vld [tilespmem:s2+$0x2830];
	v62 =	vshll.u32 v2, $0x10;
	[tilespmem:s2+$0x5800] =	vst v1  }
0x3d: {  	v7 =	vld [tilespmem:s2+$0x2850];
	v63 =	vshll.u32 v5, $0x10;
	[tilespmem:s2+$0x4810] =	vst v62  }
0x3e: {  	v6 =	vld [tilespmem:s2+$0x2860];
	v1 =	vand.u32 $0xFFFF0000, v2;
	[tilespmem:s2+$0x4840] =	vst v63  }
0x3f: {  	v2 =	vshll.u32 v3, $0x10;
	[tilespmem:s2+$0x5810] =	vst v1  }
0x40: {  	v1 =	vand.u32 $0xFFFF0000, v3;
	[tilespmem:s2+$0x4820] =	vst v2  }
0x41: {  	v0 =	vshll.u32 v0, $0x10;
	v2 =	vshll.u32 v4, $0x10;
	[tilespmem:s2+$0x5820] =	vst v1  }
0x42: {  	v5 =	vand.u32 $0xFFFF0000, v5;
	v3 =	vand.u32 $0xFFFF0000, v7;
	v1 =	vand.u32 $0xFFFF0000, v4;
	[tilespmem:s2+$0x4830] =	vst v2  }
0x43: {  	s29 =	simm.s32 $0x80;
	s19 =	simm.s32 $0x400;
	s0 =	sshll.u32 s31, $0x1;
	v4 =	vshll.u32 v7, $0x10;
	[tilespmem:s2+$0x5830] =	vst v1;
	v2 =	vshll.u32 v6, $0x10;
	v1 =	vand.u32 $0xFFFF0000, v6  }
.LBB2_3:
0x44: {  	p2 =	sne.s32 s19, $0x3E00;
	v6 =	vld [tilespmem:s29+$0x2870];
	[tilespmem:s2+$0x5840] =	vst v5  }
0x45: {  	v5 =	vld [tilespmem:s29+$0x2800];
	[tilespmem:s2+$0x4850] =	vst v4  }
0x46: {  	v4 =	vld [tilespmem:s29+$0x2810];
	[tilespmem:s2+$0x5850] =	vst v3  }
0x47: {  	v3 =	vld [tilespmem:s29+$0x2820];
	[tilespmem:s2+$0x4860] =	vst v2  }
0x48: {  	v2 =	vld [tilespmem:s29+$0x2830];
	[tilespmem:s2+$0x5860] =	vst v1  }
0x49: {  	v1 =	vld [tilespmem:s29+$0x2840];
	v7 =	vand.u32 $0xFFFF0000, v6;
	[tilespmem:s2+$0x4870] =	vst v0;
	v0 =	vshll.u32 v6, $0x10;
	s2 =	smov.u32 s29  }
0x4a: {  	v6 =	vshll.u32 v5, $0x10;
	v5 =	vand.u32 $0xFFFF0000, v5;
	v8 =	vld [tilespmem:s2+$0x2850];
	[tilespmem:s2+$0x5870] =	vst v7  }
0x4b: {  	[tilespmem:s2+$0x4800] =	vst v6;
	v6 =	vshll.u32 v4, $0x10;
	v4 =	vand.u32 $0xFFFF0000, v4;
	v7 =	vld [tilespmem:s2+$0x2860]  }
0x4c: {  	[tilespmem:s2+$0x5800] =	vst v5;
	v9 =	vshll.u32 v3, $0x10;
	v10 =	vand.u32 $0xFFFF0000, v3  }
0x4d: {  	[tilespmem:s2+$0x4810] =	vst v6;
	v6 =	vshll.u32 v2, $0x10;
	v11 =	vand.u32 $0xFFFF0000, v2  }
0x4e: {  	[tilespmem:s2+$0x5810] =	vst v4;
	v12 =	vshll.u32 v1, $0x10;
	v5 =	vand.u32 $0xFFFF0000, v1  }
.Ltmp2:
0x4f: {  	[tilespmem:s2+$0x4820] =	vst v9;
	v4 =	vshll.u32 v8, $0x10;
	v3 =	vand.u32 $0xFFFF0000, v8;
	(pc) =	sbr.rel @p2 .LBB2_3-.Ltmp2, $4  }
0x50: {  	[tilespmem:s2+$0x5820] =	vst v10;
	v2 =	vshll.u32 v7, $0x10;
	v1 =	vand.u32 $0xFFFF0000, v7  }
0x51: {  	[tilespmem:s2+$0x4830] =	vst v6  }
0x52: {  	[tilespmem:s2+$0x5830] =	vst v11  }
0x53: {  	s29 =	sshra.s32 s19, $0x2;
	s19 =	sadd.s32 $0x200, s19;
	[tilespmem:s2+$0x4840] =	vst v12  }
0x54: {  	v6 =	vld [tilespmem:s29+$0x2870];
	[tilespmem:s2+$0x5840] =	vst v5  }
0x55: {  	v5 =	vld [tilespmem:s29+$0x2800];
	[tilespmem:s2+$0x4850] =	vst v4  }
0x56: {  	v4 =	vld [tilespmem:s29+$0x2810];
	[tilespmem:s2+$0x5850] =	vst v3  }
0x57: {  	v3 =	vld [tilespmem:s29+$0x2820];
	[tilespmem:s2+$0x4860] =	vst v2  }
0x58: {  	v2 =	vld [tilespmem:s29+$0x2830];
	[tilespmem:s2+$0x5860] =	vst v1  }
0x59: {  	v1 =	vld [tilespmem:s29+$0x2840];
	[tilespmem:s2+$0x4870] =	vst v0;
	v0 =	vand.u32 $0xFFFF0000, v6  }
0x5a: {  	v8 =	vshll.u32 v5, $0x10;
	[tilespmem:s29+$0x5870] =	vst v0  }
0x5b: {  	v0 =	vand.u32 $0xFFFF0000, v5;
	[tilespmem:s29+$0x4800] =	vst v8  }
0x5c: {  	v60 =	vshll.u32 v4, $0x10;
	[tilespmem:s29+$0x5800] =	vst v0  }
0x5d: {  	v0 =	vand.u32 $0xFFFF0000, v4;
	[tilespmem:s29+$0x4810] =	vst v60  }
0x5e: {  	v4 =	vshll.u32 v3, $0x10;
	[tilespmem:s29+$0x5810] =	vst v0  }
0x5f: {  	v7 =	vld [tilespmem:s29+$0x2850];
	v0 =	vand.u32 $0xFFFF0000, v3;
	[tilespmem:s29+$0x4820] =	vst v4  }
0x60: {  	v3 =	vshll.u32 v2, $0x10;
	[tilespmem:s29+$0x5820] =	vst v0  }
0x61: {  	v5 =	vld [tilespmem:s29+$0x2860];
	v0 =	vand.u32 $0xFFFF0000, v2;
	[tilespmem:s29+$0x4830] =	vst v3  }
0x62: {  	v2 =	vshll.u32 v1, $0x10;
	[tilespmem:s29+$0x5830] =	vst v0  }
0x63: {  	v0 =	vand.u32 $0xFFFF0000, v1;
	[tilespmem:s29+$0x4840] =	vst v2  }
0x64: {  	v1 =	vshll.u32 v7, $0x10;
	[tilespmem:s29+$0x5840] =	vst v0  }
0x65: {  	p2 =	seq.s32 s31, $0x26;
	v0 =	vand.u32 $0xFFFF0000, v7;
	[tilespmem:s29+$0x4850] =	vst v1  }
0x66: {  	s2 =	sadd.s32 @!p2 s0, s10;
	v1 =	vshll.u32 v5, $0x10;
	[tilespmem:s29+$0x5850] =	vst v0  }
0x67: {  	s2 =	sshll.u32 @!p2 s2, $0x9;
	v0 =	vand.u32 $0xFFFF0000, v5;
	[tilespmem:s29+$0x4860] =	vst v1  }
0x68: {  	s2 =	sand.u32 @!p2 $0x1FFFFE00, s2;
	v1 =	vshll.u32 v6, $0x10;
	[tilespmem:s29+$0x5860] =	vst v0  }
0x69: {  	s12 =	simm.s32 @!p2 $0x0;
	s19 =	simm.s32 @!p2 $0x2800;
	s2 =	sadd.s32 @!p2 s4, s2;
	[tilespmem:s29+$0x4870] =	vst v1  }
0x6a: {  	[tilespmem:s19], [sflag:$0x1] =	stream.linear.gather @!p2 [hbm4b:s2+s12], $0x1000, $0x38;
	[tilespmem:$0x1C080] =	vst v63  }
0x6b: {  	s19 =	sshll.u32 s31, $0x8  }
0x6c: {  	s2 =	sand.u32 $0x3FFFFF00, s19  }
0x6d: {  	[spmem:s1] =	stream.indirect.scatter.add.f32 [tilespmem:s23], [sflag:$0x3], $0x80, s2, s22, $0xb8;
	[tilespmem:$0x1C080] =	vst v63  }
0x6e: {  	_ =	swait.ge [sflag:s24], $0x1000  }
0x6f: {  	[sflag:s24] =	ssyncset.done $0x0  }
0x70: {  	s12 =	simm.s32 @!p3 $0x4;
	[sflag:s24] =	ssyncadd.s32 $0xFFFFF000  }
0x71: {  	_ =	swait.ge @!p3 [sflag:s12], $0x2000  }
0x72: {  	[sflag:s12] =	ssyncset.done @!p3 $0x0  }
0x73: {  	s29 =	simm.s32 $0x0;
	[sflag:s12] =	ssyncadd.s32 @!p3 $0xFFFFE000  }
0x74: {  	v0 =	vld [tilespmem:s29+$0x3870]  }
0x75: {  	v1 =	vld [tilespmem:s29+$0x3800];
	_ =	sdelay $0x1  }
0x76: {  	v2 =	vld [tilespmem:s29+$0x3810]  }
0x77: {  	v5 =	vld [tilespmem:s29+$0x3840]  }
0x78: {  	v6 =	vand.u32 $0xFFFF0000, v0  }
0x79: {  	v3 =	vld [tilespmem:s29+$0x3820];
	v61 =	vshll.u32 v1, $0x10;
	[tilespmem:s29+$0x7870] =	vst v6  }
0x7a: {  	v1 =	vand.u32 $0xFFFF0000, v1;
	[tilespmem:s29+$0x6800] =	vst v61  }
0x7b: {  	v4 =	vld [tilespmem:s29+$0x3830];
	v62 =	vshll.u32 v2, $0x10;
	[tilespmem:s29+$0x7800] =	vst v1  }
0x7c: {  	v7 =	vld [tilespmem:s29+$0x3850];
	v63 =	vshll.u32 v5, $0x10;
	[tilespmem:s29+$0x6810] =	vst v62  }
0x7d: {  	v6 =	vld [tilespmem:s29+$0x3860];
	v1 =	vand.u32 $0xFFFF0000, v2;
	[tilespmem:s29+$0x6840] =	vst v63  }
0x7e: {  	v2 =	vshll.u32 v3, $0x10;
	[tilespmem:s29+$0x7810] =	vst v1  }
0x7f: {  	v1 =	vand.u32 $0xFFFF0000, v3;
	[tilespmem:s29+$0x6820] =	vst v2  }
0x80: {  	v0 =	vshll.u32 v0, $0x10;
	v2 =	vshll.u32 v4, $0x10;
	[tilespmem:s29+$0x7820] =	vst v1  }
0x81: {  	v5 =	vand.u32 $0xFFFF0000, v5;
	v3 =	vand.u32 $0xFFFF0000, v7;
	v1 =	vand.u32 $0xFFFF0000, v4;
	[tilespmem:s29+$0x6830] =	vst v2  }
0x82: {  	s19 =	simm.s32 $0x80;
	s12 =	simm.s32 $0x400;
	v4 =	vshll.u32 v7, $0x10;
	[tilespmem:s29+$0x7830] =	vst v1;
	v2 =	vshll.u32 v6, $0x10;
	v1 =	vand.u32 $0xFFFF0000, v6  }
.LBB2_5:
0x83: {  	p3 =	sne.s32 s12, $0x3E00;
	v6 =	vld [tilespmem:s19+$0x3870];
	[tilespmem:s29+$0x7840] =	vst v5  }
0x84: {  	v5 =	vld [tilespmem:s19+$0x3800];
	[tilespmem:s29+$0x6850] =	vst v4  }
0x85: {  	v4 =	vld [tilespmem:s19+$0x3810];
	[tilespmem:s29+$0x7850] =	vst v3  }
0x86: {  	v3 =	vld [tilespmem:s19+$0x3820];
	[tilespmem:s29+$0x6860] =	vst v2  }
0x87: {  	v2 =	vld [tilespmem:s19+$0x3830];
	[tilespmem:s29+$0x7860] =	vst v1  }
0x88: {  	v1 =	vld [tilespmem:s19+$0x3840];
	v7 =	vand.u32 $0xFFFF0000, v6;
	[tilespmem:s29+$0x6870] =	vst v0;
	v0 =	vshll.u32 v6, $0x10;
	s29 =	smov.u32 s19  }
0x89: {  	v6 =	vshll.u32 v5, $0x10;
	v5 =	vand.u32 $0xFFFF0000, v5;
	v8 =	vld [tilespmem:s29+$0x3850];
	[tilespmem:s29+$0x7870] =	vst v7  }
0x8a: {  	[tilespmem:s29+$0x6800] =	vst v6;
	v6 =	vshll.u32 v4, $0x10;
	v4 =	vand.u32 $0xFFFF0000, v4;
	v7 =	vld [tilespmem:s29+$0x3860]  }
0x8b: {  	[tilespmem:s29+$0x7800] =	vst v5;
	v9 =	vshll.u32 v3, $0x10;
	v10 =	vand.u32 $0xFFFF0000, v3  }
0x8c: {  	[tilespmem:s29+$0x6810] =	vst v6;
	v6 =	vshll.u32 v2, $0x10;
	v11 =	vand.u32 $0xFFFF0000, v2  }
0x8d: {  	[tilespmem:s29+$0x7810] =	vst v4;
	v12 =	vshll.u32 v1, $0x10;
	v5 =	vand.u32 $0xFFFF0000, v1  }
.Ltmp3:
0x8e: {  	[tilespmem:s29+$0x6820] =	vst v9;
	v4 =	vshll.u32 v8, $0x10;
	v3 =	vand.u32 $0xFFFF0000, v8;
	(pc) =	sbr.rel @p3 .LBB2_5-.Ltmp3, $4  }
0x8f: {  	[tilespmem:s29+$0x7820] =	vst v10;
	v2 =	vshll.u32 v7, $0x10;
	v1 =	vand.u32 $0xFFFF0000, v7  }
0x90: {  	[tilespmem:s29+$0x6830] =	vst v6  }
0x91: {  	[tilespmem:s29+$0x7830] =	vst v11  }
0x92: {  	s19 =	sshra.s32 s12, $0x2;
	s12 =	sadd.s32 $0x200, s12;
	[tilespmem:s29+$0x6840] =	vst v12  }
0x93: {  	v6 =	vld [tilespmem:s19+$0x3870];
	[tilespmem:s29+$0x7840] =	vst v5  }
0x94: {  	v5 =	vld [tilespmem:s19+$0x3800];
	[tilespmem:s29+$0x6850] =	vst v4  }
0x95: {  	v4 =	vld [tilespmem:s19+$0x3810];
	[tilespmem:s29+$0x7850] =	vst v3  }
0x96: {  	v3 =	vld [tilespmem:s19+$0x3820];
	[tilespmem:s29+$0x6860] =	vst v2  }
0x97: {  	v2 =	vld [tilespmem:s19+$0x3830];
	[tilespmem:s29+$0x7860] =	vst v1  }
0x98: {  	v1 =	vld [tilespmem:s19+$0x3840];
	[tilespmem:s29+$0x6870] =	vst v0;
	v48 =	vand.u32 $0xFFFF0000, v6  }
0x99: {  	v63 =	vshll.u32 v6, $0x10;
	[tilespmem:s19+$0x7870] =	vst v48  }
0x9a: {  	v8 =	vshll.u32 v5, $0x10;
	[tilespmem:s19+$0x6870] =	vst v63  }
0x9b: {  	v49 =	vand.u32 $0xFFFF0000, v5;
	[tilespmem:s19+$0x6800] =	vst v8  }
0x9c: {  	v51 =	vshll.u32 v4, $0x10;
	[tilespmem:s19+$0x7800] =	vst v49  }
0x9d: {  	v52 =	vand.u32 $0xFFFF0000, v4;
	[tilespmem:s19+$0x6810] =	vst v51  }
0x9e: {  	v53 =	vshll.u32 v3, $0x10;
	[tilespmem:s19+$0x7810] =	vst v52  }
0x9f: {  	v7 =	vld [tilespmem:s19+$0x3850];
	v54 =	vand.u32 $0xFFFF0000, v3;
	[tilespmem:s19+$0x6820] =	vst v53  }
0xa0: {  	v55 =	vshll.u32 v2, $0x10;
	[tilespmem:s19+$0x7820] =	vst v54  }
0xa1: {  	v50 =	vld [tilespmem:s19+$0x3860];
	v56 =	vand.u32 $0xFFFF0000, v2;
	[tilespmem:s19+$0x6830] =	vst v55  }
0xa2: {  	v57 =	vshll.u32 v1, $0x10;
	[tilespmem:s19+$0x7830] =	vst v56  }
0xa3: {  	v58 =	vand.u32 $0xFFFF0000, v1;
	[tilespmem:s19+$0x6840] =	vst v57  }
.Ltmp4:
0xa4: {  	v59 =	vshll.u32 v7, $0x10;
	[tilespmem:s19+$0x7840] =	vst v58;
	(pc) =	sbr.rel @p2 .LBB2_8-.Ltmp4, $4  }
0xa5: {  	v60 =	vand.u32 $0xFFFF0000, v7;
	[tilespmem:s19+$0x6850] =	vst v59  }
0xa6: {  	v61 =	vshll.u32 v50, $0x10;
	[tilespmem:s19+$0x7850] =	vst v60  }
0xa7: {  	v62 =	vand.u32 $0xFFFF0000, v50;
	[tilespmem:s19+$0x6860] =	vst v61  }
0xa8: {  	s2 =	sadd.s32 $0x80, s2;
	[tilespmem:s19+$0x7860] =	vst v62  }
0xa9: {  	s0 =	sadd.s32 s0, s11  }
0xaa: {  	s0 =	sshll.u32 s0, $0x9  }
.Ltmp5:
0xab: {  	s0 =	sand.u32 $0x1FFFFE00, s0;
	(pc) =	sbr.rel .LBB2_2-.Ltmp5, $4  }
0xac: {  	s0 =	sadd.s32 s4, s0  }
0xad: {  	[tilespmem:s20], [sflag:$0x2] =	stream.linear.gather [hbm4b:s0+s3], $0x1000, $0x38;
	[tilespmem:$0x1C080] =	vst v63  }
0xae: {  	s31 =	sadd.s32 $0x1, s31  }
0xaf: {  	[spmem:s1] =	stream.indirect.scatter.add.f32 [tilespmem:s25], [sflag:$0x4], $0x80, s2, s22, $0xb8;
	[tilespmem:$0x1C080] =	vst v63  }
.LBB2_8:
0xb0: {  	[spmem:s1] =	stream.indirect.scatter.add.f32 [tilespmem:s25], [sflag:$0x4], $0x80, s2, s22, $0xb8;
	[tilespmem:$0x1C080] =	vst v63  }
0xb1: {  	_ =	swait.ge [sflag:s26], $0x2000  }
.Ltmp6:
0xb2: {  	[sflag:s26] =	ssyncset.done $0x0;
	(pc) =	sbr.rel @p1 .LBB2_12-.Ltmp6, $4  }
0xb3: {  	[sflag:s26] =	ssyncadd.s32 $0xFFFFE000  }
0xb4: {  	_ =	swait.ge [sflag:s28], $0x2000  }
0xb5: {  	[sflag:s28] =	ssyncset.done $0x0  }
0xb6: {  	[sflag:s28] =	ssyncadd.s32 $0xFFFFE000  }
0xb7: {  	s0 =	simm.s32 $0x0;
	s2 =	rddreg [dreg:$0x4]  }
0xb8: {  	[tilespmem:s20], [sflag:$0x5] =	stream.linear.gather [hbm4b:s2+s0], $0x1000, $0x38;
	[tilespmem:$0x1C080] =	vst v63  }
0xb9: {  	_ =	swait.ge [sflag:s17], $0x1000  }
0xba: {  	[sflag:s17] =	ssyncset.done $0x0  }
0xbb: {  	s0 =	simm.s32 $0x0;
	[sflag:s17] =	ssyncadd.s32 $0xFFFFF000  }
0xbc: {  	v0 =	vld [tilespmem:s0+$0x3870]  }
0xbd: {  	v1 =	vld [tilespmem:s0+$0x3800];
	_ =	sdelay $0x1  }
0xbe: {  	v2 =	vld [tilespmem:s0+$0x3810]  }
0xbf: {  	v5 =	vld [tilespmem:s0+$0x3840]  }
0xc0: {  	v6 =	vand.u32 $0xFFFF0000, v0  }
0xc1: {  	v3 =	vld [tilespmem:s0+$0x3820];
	v8 =	vshll.u32 v1, $0x10;
	[tilespmem:s0+$0x7870] =	vst v6  }
0xc2: {  	v1 =	vand.u32 $0xFFFF0000, v1;
	[tilespmem:s0+$0x6800] =	vst v8  }
0xc3: {  	v4 =	vld [tilespmem:s0+$0x3830];
	v62 =	vshll.u32 v2, $0x10;
	[tilespmem:s0+$0x7800] =	vst v1  }
0xc4: {  	v7 =	vld [tilespmem:s0+$0x3850];
	v63 =	vshll.u32 v5, $0x10;
	[tilespmem:s0+$0x6810] =	vst v62  }
0xc5: {  	v6 =	vld [tilespmem:s0+$0x3860];
	v1 =	vand.u32 $0xFFFF0000, v2;
	[tilespmem:s0+$0x6840] =	vst v63  }
0xc6: {  	v2 =	vshll.u32 v3, $0x10;
	[tilespmem:s0+$0x7810] =	vst v1  }
0xc7: {  	v1 =	vand.u32 $0xFFFF0000, v3;
	[tilespmem:s0+$0x6820] =	vst v2  }
0xc8: {  	v0 =	vshll.u32 v0, $0x10;
	v2 =	vshll.u32 v4, $0x10;
	[tilespmem:s0+$0x7820] =	vst v1  }
0xc9: {  	v5 =	vand.u32 $0xFFFF0000, v5;
	v3 =	vand.u32 $0xFFFF0000, v7;
	v1 =	vand.u32 $0xFFFF0000, v4;
	[tilespmem:s0+$0x6830] =	vst v2  }
0xca: {  	s12 =	simm.s32 $0x400;
	s2 =	simm.s32 $0x80;
	v4 =	vshll.u32 v7, $0x10;
	[tilespmem:s0+$0x7830] =	vst v1;
	v2 =	vshll.u32 v6, $0x10;
	v1 =	vand.u32 $0xFFFF0000, v6  }
.LBB2_10:
0xcb: {  	p2 =	sne.s32 s12, $0x3E00;
	v6 =	vld [tilespmem:s2+$0x3870];
	[tilespmem:s0+$0x7840] =	vst v5  }
0xcc: {  	v5 =	vld [tilespmem:s2+$0x3800];
	[tilespmem:s0+$0x6850] =	vst v4  }
0xcd: {  	v4 =	vld [tilespmem:s2+$0x3810];
	[tilespmem:s0+$0x7850] =	vst v3  }
0xce: {  	v3 =	vld [tilespmem:s2+$0x3820];
	[tilespmem:s0+$0x6860] =	vst v2  }
0xcf: {  	v2 =	vld [tilespmem:s2+$0x3830];
	[tilespmem:s0+$0x7860] =	vst v1  }
0xd0: {  	v1 =	vld [tilespmem:s2+$0x3840];
	v7 =	vand.u32 $0xFFFF0000, v6;
	[tilespmem:s0+$0x6870] =	vst v0;
	v0 =	vshll.u32 v6, $0x10;
	s0 =	smov.u32 s2  }
0xd1: {  	v6 =	vshll.u32 v5, $0x10;
	v5 =	vand.u32 $0xFFFF0000, v5;
	v8 =	vld [tilespmem:s0+$0x3850];
	[tilespmem:s0+$0x7870] =	vst v7  }
0xd2: {  	[tilespmem:s0+$0x6800] =	vst v6;
	v6 =	vshll.u32 v4, $0x10;
	v4 =	vand.u32 $0xFFFF0000, v4;
	v7 =	vld [tilespmem:s0+$0x3860]  }
0xd3: {  	[tilespmem:s0+$0x7800] =	vst v5;
	v9 =	vshll.u32 v3, $0x10;
	v10 =	vand.u32 $0xFFFF0000, v3  }
0xd4: {  	[tilespmem:s0+$0x6810] =	vst v6;
	v6 =	vshll.u32 v2, $0x10;
	v11 =	vand.u32 $0xFFFF0000, v2  }
0xd5: {  	[tilespmem:s0+$0x7810] =	vst v4;
	v12 =	vshll.u32 v1, $0x10;
	v5 =	vand.u32 $0xFFFF0000, v1  }
.Ltmp7:
0xd6: {  	[tilespmem:s0+$0x6820] =	vst v9;
	v4 =	vshll.u32 v8, $0x10;
	v3 =	vand.u32 $0xFFFF0000, v8;
	(pc) =	sbr.rel @p2 .LBB2_10-.Ltmp7, $4  }
0xd7: {  	[tilespmem:s0+$0x7820] =	vst v10;
	v2 =	vshll.u32 v7, $0x10;
	v1 =	vand.u32 $0xFFFF0000, v7  }
0xd8: {  	[tilespmem:s0+$0x6830] =	vst v6  }
0xd9: {  	[tilespmem:s0+$0x7830] =	vst v11  }
0xda: {  	s2 =	sshra.s32 s12, $0x2;
	s12 =	sadd.s32 $0x200, s12;
	[tilespmem:s0+$0x6840] =	vst v12  }
0xdb: {  	v6 =	vld [tilespmem:s2+$0x3870];
	[tilespmem:s0+$0x7840] =	vst v5  }
0xdc: {  	v5 =	vld [tilespmem:s2+$0x3800];
	[tilespmem:s0+$0x6850] =	vst v4  }
0xdd: {  	v4 =	vld [tilespmem:s2+$0x3810];
	[tilespmem:s0+$0x7850] =	vst v3  }
0xde: {  	v3 =	vld [tilespmem:s2+$0x3820];
	[tilespmem:s0+$0x6860] =	vst v2  }
0xdf: {  	v2 =	vld [tilespmem:s2+$0x3830];
	[tilespmem:s0+$0x7860] =	vst v1  }
0xe0: {  	v1 =	vld [tilespmem:s2+$0x3840];
	[tilespmem:s0+$0x6870] =	vst v0;
	v48 =	vand.u32 $0xFFFF0000, v6  }
0xe1: {  	v63 =	vshll.u32 v6, $0x10;
	[tilespmem:s2+$0x7870] =	vst v48  }
0xe2: {  	v8 =	vshll.u32 v5, $0x10;
	[tilespmem:s2+$0x6870] =	vst v63  }
0xe3: {  	v49 =	vand.u32 $0xFFFF0000, v5;
	[tilespmem:s2+$0x6800] =	vst v8  }
0xe4: {  	v51 =	vshll.u32 v4, $0x10;
	[tilespmem:s2+$0x7800] =	vst v49  }
0xe5: {  	v52 =	vand.u32 $0xFFFF0000, v4;
	[tilespmem:s2+$0x6810] =	vst v51  }
0xe6: {  	v53 =	vshll.u32 v3, $0x10;
	[tilespmem:s2+$0x7810] =	vst v52  }
0xe7: {  	v7 =	vld [tilespmem:s2+$0x3850];
	v54 =	vand.u32 $0xFFFF0000, v3;
	[tilespmem:s2+$0x6820] =	vst v53  }
0xe8: {  	v55 =	vshll.u32 v2, $0x10;
	[tilespmem:s2+$0x7820] =	vst v54  }
0xe9: {  	v50 =	vld [tilespmem:s2+$0x3860];
	v56 =	vand.u32 $0xFFFF0000, v2;
	[tilespmem:s2+$0x6830] =	vst v55  }
0xea: {  	v57 =	vshll.u32 v1, $0x10;
	[tilespmem:s2+$0x7830] =	vst v56  }
0xeb: {  	v58 =	vand.u32 $0xFFFF0000, v1;
	[tilespmem:s2+$0x6840] =	vst v57  }
0xec: {  	v59 =	vshll.u32 v7, $0x10;
	[tilespmem:s2+$0x7840] =	vst v58  }
0xed: {  	v60 =	vand.u32 $0xFFFF0000, v7;
	[tilespmem:s2+$0x6850] =	vst v59  }
0xee: {  	v61 =	vshll.u32 v50, $0x10;
	[tilespmem:s2+$0x7850] =	vst v60  }
0xef: {  	v62 =	vand.u32 $0xFFFF0000, v50;
	[tilespmem:s2+$0x6860] =	vst v61  }
.Ltmp8:
0xf0: {  	s31 =	simm.s32 $0x2700;
	[tilespmem:s2+$0x7860] =	vst v62;
	(pc) =	sbr.rel .LBB2_12-.Ltmp8, $4  }
0xf1: {  	[spmem:s1] =	stream.indirect.scatter.add.f32 [tilespmem:s25], [sflag:$0x5], $0x80, s31, s22, $0xb8;
	[tilespmem:$0x1C080] =	vst v63  }
0xf2: {  	_ =	swait.ge [sflag:s17], $0x2000  }
0xf3: {  	[sflag:s17] =	ssyncset.done $0x0  }
0xf4: {  	[sflag:s17] =	ssyncadd.s32 $0xFFFFE000  }
.LBB2_13:
0xf5: {  	_ =	sfence.sel $0x180000  }
0xf6: {  	[bflag:$0x0] =	sbarrier.arrive $0xFFFF  }
0xf7: {  	_ =	strace $0x9000004A  }
0xf8: {  	s0 =	stileid.u32;
	[bflag:$0x2] =	sbarrier.arrive $0xFFFF  }
0xf9: {  	p0 =	sne.s32 s0, $0x0;
	s0 =	rddreg [dreg:$0x3]  }
0xfa: {  	s0 =	sadd.s32 @!p0 $0x100000, s0  }
0xfb: {  	[sflag:s0] =	ssyncadd.tile.s32 @!p0 $0x1;
	_ =	shalt  }
.Lfunc_end2:
_tile_overlayer_lowered:
.L_overlay_start_2:
0xfc: {  	(tag) =	ssettag $0x2  }
0xfd: {  	s0 =	rddreg [dreg:$0x0];
	s2 =	stileid.u32  }
0xfe: {  	s1 =	rddreg [dreg:$0x1];
	p0 =	sne.s32 s2, $0x0  }
0xff: {  	s3 =	rddreg [dreg:$0x2];
	[bflag:$0x3] =	sbarrier.arrive $0xFFFF;
	s2 =	simm.s32 @!p0 $0x1C05  }
0x100: {  	[timem:s3], [sflag:s2] =	dma.local @!p0 [hbm:s0], s1  }
0x101: {  	s0 =	simm.s32 @!p0 $0x5  }
0x102: {  	_ =	swait.ge @!p0 [sflag:s0], s1  }
0x103: {  	s1 =	ssub.s32 @!p0 $0x0, s1;
	[sflag:s0] =	ssyncset.done @!p0 $0x0  }
0x104: {  	[sflag:s0] =	ssyncadd.s32 @!p0 s1  }
0x105: {  	[bflag:$0x3] =	sbarrier.arrive $0xFFFF  }
0x106: {  	_ =	shalt  }

</sc_bundles>
